<compile_context>
chip_gen: v7x
topology: tpu7x:2x2x1
jax: 0.10.2.dev20260603
libtpu: 0.0.44.dev20260713+nightly
codegen_flags: <defaults>
</compile_context>

<pallas_src>
import jax
import jax.numpy as jnp
from jax import lax
from jax.experimental import pallas as pl
from jax.experimental.pallas import tpu as pltpu
from jax.experimental.pallas import tpu_sc as plsc

N = 2048
Z = 1024
H = 2048
E = 16
W = 4
R = 8
EW = E * W
EWR = EW * R
CAND = 8
K = 2
TOK = 512
GRID = N // TOK

_NEG = float(jnp.finfo(jnp.float32).min)


def _silu(x):
    return x / (1.0 + jnp.exp(-x))


def _nt(a, b):
    return lax.dot_general(a, b, (((1,), (1,)), ((), ())),
                           preferred_element_type=jnp.float32)


def _nn(a, b):
    return lax.dot_general(a, b, (((1,), (0,)), ((), ())),
                           preferred_element_type=jnp.float32)


def _k1a_body(fparams, iparams, z_ref, protos_ref, ebias_ref,
              probs_ref, cand_ref, hist_ref, meta_ref):
    inv_tau = fparams[0]
    eps = fparams[1]
    k_eff = iparams[0]

    zt = z_ref[...]
    logits = _nt(zt, protos_ref[...]) * inv_tau + ebias_ref[...]
    mx = jnp.max(logits, axis=1, keepdims=True)
    ex = jnp.exp(logits - mx)
    probs = ex / jnp.sum(ex, axis=1, keepdims=True)
    probs = jnp.where(eps > 0.0, (1.0 - eps) * probs + eps / E, probs)
    probs_ref[...] = probs

    col16 = lax.broadcasted_iota(jnp.int32, (N, E), 1)
    col8 = lax.broadcasted_iota(jnp.int32, (N, CAND), 1)
    bits = lax.bitcast_convert_type(probs, jnp.int32)
    key = (bits & ~0xF) | (15 - col16)
    cand = jnp.zeros((N, CAND), jnp.int32)
    top2 = []
    for j in range(CAND):
        mx = jnp.max(key, axis=1, keepdims=True)
        idx = 15 - (mx & 15)
        cand = cand + idx * (col8 == j).astype(jnp.int32)
        key = jnp.where(key == mx, -1, key)
        if j < K:
            top2.append(idx)

    cand_ref[...] = cand

    counts = jnp.zeros((1, E), jnp.int32)
    for j in range(K):
        onehot = (top2[j] == col16).astype(jnp.int32)
        wj = jnp.where(k_eff > j, 1, 0).astype(jnp.int32)
        counts = counts + jnp.sum(onehot, axis=0, keepdims=True) * wj
    hist_ref[...] = counts

    cap_limit = iparams[1]
    m16 = lax.broadcasted_iota(jnp.int32, (1, E), 1)
    meta_ref[...] = (jnp.where(m16 == 0, k_eff, 0)
                     + jnp.where(m16 == 1, cap_limit, 0))


def _run_k1a(fparams, iparams, z, protos, ebias):
    out_shapes = [
        jax.ShapeDtypeStruct((N, E), jnp.float32),
        jax.ShapeDtypeStruct((N, CAND), jnp.int32),
        jax.ShapeDtypeStruct((1, E), jnp.int32),
        jax.ShapeDtypeStruct((1, E), jnp.int32),
    ]
    in_specs = [
        pl.BlockSpec(memory_space=pltpu.SMEM),
        pl.BlockSpec(memory_space=pltpu.SMEM),
        pl.BlockSpec((N, Z), lambda: (0, 0)),
        pl.BlockSpec((E, Z), lambda: (0, 0)),
        pl.BlockSpec((1, E), lambda: (0, 0)),
    ]
    out_specs = [
        pl.BlockSpec((N, E), lambda: (0, 0)),
        pl.BlockSpec((N, CAND), lambda: (0, 0)),
        pl.BlockSpec((1, E), lambda: (0, 0)),
        pl.BlockSpec((1, E), lambda: (0, 0)),
    ]
    return pl.pallas_call(
        _k1a_body,
        in_specs=in_specs,
        out_specs=out_specs,
        out_shape=out_shapes,
    )(fparams, iparams, z, protos, ebias)


def _k1b_body(z_ref, fc1_ref, b1_ref, a1_ref, keys_ref,
              hpre_ref, t1_ref, alog_ref):
    zt = z_ref[...]
    hpre = _silu(_nt(zt, fc1_ref[...]) + b1_ref[...])
    hpre_ref[...] = hpre.astype(jnp.bfloat16)
    t1_ref[...] = _nt(zt, a1_ref[...]).astype(jnp.bfloat16)
    alog_ref[...] = _nt(zt, keys_ref[...])


def _run_k1b(z, fc1_w, fc1_b, a1_mat, keys_mat):
    def cidx(i):
        return (0, 0)

    def tidx(i):
        return (i, 0)

    out_shapes = [
        jax.ShapeDtypeStruct((N, H), jnp.bfloat16),
        jax.ShapeDtypeStruct((N, EWR), jnp.bfloat16),
        jax.ShapeDtypeStruct((N, EW), jnp.float32),
    ]
    in_specs = [
        pl.BlockSpec((TOK, Z), tidx),
        pl.BlockSpec((H, Z), cidx),
        pl.BlockSpec((1, H), cidx),
        pl.BlockSpec((EWR, Z), cidx),
        pl.BlockSpec((EW, Z), cidx),
    ]
    out_specs = [
        pl.BlockSpec((TOK, H), tidx),
        pl.BlockSpec((TOK, EWR), tidx),
        pl.BlockSpec((TOK, EW), tidx),
    ]
    return pl.pallas_call(
        _k1b_body,
        grid=(GRID,),
        in_specs=in_specs,
        out_specs=out_specs,
        out_shape=out_shapes,
    )(z, fc1_w, fc1_b, a1_mat, keys_mat)


_NW = 32
_CTOK = 256
_NCH = N // _CTOK
_CROW_IN = _CTOK // 2
_CROW_OUT = _CTOK // 8
_FTOK = N // _NW
_FROW_IN = _FTOK // 2
_FROW_OUT = _FTOK // 8


def _sc_route_body(cand_hbm, params_hbm, hist_hbm, out_hbm,
                   cand_v, params_v, hist_v, asg_v, cap_v, sem0, sem1, sem2):
    cid = lax.axis_index("c")
    sid = lax.axis_index("s")
    wid = sid * 2 + cid

    cp0 = pltpu.make_async_copy(params_hbm, params_v, sem0)
    cp1 = pltpu.make_async_copy(hist_hbm, hist_v, sem1)
    cp2 = pltpu.make_async_copy(cand_hbm.at[pl.ds(wid * _FROW_IN, _FROW_IN)],
                                cand_v.at[pl.ds(0, _FROW_IN)], sem2)
    cp0.start()
    cp1.start()
    cp2.start()
    cp0.wait()
    cp1.wait()
    cp2.wait()
    pv = params_v[...]
    k_eff = pv[0]
    cap_limit = pv[1]
    cond = jnp.max(hist_v[...]) <= cap_limit
    lanes = lax.iota(jnp.int32, 16)

    @pl.when(cond)
    def _fast():
        l4 = lanes // 4
        i1pat = 8 * ((lanes // 2) % 2) + (lanes % 2)
        keepm = (lanes % 2) < k_eff
        for r in range(_FROW_OUT):
            vals = plsc.load_gather(cand_v, [4 * r + l4, i1pat])
            asg_v[r] = jnp.where(keepm, vals, -1)
        pltpu.sync_copy(asg_v.at[pl.ds(0, _FROW_OUT)],
                        out_hbm.at[pl.ds(wid * _FROW_OUT, _FROW_OUT)])

    @pl.when(jnp.logical_not(cond) & (wid == 0))
    def _slow():
        cap_v[...] = jnp.zeros((16,), jnp.int32)
        lane_lo = lanes < CAND
        ones = jnp.ones((16,), jnp.int32)

        for ch in range(_NCH):
            pltpu.sync_copy(cand_hbm.at[pl.ds(ch * _CROW_IN, _CROW_IN)],
                            cand_v)

            def body(i, carry):
                row = jnp.full((16,), i >> 1, jnp.int32)
                colv = 8 * (i & 1) + (lanes % 8)
                e_vec = plsc.load_gather(cand_v, [row, colv])
                capg = plsc.load_gather(cap_v, [e_vec])
                avail = (capg < cap_limit) & lane_lo
                cum = plsc.cumsum(avail.astype(jnp.int32))
                take = avail & (cum <= k_eff)
                pos = plsc.cumsum(take.astype(jnp.int32))
                s0 = jnp.sum(jnp.where(take & (pos == 1), e_vec + 1, 0)) - 1
                s1 = jnp.sum(jnp.where(take & (pos == 2), e_vec + 1, 0)) - 1
                plsc.addupdate_scatter(cap_v, [e_vec], ones, mask=take)
                valv = jnp.where(lanes == 0, s0, s1)
                rowo = jnp.full((16,), i >> 3, jnp.int32)
                colo = 2 * (i & 7) + lanes
                plsc.store_scatter(asg_v, [rowo, colo], valv, mask=lanes < K)
                return carry

            lax.fori_loop(0, _CTOK, body, 0)
            pltpu.sync_copy(asg_v,
                            out_hbm.at[pl.ds(ch * _CROW_OUT, _CROW_OUT)])


def _run_sc_route(cand2, params, hist):
    mesh = plsc.VectorSubcoreMesh(core_axis_name="c", subcore_axis_name="s")
    f = pl.kernel(
        _sc_route_body,
        out_type=jax.ShapeDtypeStruct((N // 8, 16), jnp.int32),
        mesh=mesh,
        compiler_params=pltpu.CompilerParams(needs_layout_passes=False),
        scratch_types=[
            pltpu.VMEM((_CROW_IN, 16), jnp.int32),
            pltpu.VMEM((16,), jnp.int32),
            pltpu.VMEM((16,), jnp.int32),
            pltpu.VMEM((_CROW_OUT, 16), jnp.int32),
            pltpu.VMEM((16,), jnp.int32),
            pltpu.SemaphoreType.DMA,
            pltpu.SemaphoreType.DMA,
            pltpu.SemaphoreType.DMA,
        ],
    )
    return f(cand2, params, hist)


def _k2_body(hpre_ref, t1_ref, alog_ref, probs_ref, asg_ref,
             fc2_ref, b2f_ref, b1_ref, a2_ref, b2_ref, out_ref):
    hpre = hpre_ref[...].astype(jnp.float32)
    outpre = _nt(hpre, fc2_ref[...]) + b2f_ref[...]
    t1 = t1_ref[...].astype(jnp.float32)
    alog = alog_ref[...]
    probs = probs_ref[...]

    col16 = lax.broadcasted_iota(jnp.int32, (TOK, E), 1)
    c64 = lax.broadcasted_iota(jnp.int32, (TOK, EW), 1)
    g64 = c64 // W
    g512 = lax.broadcasted_iota(jnp.int32, (TOK, EWR), 1) // R

    acc = jnp.zeros((TOK, Z), jnp.float32)
    for j in range(K):
        ej = asg_ref[:, j:j + 1]
        sel = ej >= 0
        e = jnp.where(sel, ej, 0)
        wj = jnp.sum(jnp.where(col16 == e, probs, 0.0), axis=1, keepdims=True)
        am = jnp.where(g64 == e, alog, _NEG)
        amx = jnp.max(am, axis=1, keepdims=True)
        c = jnp.min(jnp.where(am == amx, c64, EW), axis=1, keepdims=True)
        cmask = (g512 == c).astype(jnp.float32)
        s1 = t1 * cmask
        d1 = _nn(s1, b1_ref[...])
        h = _silu(hpre + d1)
        t2 = _nt(h, a2_ref[...])
        s2 = t2 * cmask
        d2 = _nn(s2, b2_ref[...])
        wsel = jnp.where(sel, wj, 0.0)
        acc = acc + wsel * (outpre + d2)

    out_ref[...] = acc


def _run_k2(hpre, t1, alog, probs, asg, fc2_w, fc2_b, b1_mat, a2_mat,
            b2_mat):
    def cidx(i):
        return (0, 0)

    def tidx(i):
        return (i, 0)

    in_specs = [
        pl.BlockSpec((TOK, H), tidx),
        pl.BlockSpec((TOK, EWR), tidx),
        pl.BlockSpec((TOK, EW), tidx),
        pl.BlockSpec((TOK, E), tidx),
        pl.BlockSpec((TOK, K), tidx),
        pl.BlockSpec((Z, H), cidx),
        pl.BlockSpec((1, Z), cidx),
        pl.BlockSpec((EWR, H), cidx),
        pl.BlockSpec((EWR, H), cidx),
        pl.BlockSpec((EWR, Z), cidx),
    ]
    return pl.pallas_call(
        _k2_body,
        grid=(GRID,),
        in_specs=in_specs,
        out_specs=pl.BlockSpec((TOK, Z), tidx),
        out_shape=jax.ShapeDtypeStruct((N, Z), jnp.float32),
    )(hpre, t1, alog, probs, asg, fc2_w, fc2_b, b1_mat, a2_mat, b2_mat)


def kernel(z, fc1_w, fc1_b, fc2_w, fc2_b, prototypes, adapter_keys,
           expert_bias, a1, b1, a2, b2, top_k, tau, epsilon, capacity):
    tau_f = jnp.maximum(jnp.asarray(tau, jnp.float32), 1e-6)
    inv_tau = 1.0 / tau_f
    eps = jnp.asarray(epsilon, jnp.float32)
    k_eff = jnp.minimum(jnp.asarray(top_k, jnp.int32), E)
    cap_limit = jnp.maximum(jnp.asarray(capacity, jnp.int32), 1)

    fparams = jnp.stack([inv_tau, eps])
    iparams = jnp.stack([k_eff, cap_limit])

    a1_mat = a1.reshape(EWR, Z)
    keys_mat = adapter_keys.reshape(EW, Z)
    b1_mat = b1.transpose(0, 1, 3, 2).reshape(EWR, H)
    a2_mat = a2.reshape(EWR, H)
    b2_mat = b2.transpose(0, 1, 3, 2).reshape(EWR, Z)

    probs, cand, hist, meta = _run_k1a(fparams, iparams, z, prototypes,
                                       expert_bias.reshape(1, E))

    asg16 = _run_sc_route(cand.reshape(N // 2, 16), meta.reshape(E),
                          hist.reshape(E))
    asg = asg16.reshape(N, K)

    hpre, t1, alog = _run_k1b(z, fc1_w, fc1_b.reshape(1, H),
                              a1_mat, keys_mat)

    return _run_k2(hpre, t1, alog, probs, asg, fc2_w, fc2_b.reshape(1, Z),
                   b1_mat, a2_mat, b2_mat)

# --- scband reference (transcript-rebuilt; emitter-appended) ---
"""Pipeline reference for scband-mo-elatent-48404281426530 (READ-ONLY COPY).

The authoritative reference and input builder live on the scoring server;
editing this copy changes nothing except your own understanding.
"""

import jax, jax.numpy as jnp
import numpy as np

N = 2048; Z_DIM = 1024; HIDDEN = 2048; E = 16; W = 4; RANK = 8

def _greedy_route(probs, top_k, capacity):
    B, E_ = probs.shape
    K = 2
    CAND = min(E_, max(K * 4, K))
    k_eff = jnp.minimum(top_k, E_).astype(jnp.int32)
    cap_limit = jnp.maximum(1, capacity).astype(jnp.int32)
    order = jnp.argsort(-probs, axis=1)[:, :CAND]

    def _row(cap, order_row):
        assigned_row = jnp.full((K,), -1, dtype=jnp.int32)
        slot = jnp.int32(0)
        for j in range(CAND):
            e = order_row[j].astype(jnp.int32)
            take = (slot < k_eff) & (cap[e] < cap_limit)
            assigned_row = jnp.where(take, assigned_row.at[slot].set(e), assigned_row)
            cap = jnp.where(take, cap.at[e].add(1), cap)
            slot = slot + jnp.where(take, jnp.int32(1), jnp.int32(0))
        return cap, assigned_row

    _, assigned = jax.lax.scan(_row, jnp.zeros((E_,), jnp.int32), order)
    return assigned

def _moe_forward(z, fc1_w, fc1_b, fc2_w, fc2_b, prototypes, adapter_keys, a1, b1, a2, b2, expert_bias, assigned_idx, tau, epsilon):
    h_pre = jax.nn.silu(z @ fc1_w.T + fc1_b)
    out_pre = h_pre @ fc2_w.T + fc2_b
    tau_f = jnp.maximum(jnp.asarray(tau, jnp.float32), 1e-6)
    logits = (z @ prototypes.T) / tau_f + expert_bias
    probs = jax.nn.softmax(logits, axis=-1)
    eps = jnp.asarray(epsilon, jnp.float32)
    probs = jnp.where(eps > 0, (1.0 - eps) * probs + eps / probs.shape[1], probs)
    k = assigned_idx.shape[1]
    z_out = jnp.zeros_like(z)
    scale = 1.0
    for j in range(k):
        idx_j = assigned_idx[:, j]
        sel = idx_j >= 0
        eidx = jnp.where(sel, idx_j, 0)
        w_j = jnp.take_along_axis(probs, eidx[:, None], axis=1)
        keys = adapter_keys[eidx]
        alog = jnp.einsum('nd,nwd->nw', z, keys)
        a_idx = jnp.argmax(alog, axis=-1)
        A1 = a1[eidx, a_idx]
        B1 = b1[eidx, a_idx]
        t1 = jnp.einsum('nd,nrd->nr', z, A1)
        d1 = jnp.einsum('nr,nhr->nh', t1, B1) * scale
        h = jax.nn.silu(h_pre + d1)
        A2 = a2[eidx, a_idx]
        B2 = b2[eidx, a_idx]
        t2 = jnp.einsum('nh,nrh->nr', h, A2)
        d2 = jnp.einsum('nr,ndr->nd', t2, B2) * scale
        y = out_pre + d2
        z_out = z_out + jnp.where(sel[:, None], w_j * y, 0.0)
    return z_out

def setup_inputs(seed: int = 0):
    key = jax.random.key(seed)
    ks = jax.random.split(key, 10)
    fan1 = 1.0 / np.sqrt(Z_DIM)
    fan2 = 1.0 / np.sqrt(HIDDEN)
    return {
        'z': jax.random.normal(ks[0], (N, Z_DIM), jnp.float32),
        'fc1_w': jax.random.uniform(ks[1], (HIDDEN, Z_DIM), jnp.float32, -fan1, fan1),
        'fc1_b': jnp.zeros((HIDDEN,), jnp.float32),
        'fc2_w': jax.random.uniform(ks[2], (Z_DIM, HIDDEN), jnp.float32, -fan2, fan2),
        'fc2_b': jnp.zeros((Z_DIM,), jnp.float32),
        'prototypes': jax.random.normal(ks[3], (E, Z_DIM), jnp.float32) * 0.02,
        'adapter_keys': jax.random.normal(ks[4], (E, W, Z_DIM), jnp.float32) * 0.02,
        'expert_bias': jnp.zeros((E,), jnp.float32),
        'a1': jax.random.normal(ks[5], (E, W, RANK, Z_DIM), jnp.float32) * 0.02,
        'b1': jax.random.normal(ks[6], (E, W, HIDDEN, RANK), jnp.float32) * 0.02,
        'a2': jax.random.normal(ks[7], (E, W, RANK, HIDDEN), jnp.float32) * 0.02,
        'b2': jax.random.normal(ks[8], (E, W, Z_DIM, RANK), jnp.float32) * 0.02,
        'top_k': 2, 'tau': 1, 'epsilon': 0, 'capacity': 320,
    }

def reference(z, fc1_w, fc1_b, fc2_w, fc2_b, prototypes, adapter_keys, expert_bias, a1, b1, a2, b2, top_k, tau, epsilon, capacity):
    tau_f = jnp.maximum(jnp.asarray(tau, jnp.float32), 1e-6)
    logits = (z @ prototypes.T) / tau_f + expert_bias
    probs = jax.nn.softmax(logits, axis=-1)
    eps = jnp.asarray(epsilon, jnp.float32)
    probs = jnp.where(eps > 0, (1.0 - eps) * probs + eps / probs.shape[1], probs)
    assigned_idx = _greedy_route(probs, top_k, capacity)
    return _moe_forward(z, fc1_w, fc1_b, fc2_w, fc2_b, prototypes, adapter_keys, a1, b1, a2, b2, expert_bias, assigned_idx, tau, epsilon)

if __name__ == "__main__":
    import jax
    _d = setup_inputs()
    print(jax.jit(kernel)(*tuple(_d.values())))

</pallas_src>

<mosaic_0001>
#map = affine_map<(d0, d1) -> (0, 0)>
#map1 = affine_map<(d0, d1) -> (0)>
module attributes {stable_mosaic.version = 14 : i64} {
  func.func @_sc_route_body(%arg0: i32, %arg1: i32, %arg2: memref<1024x16xi32, #tpu.memory_space<hbm>>, %arg3: memref<16xi32, #tpu.memory_space<hbm>>, %arg4: memref<16xi32, #tpu.memory_space<hbm>>, %arg5: memref<256x16xi32, #tpu.memory_space<hbm>>, %arg6: memref<128x16xi32, #tpu.memory_space<vmem>>, %arg7: memref<16xi32, #tpu.memory_space<vmem>>, %arg8: memref<16xi32, #tpu.memory_space<vmem>>, %arg9: memref<32x16xi32, #tpu.memory_space<vmem>>, %arg10: memref<16xi32, #tpu.memory_space<vmem>>, %arg11: memref<!tpu.dma_semaphore, #tpu.memory_space<semaphore_mem>>, %arg12: memref<!tpu.dma_semaphore, #tpu.memory_space<semaphore_mem>>, %arg13: memref<!tpu.dma_semaphore, #tpu.memory_space<semaphore_mem>>) attributes {dimension_semantics = [#tpu.dimension_semantics<core_parallel>, #tpu.dimension_semantics<subcore_parallel>], iteration_bounds = array<i64: 2, 16>, scalar_prefetch = 0 : i64, scratch_operands = 8 : i64, tpu.core_type = #tpu.core_type<sc_vector_subcore>, window_params = [{transform_indices = #map}, {transform_indices = #map1}, {transform_indices = #map1}, {transform_indices = #map}]} {
    %mul3A = arith.constant 2 : i32
    %mul3A_0 = arith.muli %arg1, %mul3A : i32
    %add3A = arith.addi %mul3A_0, %arg0 : i32
    %mul3A_1 = arith.constant 32 : i32
    %mul3A_2 = arith.muli %add3A, %mul3A_1 : i32
    tpu.enqueue_dma source(%arg3 : memref<16xi32, #tpu.memory_space<hbm>>) target(%arg7 : memref<16xi32, #tpu.memory_space<vmem>>) target_semaphore(%arg11 : memref<!tpu.dma_semaphore, #tpu.memory_space<semaphore_mem>>)
    tpu.enqueue_dma source(%arg4 : memref<16xi32, #tpu.memory_space<hbm>>) target(%arg8 : memref<16xi32, #tpu.memory_space<vmem>>) target_semaphore(%arg12 : memref<!tpu.dma_semaphore, #tpu.memory_space<semaphore_mem>>)
    %dma_start3A = arith.constant 0 : i32
    %dma_start3A_3 = arith.constant 0 : i32
    %dma_start3A_4 = tpu.memref_slice %arg6[%dma_start3A, %dma_start3A_3] : memref<128x16xi32, #tpu.memory_space<vmem>> -> memref<32x16xi32, #tpu.memory_space<vmem>>
    %dma_start3A_5 = arith.constant 0 : i32
    %dma_start3A_6 = tpu.memref_slice %arg2[%mul3A_2, %dma_start3A_5] : memref<1024x16xi32, #tpu.memory_space<hbm>> -> memref<32x16xi32, #tpu.memory_space<hbm>>
    %dma_start3A_7 = arith.constant 0 : i32
    %dma_start3A_8 = arith.constant 0 : i32
    %dma_start3A_9 = tpu.memref_slice %arg6[%dma_start3A_7, %dma_start3A_8] : memref<128x16xi32, #tpu.memory_space<vmem>> -> memref<32x16xi32, #tpu.memory_space<vmem>>
    %dma_start3A_10 = arith.constant 0 : i32
    %dma_start3A_11 = tpu.memref_slice %arg2[%mul3A_2, %dma_start3A_10] : memref<1024x16xi32, #tpu.memory_space<hbm>> -> memref<32x16xi32, #tpu.memory_space<hbm>>
    tpu.enqueue_dma source(%dma_start3A_11 : memref<32x16xi32, #tpu.memory_space<hbm>>) target(%dma_start3A_9 : memref<32x16xi32, #tpu.memory_space<vmem>>) target_semaphore(%arg13 : memref<!tpu.dma_semaphore, #tpu.memory_space<semaphore_mem>>)
    tpu.wait_dma2 semaphore(%arg11 : memref<!tpu.dma_semaphore, #tpu.memory_space<semaphore_mem>>) src(%arg3 : memref<16xi32, #tpu.memory_space<hbm>>) dst(%arg7 : memref<16xi32, #tpu.memory_space<vmem>>)
    tpu.wait_dma2 semaphore(%arg12 : memref<!tpu.dma_semaphore, #tpu.memory_space<semaphore_mem>>) src(%arg4 : memref<16xi32, #tpu.memory_space<hbm>>) dst(%arg8 : memref<16xi32, #tpu.memory_space<vmem>>)
    %dma_wait3A = arith.constant 0 : i32
    %dma_wait3A_12 = arith.constant 0 : i32
    %dma_wait3A_13 = tpu.memref_slice %arg6[%dma_wait3A, %dma_wait3A_12] : memref<128x16xi32, #tpu.memory_space<vmem>> -> memref<32x16xi32, #tpu.memory_space<vmem>>
    %dma_wait3A_14 = arith.constant 0 : i32
    %dma_wait3A_15 = tpu.memref_slice %arg2[%mul3A_2, %dma_wait3A_14] : memref<1024x16xi32, #tpu.memory_space<hbm>> -> memref<32x16xi32, #tpu.memory_space<hbm>>
    %dma_wait3A_16 = arith.constant 0 : i32
    %dma_wait3A_17 = arith.constant 0 : i32
    %dma_wait3A_18 = tpu.memref_slice %arg6[%dma_wait3A_16, %dma_wait3A_17] : memref<128x16xi32, #tpu.memory_space<vmem>> -> memref<32x16xi32, #tpu.memory_space<vmem>>
    %dma_wait3A_19 = arith.constant 0 : i32
    %dma_wait3A_20 = tpu.memref_slice %arg2[%mul3A_2, %dma_wait3A_19] : memref<1024x16xi32, #tpu.memory_space<hbm>> -> memref<32x16xi32, #tpu.memory_space<hbm>>
    tpu.wait_dma2 semaphore(%arg13 : memref<!tpu.dma_semaphore, #tpu.memory_space<semaphore_mem>>) src(%dma_wait3A_20 : memref<32x16xi32, #tpu.memory_space<hbm>>) dst(%dma_wait3A_18 : memref<32x16xi32, #tpu.memory_space<vmem>>)
    %get3A = arith.constant 0 : index
    %get3A_21 = tpu.vector_load %arg7[%get3A] {strides = array<i32>} : memref<16xi32, #tpu.memory_space<vmem>>, vector<16xi32>,
    %slice3A = vector.extract_strided_slice %get3A_21 {offsets = [0], sizes = [1], strides = [1]} : vector<16xi32> to vector<1xi32>
    %squeeze3A = vector.extract %slice3A[0] : i32 from vector<1xi32>
    %slice3A_22 = vector.extract_strided_slice %get3A_21 {offsets = [1], sizes = [1], strides = [1]} : vector<16xi32> to vector<1xi32>
    %squeeze3A_23 = vector.extract %slice3A_22[0] : i32 from vector<1xi32>
    %get3A_24 = arith.constant 0 : index
    %get3A_25 = tpu.vector_load %arg8[%get3A_24] {strides = array<i32>} : memref<16xi32, #tpu.memory_space<vmem>>, vector<16xi32>,
    %reduce_max3A = arith.constant true
    %reduce_max3A_26 = vector.broadcast %reduce_max3A : i1 to vector<16xi1>
    %reduce_max3A_27 = arith.constant -2147483648 : i32
    %reduce_max3A_28 = vector.broadcast %reduce_max3A_27 : i32 to vector<16xi32>
    %reduce_max3A_29 = arith.xori %get3A_25, %reduce_max3A_28 : vector<16xi32>
    %reduce_max3A_30 = tpu.scan <max>, %reduce_max3A_29 masked %reduce_max3A_26 : vector<16xi32>, vector<16xi1> -> vector<16xi32>
    %reduce_max3A_31 = arith.xori %reduce_max3A_30, %reduce_max3A_28 : vector<16xi32>
    %reduce_max3A_32 = vector.extract %reduce_max3A_31[15] : i32 from vector<16xi32>
    %le3A = arith.cmpi sle, %reduce_max3A_32, %squeeze3A_23 : i32
    %iota3A = tpu.iota {dimensions = array<i32: 0>} : vector<16xi32>
    %convert_element_type3A = arith.extui %le3A : i1 to i32
    %cond3A = arith.constant 0 : i32
    %cond3A_33 = arith.cmpi ne, %convert_element_type3A, %cond3A : i32
    scf.if %cond3A_33 {
      %jit3A = arith.constant 4 : i32
      %div3A = vector.broadcast %jit3A : i32 to vector<16xi32>
      %div3A_39 = arith.divsi %iota3A, %div3A : vector<16xi32>
      %sign3A = arith.constant 0 : i32
      %sign3A_40 = vector.broadcast %sign3A : i32 to vector<16xi32>
      %sign3A_41 = arith.cmpi sgt, %iota3A, %sign3A_40 : vector<16xi32>
      %sign3A_42 = arith.extui %sign3A_41 : vector<16xi1> to vector<16xi32>
      %sign3A_43 = arith.constant 0 : i32
      %sign3A_44 = vector.broadcast %sign3A_43 : i32 to vector<16xi32>
      %sign3A_45 = arith.cmpi slt, %iota3A, %sign3A_44 : vector<16xi32>
      %sign3A_46 = arith.extui %sign3A_45 : vector<16xi1> to vector<16xi32>
      %sign3A_47 = arith.subi %sign3A_42, %sign3A_46 : vector<16xi32>
      %sign3A_48 = arith.constant 0 : i32
      %sign3A_49 = arith.cmpi sgt, %jit3A, %sign3A_48 : i32
      %sign3A_50 = arith.extui %sign3A_49 : i1 to i32
      %sign3A_51 = arith.constant 0 : i32
      %sign3A_52 = arith.cmpi slt, %jit3A, %sign3A_51 : i32
      %sign3A_53 = arith.extui %sign3A_52 : i1 to i32
      %sign3A_54 = arith.subi %sign3A_50, %sign3A_53 : i32
      %ne3A = vector.broadcast %sign3A_54 : i32 to vector<16xi32>
      %ne3A_55 = arith.cmpi ne, %sign3A_47, %ne3A : vector<16xi32>
      %rem3A = vector.broadcast %jit3A : i32 to vector<16xi32>
      %rem3A_56 = arith.remsi %iota3A, %rem3A : vector<16xi32>
      %ne3A_57 = arith.constant 0 : i32
      %ne3A_58 = vector.broadcast %ne3A_57 : i32 to vector<16xi32>
      %ne3A_59 = arith.cmpi ne, %rem3A_56, %ne3A_58 : vector<16xi32>
      %and3A_60 = arith.andi %ne3A_55, %ne3A_59 : vector<16xi1>
      %sub3A = arith.constant 1 : i32
      %sub3A_61 = vector.broadcast %sub3A : i32 to vector<16xi32>
      %sub3A_62 = arith.subi %div3A_39, %sub3A_61 : vector<16xi32>
      %select_n3A = arith.select %and3A_60, %sub3A_62, %div3A_39 : vector<16xi1>, vector<16xi32>
      %jit3A_63 = arith.constant 2 : i32
      %div3A_64 = vector.broadcast %jit3A_63 : i32 to vector<16xi32>
      %div3A_65 = arith.divsi %iota3A, %div3A_64 : vector<16xi32>
      %sign3A_66 = arith.constant 0 : i32
      %sign3A_67 = vector.broadcast %sign3A_66 : i32 to vector<16xi32>
      %sign3A_68 = arith.cmpi sgt, %iota3A, %sign3A_67 : vector<16xi32>
      %sign3A_69 = arith.extui %sign3A_68 : vector<16xi1> to vector<16xi32>
      %sign3A_70 = arith.constant 0 : i32
      %sign3A_71 = vector.broadcast %sign3A_70 : i32 to vector<16xi32>
      %sign3A_72 = arith.cmpi slt, %iota3A, %sign3A_71 : vector<16xi32>
      %sign3A_73 = arith.extui %sign3A_72 : vector<16xi1> to vector<16xi32>
      %sign3A_74 = arith.subi %sign3A_69, %sign3A_73 : vector<16xi32>
      %sign3A_75 = arith.constant 0 : i32
      %sign3A_76 = arith.cmpi sgt, %jit3A_63, %sign3A_75 : i32
      %sign3A_77 = arith.extui %sign3A_76 : i1 to i32
      %sign3A_78 = arith.constant 0 : i32
      %sign3A_79 = arith.cmpi slt, %jit3A_63, %sign3A_78 : i32
      %sign3A_80 = arith.extui %sign3A_79 : i1 to i32
      %sign3A_81 = arith.subi %sign3A_77, %sign3A_80 : i32
      %ne3A_82 = vector.broadcast %sign3A_81 : i32 to vector<16xi32>
      %ne3A_83 = arith.cmpi ne, %sign3A_74, %ne3A_82 : vector<16xi32>
      %rem3A_84 = vector.broadcast %jit3A_63 : i32 to vector<16xi32>
      %rem3A_85 = arith.remsi %iota3A, %rem3A_84 : vector<16xi32>
      %ne3A_86 = arith.constant 0 : i32
      %ne3A_87 = vector.broadcast %ne3A_86 : i32 to vector<16xi32>
      %ne3A_88 = arith.cmpi ne, %rem3A_85, %ne3A_87 : vector<16xi32>
      %and3A_89 = arith.andi %ne3A_83, %ne3A_88 : vector<16xi1>
      %sub3A_90 = arith.constant 1 : i32
      %sub3A_91 = vector.broadcast %sub3A_90 : i32 to vector<16xi32>
      %sub3A_92 = arith.subi %div3A_65, %sub3A_91 : vector<16xi32>
      %select_n3A_93 = arith.select %and3A_89, %sub3A_92, %div3A_65 : vector<16xi1>, vector<16xi32>
      %jit3A_94 = arith.constant 2 : i32
      %eq3A_95 = arith.constant 0 : i32
      %eq3A_96 = arith.cmpi eq, %jit3A_94, %eq3A_95 : i32
      %jit3A_97 = arith.constant 1 : i32
      %select_n3A_98 = arith.select %eq3A_96, %jit3A_97, %jit3A_94 : i32
      %rem3A_99 = vector.broadcast %select_n3A_98 : i32 to vector<16xi32>
      %rem3A_100 = arith.remsi %select_n3A_93, %rem3A_99 : vector<16xi32>
      %ne3A_101 = arith.constant 0 : i32
      %ne3A_102 = vector.broadcast %ne3A_101 : i32 to vector<16xi32>
      %ne3A_103 = arith.cmpi ne, %rem3A_100, %ne3A_102 : vector<16xi32>
      %lt3A = arith.constant 0 : i32
      %lt3A_104 = vector.broadcast %lt3A : i32 to vector<16xi32>
      %lt3A_105 = arith.cmpi slt, %rem3A_100, %lt3A_104 : vector<16xi32>
      %lt3A_106 = arith.constant 0 : i32
      %lt3A_107 = arith.cmpi slt, %select_n3A_98, %lt3A_106 : i32
      %ne3A_108 = vector.broadcast %lt3A_107 : i1 to vector<16xi1>
      %ne3A_109 = vector.broadcast %ne3A_108 : vector<16xi1> to vector<16xi1>
      %ne3A_110 = arith.xori %lt3A_105, %ne3A_109 : vector<16xi1>
      %and3A_111 = arith.andi %ne3A_110, %ne3A_103 : vector<16xi1>
      %add3A_112 = vector.broadcast %select_n3A_98 : i32 to vector<16xi32>
      %add3A_113 = arith.addi %rem3A_100, %add3A_112 : vector<16xi32>
      %select_n3A_114 = arith.select %and3A_111, %add3A_113, %rem3A_100 : vector<16xi1>, vector<16xi32>
      %mul3A_115 = arith.constant 8 : i32
      %mul3A_116 = vector.broadcast %mul3A_115 : i32 to vector<16xi32>
      %mul3A_117 = arith.muli %mul3A_116, %select_n3A_114 : vector<16xi32>
      %jit3A_118 = arith.constant 2 : i32
      %eq3A_119 = arith.constant 0 : i32
      %eq3A_120 = arith.cmpi eq, %jit3A_118, %eq3A_119 : i32
      %jit3A_121 = arith.constant 1 : i32
      %select_n3A_122 = arith.select %eq3A_120, %jit3A_121, %jit3A_118 : i32
      %rem3A_123 = vector.broadcast %select_n3A_122 : i32 to vector<16xi32>
      %rem3A_124 = arith.remsi %iota3A, %rem3A_123 : vector<16xi32>
      %ne3A_125 = arith.constant 0 : i32
      %ne3A_126 = vector.broadcast %ne3A_125 : i32 to vector<16xi32>
      %ne3A_127 = arith.cmpi ne, %rem3A_124, %ne3A_126 : vector<16xi32>
      %lt3A_128 = arith.constant 0 : i32
      %lt3A_129 = vector.broadcast %lt3A_128 : i32 to vector<16xi32>
      %lt3A_130 = arith.cmpi slt, %rem3A_124, %lt3A_129 : vector<16xi32>
      %lt3A_131 = arith.constant 0 : i32
      %lt3A_132 = arith.cmpi slt, %select_n3A_122, %lt3A_131 : i32
      %ne3A_133 = vector.broadcast %lt3A_132 : i1 to vector<16xi1>
      %ne3A_134 = vector.broadcast %ne3A_133 : vector<16xi1> to vector<16xi1>
      %ne3A_135 = arith.xori %lt3A_130, %ne3A_134 : vector<16xi1>
      %and3A_136 = arith.andi %ne3A_135, %ne3A_127 : vector<16xi1>
      %add3A_137 = vector.broadcast %select_n3A_122 : i32 to vector<16xi32>
      %add3A_138 = arith.addi %rem3A_124, %add3A_137 : vector<16xi32>
      %select_n3A_139 = arith.select %and3A_136, %add3A_138, %rem3A_124 : vector<16xi1>, vector<16xi32>
      %add3A_140 = arith.addi %mul3A_117, %select_n3A_139 : vector<16xi32>
      %jit3A_141 = arith.constant 2 : i32
      %eq3A_142 = arith.constant 0 : i32
      %eq3A_143 = arith.cmpi eq, %jit3A_141, %eq3A_142 : i32
      %jit3A_144 = arith.constant 1 : i32
      %select_n3A_145 = arith.select %eq3A_143, %jit3A_144, %jit3A_141 : i32
      %rem3A_146 = vector.broadcast %select_n3A_145 : i32 to vector<16xi32>
      %rem3A_147 = arith.remsi %iota3A, %rem3A_146 : vector<16xi32>
      %ne3A_148 = arith.constant 0 : i32
      %ne3A_149 = vector.broadcast %ne3A_148 : i32 to vector<16xi32>
      %ne3A_150 = arith.cmpi ne, %rem3A_147, %ne3A_149 : vector<16xi32>
      %lt3A_151 = arith.constant 0 : i32
      %lt3A_152 = vector.broadcast %lt3A_151 : i32 to vector<16xi32>
      %lt3A_153 = arith.cmpi slt, %rem3A_147, %lt3A_152 : vector<16xi32>
      %lt3A_154 = arith.constant 0 : i32
      %lt3A_155 = arith.cmpi slt, %select_n3A_145, %lt3A_154 : i32
      %ne3A_156 = vector.broadcast %lt3A_155 : i1 to vector<16xi1>
      %ne3A_157 = vector.broadcast %ne3A_156 : vector<16xi1> to vector<16xi1>
      %ne3A_158 = arith.xori %lt3A_153, %ne3A_157 : vector<16xi1>
      %and3A_159 = arith.andi %ne3A_158, %ne3A_150 : vector<16xi1>
      %add3A_160 = vector.broadcast %select_n3A_145 : i32 to vector<16xi32>
      %add3A_161 = arith.addi %rem3A_147, %add3A_160 : vector<16xi32>
      %select_n3A_162 = arith.select %and3A_159, %add3A_161, %rem3A_147 : vector<16xi1>, vector<16xi32>
      %lt3A_163 = vector.broadcast %squeeze3A : i32 to vector<16xi32>
      %lt3A_164 = arith.cmpi slt, %select_n3A_162, %lt3A_163 : vector<16xi32>
      %add3A_165 = arith.constant 0 : i32
      %add3A_166 = vector.broadcast %add3A_165 : i32 to vector<16xi32>
      %add3A_167 = arith.addi %add3A_166, %select_n3A : vector<16xi32>
      %gather3A = tpu.vector_load_idx %arg6[%add3A_167, %add3A_140] : memref<128x16xi32, #tpu.memory_space<vmem>>[vector<16xi32>, vector<16xi32>], vector<16xi32>,
      %jit3A_168 = arith.constant -1 : i32
      %broadcast_in_dim3A = vector.broadcast %jit3A_168 : i32 to vector<16xi32>
      %select_n3A_169 = arith.select %lt3A_164, %gather3A, %broadcast_in_dim3A : vector<16xi1>, vector<16xi32>
      %swap3A = arith.constant 0 : i32
      %swap3A_170 = arith.index_cast %swap3A : i32 to index
      %swap3A_171 = arith.constant 0 : index
      %swap3A_172 = tpu.vector_load %arg9[%swap3A_170, %swap3A_171] {strides = array<i32>} : memref<32x16xi32, #tpu.memory_space<vmem>>, vector<16xi32>,
      tpu.vector_store %arg9[%swap3A_170, %swap3A_171], %select_n3A_169 {strides = array<i32>} : memref<32x16xi32, #tpu.memory_space<vmem>>, vector<16xi32>,
      %add3A_173 = arith.constant 4 : i32
      %add3A_174 = vector.broadcast %add3A_173 : i32 to vector<16xi32>
      %add3A_175 = arith.addi %add3A_174, %select_n3A : vector<16xi32>
      %gather3A_176 = tpu.vector_load_idx %arg6[%add3A_175, %add3A_140] : memref<128x16xi32, #tpu.memory_space<vmem>>[vector<16xi32>, vector<16xi32>], vector<16xi32>,
      %jit3A_177 = arith.constant -1 : i32
      %broadcast_in_dim3A_178 = vector.broadcast %jit3A_177 : i32 to vector<16xi32>
      %select_n3A_179 = arith.select %lt3A_164, %gather3A_176, %broadcast_in_dim3A_178 : vector<16xi1>, vector<16xi32>
      %swap3A_180 = arith.constant 1 : i32
      %swap3A_181 = arith.index_cast %swap3A_180 : i32 to index
      %swap3A_182 = arith.constant 0 : index
      %swap3A_183 = tpu.vector_load %arg9[%swap3A_181, %swap3A_182] {strides = array<i32>} : memref<32x16xi32, #tpu.memory_space<vmem>>, vector<16xi32>,
      tpu.vector_store %arg9[%swap3A_181, %swap3A_182], %select_n3A_179 {strides = array<i32>} : memref<32x16xi32, #tpu.memory_space<vmem>>, vector<16xi32>,
      %add3A_184 = arith.constant 8 : i32
      %add3A_185 = vector.broadcast %add3A_184 : i32 to vector<16xi32>
      %add3A_186 = arith.addi %add3A_185, %select_n3A : vector<16xi32>
      %gather3A_187 = tpu.vector_load_idx %arg6[%add3A_186, %add3A_140] : memref<128x16xi32, #tpu.memory_space<vmem>>[vector<16xi32>, vector<16xi32>], vector<16xi32>,
      %jit3A_188 = arith.constant -1 : i32
      %broadcast_in_dim3A_189 = vector.broadcast %jit3A_188 : i32 to vector<16xi32>
      %select_n3A_190 = arith.select %lt3A_164, %gather3A_187, %broadcast_in_dim3A_189 : vector<16xi1>, vector<16xi32>
      %swap3A_191 = arith.constant 2 : i32
      %swap3A_192 = arith.index_cast %swap3A_191 : i32 to index
      %swap3A_193 = arith.constant 0 : index
      %swap3A_194 = tpu.vector_load %arg9[%swap3A_192, %swap3A_193] {strides = array<i32>} : memref<32x16xi32, #tpu.memory_space<vmem>>, vector<16xi32>,
      tpu.vector_store %arg9[%swap3A_192, %swap3A_193], %select_n3A_190 {strides = array<i32>} : memref<32x16xi32, #tpu.memory_space<vmem>>, vector<16xi32>,
      %add3A_195 = arith.constant 12 : i32
      %add3A_196 = vector.broadcast %add3A_195 : i32 to vector<16xi32>
      %add3A_197 = arith.addi %add3A_196, %select_n3A : vector<16xi32>
      %gather3A_198 = tpu.vector_load_idx %arg6[%add3A_197, %add3A_140] : memref<128x16xi32, #tpu.memory_space<vmem>>[vector<16xi32>, vector<16xi32>], vector<16xi32>,
      %jit3A_199 = arith.constant -1 : i32
      %broadcast_in_dim3A_200 = vector.broadcast %jit3A_199 : i32 to vector<16xi32>
      %select_n3A_201 = arith.select %lt3A_164, %gather3A_198, %broadcast_in_dim3A_200 : vector<16xi1>, vector<16xi32>
      %swap3A_202 = arith.constant 3 : i32
      %swap3A_203 = arith.index_cast %swap3A_202 : i32 to index
      %swap3A_204 = arith.constant 0 : index
      %swap3A_205 = tpu.vector_load %arg9[%swap3A_203, %swap3A_204] {strides = array<i32>} : memref<32x16xi32, #tpu.memory_space<vmem>>, vector<16xi32>,
      tpu.vector_store %arg9[%swap3A_203, %swap3A_204], %select_n3A_201 {strides = array<i32>} : memref<32x16xi32, #tpu.memory_space<vmem>>, vector<16xi32>,
      %add3A_206 = arith.constant 16 : i32
      %add3A_207 = vector.broadcast %add3A_206 : i32 to vector<16xi32>
      %add3A_208 = arith.addi %add3A_207, %select_n3A : vector<16xi32>
      %gather3A_209 = tpu.vector_load_idx %arg6[%add3A_208, %add3A_140] : memref<128x16xi32, #tpu.memory_space<vmem>>[vector<16xi32>, vector<16xi32>], vector<16xi32>,
      %jit3A_210 = arith.constant -1 : i32
      %broadcast_in_dim3A_211 = vector.broadcast %jit3A_210 : i32 to vector<16xi32>
      %select_n3A_212 = arith.select %lt3A_164, %gather3A_209, %broadcast_in_dim3A_211 : vector<16xi1>, vector<16xi32>
      %swap3A_213 = arith.constant 4 : i32
      %swap3A_214 = arith.index_cast %swap3A_213 : i32 to index
      %swap3A_215 = arith.constant 0 : index
      %swap3A_216 = tpu.vector_load %arg9[%swap3A_214, %swap3A_215] {strides = array<i32>} : memref<32x16xi32, #tpu.memory_space<vmem>>, vector<16xi32>,
      tpu.vector_store %arg9[%swap3A_214, %swap3A_215], %select_n3A_212 {strides = array<i32>} : memref<32x16xi32, #tpu.memory_space<vmem>>, vector<16xi32>,
      %add3A_217 = arith.constant 20 : i32
      %add3A_218 = vector.broadcast %add3A_217 : i32 to vector<16xi32>
      %add3A_219 = arith.addi %add3A_218, %select_n3A : vector<16xi32>
      %gather3A_220 = tpu.vector_load_idx %arg6[%add3A_219, %add3A_140] : memref<128x16xi32, #tpu.memory_space<vmem>>[vector<16xi32>, vector<16xi32>], vector<16xi32>,
      %jit3A_221 = arith.constant -1 : i32
      %broadcast_in_dim3A_222 = vector.broadcast %jit3A_221 : i32 to vector<16xi32>
      %select_n3A_223 = arith.select %lt3A_164, %gather3A_220, %broadcast_in_dim3A_222 : vector<16xi1>, vector<16xi32>
      %swap3A_224 = arith.constant 5 : i32
      %swap3A_225 = arith.index_cast %swap3A_224 : i32 to index
      %swap3A_226 = arith.constant 0 : index
      %swap3A_227 = tpu.vector_load %arg9[%swap3A_225, %swap3A_226] {strides = array<i32>} : memref<32x16xi32, #tpu.memory_space<vmem>>, vector<16xi32>,
      tpu.vector_store %arg9[%swap3A_225, %swap3A_226], %select_n3A_223 {strides = array<i32>} : memref<32x16xi32, #tpu.memory_space<vmem>>, vector<16xi32>,
      %add3A_228 = arith.constant 24 : i32
      %add3A_229 = vector.broadcast %add3A_228 : i32 to vector<16xi32>
      %add3A_230 = arith.addi %add3A_229, %select_n3A : vector<16xi32>
      %gather3A_231 = tpu.vector_load_idx %arg6[%add3A_230, %add3A_140] : memref<128x16xi32, #tpu.memory_space<vmem>>[vector<16xi32>, vector<16xi32>], vector<16xi32>,
      %jit3A_232 = arith.constant -1 : i32
      %broadcast_in_dim3A_233 = vector.broadcast %jit3A_232 : i32 to vector<16xi32>
      %select_n3A_234 = arith.select %lt3A_164, %gather3A_231, %broadcast_in_dim3A_233 : vector<16xi1>, vector<16xi32>
      %swap3A_235 = arith.constant 6 : i32
      %swap3A_236 = arith.index_cast %swap3A_235 : i32 to index
      %swap3A_237 = arith.constant 0 : index
      %swap3A_238 = tpu.vector_load %arg9[%swap3A_236, %swap3A_237] {strides = array<i32>} : memref<32x16xi32, #tpu.memory_space<vmem>>, vector<16xi32>,
      tpu.vector_store %arg9[%swap3A_236, %swap3A_237], %select_n3A_234 {strides = array<i32>} : memref<32x16xi32, #tpu.memory_space<vmem>>, vector<16xi32>,
      %add3A_239 = arith.constant 28 : i32
      %add3A_240 = vector.broadcast %add3A_239 : i32 to vector<16xi32>
      %add3A_241 = arith.addi %add3A_240, %select_n3A : vector<16xi32>
      %gather3A_242 = tpu.vector_load_idx %arg6[%add3A_241, %add3A_140] : memref<128x16xi32, #tpu.memory_space<vmem>>[vector<16xi32>, vector<16xi32>], vector<16xi32>,
      %jit3A_243 = arith.constant -1 : i32
      %broadcast_in_dim3A_244 = vector.broadcast %jit3A_243 : i32 to vector<16xi32>
      %select_n3A_245 = arith.select %lt3A_164, %gather3A_242, %broadcast_in_dim3A_244 : vector<16xi1>, vector<16xi32>
      %swap3A_246 = arith.constant 7 : i32
      %swap3A_247 = arith.index_cast %swap3A_246 : i32 to index
      %swap3A_248 = arith.constant 0 : index
      %swap3A_249 = tpu.vector_load %arg9[%swap3A_247, %swap3A_248] {strides = array<i32>} : memref<32x16xi32, #tpu.memory_space<vmem>>, vector<16xi32>,
      tpu.vector_store %arg9[%swap3A_247, %swap3A_248], %select_n3A_245 {strides = array<i32>} : memref<32x16xi32, #tpu.memory_space<vmem>>, vector<16xi32>,
      %mul3A_250 = arith.constant 8 : i32
      %mul3A_251 = arith.muli %add3A, %mul3A_250 : i32
      "tpu.region"() ({
        %run_scoped3A = tpu.sem_alloc : memref<!tpu.dma_semaphore, #tpu.memory_space<semaphore_mem>>
        %dma_start3A_252 = arith.constant 0 : i32
        %dma_start3A_253 = arith.constant 0 : i32
        %dma_start3A_254 = tpu.memref_slice %arg9[%dma_start3A_252, %dma_start3A_253] : memref<32x16xi32, #tpu.memory_space<vmem>> -> memref<8x16xi32, #tpu.memory_space<vmem>>
        %dma_start3A_255 = arith.constant 0 : i32
        %dma_start3A_256 = tpu.memref_slice %arg5[%mul3A_251, %dma_start3A_255] : memref<256x16xi32, #tpu.memory_space<hbm>> -> memref<8x16xi32, #tpu.memory_space<hbm>>
        %dma_start3A_257 = arith.constant 0 : i32
        %dma_start3A_258 = tpu.memref_slice %arg5[%mul3A_251, %dma_start3A_257] : memref<256x16xi32, #tpu.memory_space<hbm>> -> memref<8x16xi32, #tpu.memory_space<hbm>>
        %dma_start3A_259 = arith.constant 0 : i32
        %dma_start3A_260 = arith.constant 0 : i32
        %dma_start3A_261 = tpu.memref_slice %arg9[%dma_start3A_259, %dma_start3A_260] : memref<32x16xi32, #tpu.memory_space<vmem>> -> memref<8x16xi32, #tpu.memory_space<vmem>>
        tpu.enqueue_dma source(%dma_start3A_261 : memref<8x16xi32, #tpu.memory_space<vmem>>) target(%dma_start3A_258 : memref<8x16xi32, #tpu.memory_space<hbm>>) target_semaphore(%run_scoped3A : memref<!tpu.dma_semaphore, #tpu.memory_space<semaphore_mem>>)
        %dma_wait3A_262 = arith.constant 0 : i32
        %dma_wait3A_263 = arith.constant 0 : i32
        %dma_wait3A_264 = tpu.memref_slice %arg9[%dma_wait3A_262, %dma_wait3A_263] : memref<32x16xi32, #tpu.memory_space<vmem>> -> memref<8x16xi32, #tpu.memory_space<vmem>>
        %dma_wait3A_265 = arith.constant 0 : i32
        %dma_wait3A_266 = tpu.memref_slice %arg5[%mul3A_251, %dma_wait3A_265] : memref<256x16xi32, #tpu.memory_space<hbm>> -> memref<8x16xi32, #tpu.memory_space<hbm>>
        %dma_wait3A_267 = arith.constant 0 : i32
        %dma_wait3A_268 = tpu.memref_slice %arg5[%mul3A_251, %dma_wait3A_267] : memref<256x16xi32, #tpu.memory_space<hbm>> -> memref<8x16xi32, #tpu.memory_space<hbm>>
        %dma_wait3A_269 = arith.constant 0 : i32
        %dma_wait3A_270 = arith.constant 0 : i32
        %dma_wait3A_271 = tpu.memref_slice %arg9[%dma_wait3A_269, %dma_wait3A_270] : memref<32x16xi32, #tpu.memory_space<vmem>> -> memref<8x16xi32, #tpu.memory_space<vmem>>
        tpu.wait_dma2 semaphore(%run_scoped3A : memref<!tpu.dma_semaphore, #tpu.memory_space<semaphore_mem>>) src(%dma_wait3A_271 : memref<8x16xi32, #tpu.memory_space<vmem>>) dst(%dma_wait3A_268 : memref<8x16xi32, #tpu.memory_space<hbm>>)
        tpu.yield
      }) : () -> ()
    } else {
    }
    %not3A = arith.constant true
    %not3A_34 = arith.xori %le3A, %not3A : i1
    %eq3A = arith.constant 0 : i32
    %eq3A_35 = arith.cmpi eq, %add3A, %eq3A : i32
    %and3A = arith.andi %not3A_34, %eq3A_35 : i1
    %convert_element_type3A_36 = arith.extui %and3A : i1 to i32
    %cond3A_37 = arith.constant 0 : i32
    %cond3A_38 = arith.cmpi ne, %convert_element_type3A_36, %cond3A_37 : i32
    scf.if %cond3A_38 {
      %broadcast_in_dim3A = arith.constant 0 : i32
      %broadcast_in_dim3A_39 = vector.broadcast %broadcast_in_dim3A : i32 to vector<16xi32>
      %swap3A = arith.constant 0 : index
      %swap3A_40 = tpu.vector_load %arg10[%swap3A] {strides = array<i32>} : memref<16xi32, #tpu.memory_space<vmem>>, vector<16xi32>,
      tpu.vector_store %arg10[%swap3A], %broadcast_in_dim3A_39 {strides = array<i32>} : memref<16xi32, #tpu.memory_space<vmem>>, vector<16xi32>,
      %lt3A = arith.constant 8 : i32
      %lt3A_41 = vector.broadcast %lt3A : i32 to vector<16xi32>
      %lt3A_42 = arith.cmpi slt, %iota3A, %lt3A_41 : vector<16xi32>
      %broadcast_in_dim3A_43 = arith.constant 1 : i32
      %broadcast_in_dim3A_44 = vector.broadcast %broadcast_in_dim3A_43 : i32 to vector<16xi32>
      "tpu.region"() ({
        %run_scoped3A = tpu.sem_alloc : memref<!tpu.dma_semaphore, #tpu.memory_space<semaphore_mem>>
        %dma_start3A_92 = arith.constant 0 : i32
        %dma_start3A_93 = arith.constant 0 : i32
        %dma_start3A_94 = tpu.memref_slice %arg2[%dma_start3A_92, %dma_start3A_93] : memref<1024x16xi32, #tpu.memory_space<hbm>> -> memref<128x16xi32, #tpu.memory_space<hbm>>
        %dma_start3A_95 = arith.constant 0 : i32
        %dma_start3A_96 = arith.constant 0 : i32
        %dma_start3A_97 = tpu.memref_slice %arg2[%dma_start3A_95, %dma_start3A_96] : memref<1024x16xi32, #tpu.memory_space<hbm>> -> memref<128x16xi32, #tpu.memory_space<hbm>>
        tpu.enqueue_dma source(%dma_start3A_97 : memref<128x16xi32, #tpu.memory_space<hbm>>) target(%arg6 : memref<128x16xi32, #tpu.memory_space<vmem>>) target_semaphore(%run_scoped3A : memref<!tpu.dma_semaphore, #tpu.memory_space<semaphore_mem>>)
        %dma_wait3A_98 = arith.constant 0 : i32
        %dma_wait3A_99 = arith.constant 0 : i32
        %dma_wait3A_100 = tpu.memref_slice %arg2[%dma_wait3A_98, %dma_wait3A_99] : memref<1024x16xi32, #tpu.memory_space<hbm>> -> memref<128x16xi32, #tpu.memory_space<hbm>>
        %dma_wait3A_101 = arith.constant 0 : i32
        %dma_wait3A_102 = arith.constant 0 : i32
        %dma_wait3A_103 = tpu.memref_slice %arg2[%dma_wait3A_101, %dma_wait3A_102] : memref<1024x16xi32, #tpu.memory_space<hbm>> -> memref<128x16xi32, #tpu.memory_space<hbm>>
        tpu.wait_dma2 semaphore(%run_scoped3A : memref<!tpu.dma_semaphore, #tpu.memory_space<semaphore_mem>>) src(%dma_wait3A_103 : memref<128x16xi32, #tpu.memory_space<hbm>>) dst(%arg6 : memref<128x16xi32, #tpu.memory_space<vmem>>)
        tpu.yield
      }) : () -> ()
      %scan3A = arith.constant 0 : i32
      %scan3A_45 = arith.constant 0 : i32
      %scan3A_46 = arith.constant 256 : i32
      %scan3A_47 = arith.addi %scan3A_45, %scan3A_46 : i32
      %scan3A_48 = arith.constant 1 : i32
      scf.for %scan3A_92 = %scan3A_45 to %scan3A_47 step %scan3A_48  : i32 {
        %shift_right_arithmetic3A = arith.constant 1 : i32
        %shift_right_arithmetic3A_93 = arith.shrsi %scan3A_92, %shift_right_arithmetic3A : i32
        %broadcast_in_dim3A_94 = vector.broadcast %shift_right_arithmetic3A_93 : i32 to vector<16xi32>
        %and3A_95 = arith.constant 1 : i32
        %and3A_96 = arith.andi %scan3A_92, %and3A_95 : i32
        %mul3A_97 = arith.constant 8 : i32
        %mul3A_98 = arith.muli %mul3A_97, %and3A_96 : i32
        %jit3A = arith.constant 8 : i32
        %eq3A_99 = arith.constant 0 : i32
        %eq3A_100 = arith.cmpi eq, %jit3A, %eq3A_99 : i32
        %jit3A_101 = arith.constant 1 : i32
        %select_n3A = arith.select %eq3A_100, %jit3A_101, %jit3A : i32
        %rem3A = vector.broadcast %select_n3A : i32 to vector<16xi32>
        %rem3A_102 = arith.remsi %iota3A, %rem3A : vector<16xi32>
        %ne3A = arith.constant 0 : i32
        %ne3A_103 = vector.broadcast %ne3A : i32 to vector<16xi32>
        %ne3A_104 = arith.cmpi ne, %rem3A_102, %ne3A_103 : vector<16xi32>
        %lt3A_105 = arith.constant 0 : i32
        %lt3A_106 = vector.broadcast %lt3A_105 : i32 to vector<16xi32>
        %lt3A_107 = arith.cmpi slt, %rem3A_102, %lt3A_106 : vector<16xi32>
        %lt3A_108 = arith.constant 0 : i32
        %lt3A_109 = arith.cmpi slt, %select_n3A, %lt3A_108 : i32
        %ne3A_110 = vector.broadcast %lt3A_109 : i1 to vector<16xi1>
        %ne3A_111 = vector.broadcast %ne3A_110 : vector<16xi1> to vector<16xi1>
        %ne3A_112 = arith.xori %lt3A_107, %ne3A_111 : vector<16xi1>
        %and3A_113 = arith.andi %ne3A_112, %ne3A_104 : vector<16xi1>
        %add3A_114 = vector.broadcast %select_n3A : i32 to vector<16xi32>
        %add3A_115 = arith.addi %rem3A_102, %add3A_114 : vector<16xi32>
        %select_n3A_116 = arith.select %and3A_113, %add3A_115, %rem3A_102 : vector<16xi1>, vector<16xi32>
        %add3A_117 = vector.broadcast %mul3A_98 : i32 to vector<16xi32>
        %add3A_118 = arith.addi %add3A_117, %select_n3A_116 : vector<16xi32>
        %gather3A = tpu.vector_load_idx %arg6[%broadcast_in_dim3A_94, %add3A_118] : memref<128x16xi32, #tpu.memory_space<vmem>>[vector<16xi32>, vector<16xi32>], vector<16xi32>,
        %gather3A_119 = tpu.vector_load_idx %arg10[%gather3A] : memref<16xi32, #tpu.memory_space<vmem>>[vector<16xi32>], vector<16xi32>,
        %lt3A_120 = vector.broadcast %squeeze3A_23 : i32 to vector<16xi32>
        %lt3A_121 = arith.cmpi slt, %gather3A_119, %lt3A_120 : vector<16xi32>
        %and3A_122 = arith.andi %lt3A_121, %lt3A_42 : vector<16xi1>
        %convert_element_type3A_123 = arith.extui %and3A_122 : vector<16xi1> to vector<16xi32>
        %broadcast_in_dim3A_124 = arith.constant true
        %broadcast_in_dim3A_125 = vector.broadcast %broadcast_in_dim3A_124 : i1 to vector<16xi1>
        %masked_cumsum3A = tpu.scan <sum>, %convert_element_type3A_123 masked %broadcast_in_dim3A_125 : vector<16xi32>, vector<16xi1> -> vector<16xi32>
        %le3A_126 = vector.broadcast %squeeze3A : i32 to vector<16xi32>
        %le3A_127 = arith.cmpi sle, %masked_cumsum3A, %le3A_126 : vector<16xi32>
        %and3A_128 = arith.andi %and3A_122, %le3A_127 : vector<16xi1>
        %convert_element_type3A_129 = arith.extui %and3A_128 : vector<16xi1> to vector<16xi32>
        %broadcast_in_dim3A_130 = arith.constant true
        %broadcast_in_dim3A_131 = vector.broadcast %broadcast_in_dim3A_130 : i1 to vector<16xi1>
        %masked_cumsum3A_132 = tpu.scan <sum>, %convert_element_type3A_129 masked %broadcast_in_dim3A_131 : vector<16xi32>, vector<16xi1> -> vector<16xi32>
        %eq3A_133 = arith.constant 1 : i32
        %eq3A_134 = vector.broadcast %eq3A_133 : i32 to vector<16xi32>
        %eq3A_135 = arith.cmpi eq, %masked_cumsum3A_132, %eq3A_134 : vector<16xi32>
        %and3A_136 = arith.andi %and3A_128, %eq3A_135 : vector<16xi1>
        %add3A_137 = arith.constant 1 : i32
        %add3A_138 = vector.broadcast %add3A_137 : i32 to vector<16xi32>
        %add3A_139 = arith.addi %gather3A, %add3A_138 : vector<16xi32>
        %jit3A_140 = arith.constant 0 : i32
        %broadcast_in_dim3A_141 = vector.broadcast %jit3A_140 : i32 to vector<16xi32>
        %select_n3A_142 = arith.select %and3A_136, %add3A_139, %broadcast_in_dim3A_141 : vector<16xi1>, vector<16xi32>
        %reduce_sum3A = arith.constant true
        %reduce_sum3A_143 = vector.broadcast %reduce_sum3A : i1 to vector<16xi1>
        %reduce_sum3A_144 = tpu.scan <sum>, %select_n3A_142 masked %reduce_sum3A_143 : vector<16xi32>, vector<16xi1> -> vector<16xi32>
        %reduce_sum3A_145 = vector.extract %reduce_sum3A_144[15] : i32 from vector<16xi32>
        %sub3A = arith.constant 1 : i32
        %sub3A_146 = arith.subi %reduce_sum3A_145, %sub3A : i32
        %eq3A_147 = arith.constant 2 : i32
        %eq3A_148 = vector.broadcast %eq3A_147 : i32 to vector<16xi32>
        %eq3A_149 = arith.cmpi eq, %masked_cumsum3A_132, %eq3A_148 : vector<16xi32>
        %and3A_150 = arith.andi %and3A_128, %eq3A_149 : vector<16xi1>
        %add3A_151 = arith.constant 1 : i32
        %add3A_152 = vector.broadcast %add3A_151 : i32 to vector<16xi32>
        %add3A_153 = arith.addi %gather3A, %add3A_152 : vector<16xi32>
        %jit3A_154 = arith.constant 0 : i32
        %broadcast_in_dim3A_155 = vector.broadcast %jit3A_154 : i32 to vector<16xi32>
        %select_n3A_156 = arith.select %and3A_150, %add3A_153, %broadcast_in_dim3A_155 : vector<16xi1>, vector<16xi32>
        %reduce_sum3A_157 = arith.constant true
        %reduce_sum3A_158 = vector.broadcast %reduce_sum3A_157 : i1 to vector<16xi1>
        %reduce_sum3A_159 = tpu.scan <sum>, %select_n3A_156 masked %reduce_sum3A_158 : vector<16xi32>, vector<16xi1> -> vector<16xi32>
        %reduce_sum3A_160 = vector.extract %reduce_sum3A_159[15] : i32 from vector<16xi32>
        %sub3A_161 = arith.constant 1 : i32
        %sub3A_162 = arith.subi %reduce_sum3A_160, %sub3A_161 : i32
        tpu.vector_store_idx %arg10[%gather3A], %broadcast_in_dim3A_44 masked %and3A_128 {add = true} : memref<16xi32, #tpu.memory_space<vmem>>[vector<16xi32>], vector<16xi32>, vector<16xi1>
        %eq3A_163 = arith.constant 0 : i32
        %eq3A_164 = vector.broadcast %eq3A_163 : i32 to vector<16xi32>
        %eq3A_165 = arith.cmpi eq, %iota3A, %eq3A_164 : vector<16xi32>
        %broadcast_in_dim3A_166 = vector.broadcast %sub3A_146 : i32 to vector<16xi32>
        %broadcast_in_dim3A_167 = vector.broadcast %sub3A_162 : i32 to vector<16xi32>
        %select_n3A_168 = arith.select %eq3A_165, %broadcast_in_dim3A_166, %broadcast_in_dim3A_167 : vector<16xi1>, vector<16xi32>
        %shift_right_arithmetic3A_169 = arith.constant 3 : i32
        %shift_right_arithmetic3A_170 = arith.shrsi %scan3A_92, %shift_right_arithmetic3A_169 : i32
        %broadcast_in_dim3A_171 = vector.broadcast %shift_right_arithmetic3A_170 : i32 to vector<16xi32>
        %and3A_172 = arith.constant 7 : i32
        %and3A_173 = arith.andi %scan3A_92, %and3A_172 : i32
        %mul3A_174 = arith.constant 2 : i32
        %mul3A_175 = arith.muli %mul3A_174, %and3A_173 : i32
        %add3A_176 = vector.broadcast %mul3A_175 : i32 to vector<16xi32>
        %add3A_177 = arith.addi %add3A_176, %iota3A : vector<16xi32>
        %lt3A_178 = arith.constant 2 : i32
        %lt3A_179 = vector.broadcast %lt3A_178 : i32 to vector<16xi32>
        %lt3A_180 = arith.cmpi slt, %iota3A, %lt3A_179 : vector<16xi32>
        tpu.vector_store_idx %arg9[%broadcast_in_dim3A_171, %add3A_177], %select_n3A_168 masked %lt3A_180 : memref<32x16xi32, #tpu.memory_space<vmem>>[vector<16xi32>, vector<16xi32>], vector<16xi32>, vector<16xi1>
      }
      %scan3A_49 = arith.constant 256 : i32
      "tpu.region"() ({
        %run_scoped3A = tpu.sem_alloc : memref<!tpu.dma_semaphore, #tpu.memory_space<semaphore_mem>>
        %dma_start3A_92 = arith.constant 0 : i32
        %dma_start3A_93 = arith.constant 0 : i32
        %dma_start3A_94 = tpu.memref_slice %arg5[%dma_start3A_92, %dma_start3A_93] : memref<256x16xi32, #tpu.memory_space<hbm>> -> memref<32x16xi32, #tpu.memory_space<hbm>>
        %dma_start3A_95 = arith.constant 0 : i32
        %dma_start3A_96 = arith.constant 0 : i32
        %dma_start3A_97 = tpu.memref_slice %arg5[%dma_start3A_95, %dma_start3A_96] : memref<256x16xi32, #tpu.memory_space<hbm>> -> memref<32x16xi32, #tpu.memory_space<hbm>>
        tpu.enqueue_dma source(%arg9 : memref<32x16xi32, #tpu.memory_space<vmem>>) target(%dma_start3A_97 : memref<32x16xi32, #tpu.memory_space<hbm>>) target_semaphore(%run_scoped3A : memref<!tpu.dma_semaphore, #tpu.memory_space<semaphore_mem>>)
        %dma_wait3A_98 = arith.constant 0 : i32
        %dma_wait3A_99 = arith.constant 0 : i32
        %dma_wait3A_100 = tpu.memref_slice %arg5[%dma_wait3A_98, %dma_wait3A_99] : memref<256x16xi32, #tpu.memory_space<hbm>> -> memref<32x16xi32, #tpu.memory_space<hbm>>
        %dma_wait3A_101 = arith.constant 0 : i32
        %dma_wait3A_102 = arith.constant 0 : i32
        %dma_wait3A_103 = tpu.memref_slice %arg5[%dma_wait3A_101, %dma_wait3A_102] : memref<256x16xi32, #tpu.memory_space<hbm>> -> memref<32x16xi32, #tpu.memory_space<hbm>>
        tpu.wait_dma2 semaphore(%run_scoped3A : memref<!tpu.dma_semaphore, #tpu.memory_space<semaphore_mem>>) src(%arg9 : memref<32x16xi32, #tpu.memory_space<vmem>>) dst(%dma_wait3A_103 : memref<32x16xi32, #tpu.memory_space<hbm>>)
        tpu.yield
      }) : () -> ()
      "tpu.region"() ({
        %run_scoped3A = tpu.sem_alloc : memref<!tpu.dma_semaphore, #tpu.memory_space<semaphore_mem>>
        %dma_start3A_92 = arith.constant 128 : i32
        %dma_start3A_93 = arith.constant 0 : i32
        %dma_start3A_94 = tpu.memref_slice %arg2[%dma_start3A_92, %dma_start3A_93] : memref<1024x16xi32, #tpu.memory_space<hbm>> -> memref<128x16xi32, #tpu.memory_space<hbm>>
        %dma_start3A_95 = arith.constant 128 : i32
        %dma_start3A_96 = arith.constant 0 : i32
        %dma_start3A_97 = tpu.memref_slice %arg2[%dma_start3A_95, %dma_start3A_96] : memref<1024x16xi32, #tpu.memory_space<hbm>> -> memref<128x16xi32, #tpu.memory_space<hbm>>
        tpu.enqueue_dma source(%dma_start3A_97 : memref<128x16xi32, #tpu.memory_space<hbm>>) target(%arg6 : memref<128x16xi32, #tpu.memory_space<vmem>>) target_semaphore(%run_scoped3A : memref<!tpu.dma_semaphore, #tpu.memory_space<semaphore_mem>>)
        %dma_wait3A_98 = arith.constant 128 : i32
        %dma_wait3A_99 = arith.constant 0 : i32
        %dma_wait3A_100 = tpu.memref_slice %arg2[%dma_wait3A_98, %dma_wait3A_99] : memref<1024x16xi32, #tpu.memory_space<hbm>> -> memref<128x16xi32, #tpu.memory_space<hbm>>
        %dma_wait3A_101 = arith.constant 128 : i32
        %dma_wait3A_102 = arith.constant 0 : i32
        %dma_wait3A_103 = tpu.memref_slice %arg2[%dma_wait3A_101, %dma_wait3A_102] : memref<1024x16xi32, #tpu.memory_space<hbm>> -> memref<128x16xi32, #tpu.memory_space<hbm>>
        tpu.wait_dma2 semaphore(%run_scoped3A : memref<!tpu.dma_semaphore, #tpu.memory_space<semaphore_mem>>) src(%dma_wait3A_103 : memref<128x16xi32, #tpu.memory_space<hbm>>) dst(%arg6 : memref<128x16xi32, #tpu.memory_space<vmem>>)
        tpu.yield
      }) : () -> ()
      %scan3A_50 = arith.constant 0 : i32
      %scan3A_51 = arith.constant 0 : i32
      %scan3A_52 = arith.constant 256 : i32
      %scan3A_53 = arith.addi %scan3A_51, %scan3A_52 : i32
      %scan3A_54 = arith.constant 1 : i32
      scf.for %scan3A_92 = %scan3A_51 to %scan3A_53 step %scan3A_54  : i32 {
        %shift_right_arithmetic3A = arith.constant 1 : i32
        %shift_right_arithmetic3A_93 = arith.shrsi %scan3A_92, %shift_right_arithmetic3A : i32
        %broadcast_in_dim3A_94 = vector.broadcast %shift_right_arithmetic3A_93 : i32 to vector<16xi32>
        %and3A_95 = arith.constant 1 : i32
        %and3A_96 = arith.andi %scan3A_92, %and3A_95 : i32
        %mul3A_97 = arith.constant 8 : i32
        %mul3A_98 = arith.muli %mul3A_97, %and3A_96 : i32
        %jit3A = arith.constant 8 : i32
        %eq3A_99 = arith.constant 0 : i32
        %eq3A_100 = arith.cmpi eq, %jit3A, %eq3A_99 : i32
        %jit3A_101 = arith.constant 1 : i32
        %select_n3A = arith.select %eq3A_100, %jit3A_101, %jit3A : i32
        %rem3A = vector.broadcast %select_n3A : i32 to vector<16xi32>
        %rem3A_102 = arith.remsi %iota3A, %rem3A : vector<16xi32>
        %ne3A = arith.constant 0 : i32
        %ne3A_103 = vector.broadcast %ne3A : i32 to vector<16xi32>
        %ne3A_104 = arith.cmpi ne, %rem3A_102, %ne3A_103 : vector<16xi32>
        %lt3A_105 = arith.constant 0 : i32
        %lt3A_106 = vector.broadcast %lt3A_105 : i32 to vector<16xi32>
        %lt3A_107 = arith.cmpi slt, %rem3A_102, %lt3A_106 : vector<16xi32>
        %lt3A_108 = arith.constant 0 : i32
        %lt3A_109 = arith.cmpi slt, %select_n3A, %lt3A_108 : i32
        %ne3A_110 = vector.broadcast %lt3A_109 : i1 to vector<16xi1>
        %ne3A_111 = vector.broadcast %ne3A_110 : vector<16xi1> to vector<16xi1>
        %ne3A_112 = arith.xori %lt3A_107, %ne3A_111 : vector<16xi1>
        %and3A_113 = arith.andi %ne3A_112, %ne3A_104 : vector<16xi1>
        %add3A_114 = vector.broadcast %select_n3A : i32 to vector<16xi32>
        %add3A_115 = arith.addi %rem3A_102, %add3A_114 : vector<16xi32>
        %select_n3A_116 = arith.select %and3A_113, %add3A_115, %rem3A_102 : vector<16xi1>, vector<16xi32>
        %add3A_117 = vector.broadcast %mul3A_98 : i32 to vector<16xi32>
        %add3A_118 = arith.addi %add3A_117, %select_n3A_116 : vector<16xi32>
        %gather3A = tpu.vector_load_idx %arg6[%broadcast_in_dim3A_94, %add3A_118] : memref<128x16xi32, #tpu.memory_space<vmem>>[vector<16xi32>, vector<16xi32>], vector<16xi32>,
        %gather3A_119 = tpu.vector_load_idx %arg10[%gather3A] : memref<16xi32, #tpu.memory_space<vmem>>[vector<16xi32>], vector<16xi32>,
        %lt3A_120 = vector.broadcast %squeeze3A_23 : i32 to vector<16xi32>
        %lt3A_121 = arith.cmpi slt, %gather3A_119, %lt3A_120 : vector<16xi32>
        %and3A_122 = arith.andi %lt3A_121, %lt3A_42 : vector<16xi1>
        %convert_element_type3A_123 = arith.extui %and3A_122 : vector<16xi1> to vector<16xi32>
        %broadcast_in_dim3A_124 = arith.constant true
        %broadcast_in_dim3A_125 = vector.broadcast %broadcast_in_dim3A_124 : i1 to vector<16xi1>
        %masked_cumsum3A = tpu.scan <sum>, %convert_element_type3A_123 masked %broadcast_in_dim3A_125 : vector<16xi32>, vector<16xi1> -> vector<16xi32>
        %le3A_126 = vector.broadcast %squeeze3A : i32 to vector<16xi32>
        %le3A_127 = arith.cmpi sle, %masked_cumsum3A, %le3A_126 : vector<16xi32>
        %and3A_128 = arith.andi %and3A_122, %le3A_127 : vector<16xi1>
        %convert_element_type3A_129 = arith.extui %and3A_128 : vector<16xi1> to vector<16xi32>
        %broadcast_in_dim3A_130 = arith.constant true
        %broadcast_in_dim3A_131 = vector.broadcast %broadcast_in_dim3A_130 : i1 to vector<16xi1>
        %masked_cumsum3A_132 = tpu.scan <sum>, %convert_element_type3A_129 masked %broadcast_in_dim3A_131 : vector<16xi32>, vector<16xi1> -> vector<16xi32>
        %eq3A_133 = arith.constant 1 : i32
        %eq3A_134 = vector.broadcast %eq3A_133 : i32 to vector<16xi32>
        %eq3A_135 = arith.cmpi eq, %masked_cumsum3A_132, %eq3A_134 : vector<16xi32>
        %and3A_136 = arith.andi %and3A_128, %eq3A_135 : vector<16xi1>
        %add3A_137 = arith.constant 1 : i32
        %add3A_138 = vector.broadcast %add3A_137 : i32 to vector<16xi32>
        %add3A_139 = arith.addi %gather3A, %add3A_138 : vector<16xi32>
        %jit3A_140 = arith.constant 0 : i32
        %broadcast_in_dim3A_141 = vector.broadcast %jit3A_140 : i32 to vector<16xi32>
        %select_n3A_142 = arith.select %and3A_136, %add3A_139, %broadcast_in_dim3A_141 : vector<16xi1>, vector<16xi32>
        %reduce_sum3A = arith.constant true
        %reduce_sum3A_143 = vector.broadcast %reduce_sum3A : i1 to vector<16xi1>
        %reduce_sum3A_144 = tpu.scan <sum>, %select_n3A_142 masked %reduce_sum3A_143 : vector<16xi32>, vector<16xi1> -> vector<16xi32>
        %reduce_sum3A_145 = vector.extract %reduce_sum3A_144[15] : i32 from vector<16xi32>
        %sub3A = arith.constant 1 : i32
        %sub3A_146 = arith.subi %reduce_sum3A_145, %sub3A : i32
        %eq3A_147 = arith.constant 2 : i32
        %eq3A_148 = vector.broadcast %eq3A_147 : i32 to vector<16xi32>
        %eq3A_149 = arith.cmpi eq, %masked_cumsum3A_132, %eq3A_148 : vector<16xi32>
        %and3A_150 = arith.andi %and3A_128, %eq3A_149 : vector<16xi1>
        %add3A_151 = arith.constant 1 : i32
        %add3A_152 = vector.broadcast %add3A_151 : i32 to vector<16xi32>
        %add3A_153 = arith.addi %gather3A, %add3A_152 : vector<16xi32>
        %jit3A_154 = arith.constant 0 : i32
        %broadcast_in_dim3A_155 = vector.broadcast %jit3A_154 : i32 to vector<16xi32>
        %select_n3A_156 = arith.select %and3A_150, %add3A_153, %broadcast_in_dim3A_155 : vector<16xi1>, vector<16xi32>
        %reduce_sum3A_157 = arith.constant true
        %reduce_sum3A_158 = vector.broadcast %reduce_sum3A_157 : i1 to vector<16xi1>
        %reduce_sum3A_159 = tpu.scan <sum>, %select_n3A_156 masked %reduce_sum3A_158 : vector<16xi32>, vector<16xi1> -> vector<16xi32>
        %reduce_sum3A_160 = vector.extract %reduce_sum3A_159[15] : i32 from vector<16xi32>
        %sub3A_161 = arith.constant 1 : i32
        %sub3A_162 = arith.subi %reduce_sum3A_160, %sub3A_161 : i32
        tpu.vector_store_idx %arg10[%gather3A], %broadcast_in_dim3A_44 masked %and3A_128 {add = true} : memref<16xi32, #tpu.memory_space<vmem>>[vector<16xi32>], vector<16xi32>, vector<16xi1>
        %eq3A_163 = arith.constant 0 : i32
        %eq3A_164 = vector.broadcast %eq3A_163 : i32 to vector<16xi32>
        %eq3A_165 = arith.cmpi eq, %iota3A, %eq3A_164 : vector<16xi32>
        %broadcast_in_dim3A_166 = vector.broadcast %sub3A_146 : i32 to vector<16xi32>
        %broadcast_in_dim3A_167 = vector.broadcast %sub3A_162 : i32 to vector<16xi32>
        %select_n3A_168 = arith.select %eq3A_165, %broadcast_in_dim3A_166, %broadcast_in_dim3A_167 : vector<16xi1>, vector<16xi32>
        %shift_right_arithmetic3A_169 = arith.constant 3 : i32
        %shift_right_arithmetic3A_170 = arith.shrsi %scan3A_92, %shift_right_arithmetic3A_169 : i32
        %broadcast_in_dim3A_171 = vector.broadcast %shift_right_arithmetic3A_170 : i32 to vector<16xi32>
        %and3A_172 = arith.constant 7 : i32
        %and3A_173 = arith.andi %scan3A_92, %and3A_172 : i32
        %mul3A_174 = arith.constant 2 : i32
        %mul3A_175 = arith.muli %mul3A_174, %and3A_173 : i32
        %add3A_176 = vector.broadcast %mul3A_175 : i32 to vector<16xi32>
        %add3A_177 = arith.addi %add3A_176, %iota3A : vector<16xi32>
        %lt3A_178 = arith.constant 2 : i32
        %lt3A_179 = vector.broadcast %lt3A_178 : i32 to vector<16xi32>
        %lt3A_180 = arith.cmpi slt, %iota3A, %lt3A_179 : vector<16xi32>
        tpu.vector_store_idx %arg9[%broadcast_in_dim3A_171, %add3A_177], %select_n3A_168 masked %lt3A_180 : memref<32x16xi32, #tpu.memory_space<vmem>>[vector<16xi32>, vector<16xi32>], vector<16xi32>, vector<16xi1>
      }
      %scan3A_55 = arith.constant 256 : i32
      "tpu.region"() ({
        %run_scoped3A = tpu.sem_alloc : memref<!tpu.dma_semaphore, #tpu.memory_space<semaphore_mem>>
        %dma_start3A_92 = arith.constant 32 : i32
        %dma_start3A_93 = arith.constant 0 : i32
        %dma_start3A_94 = tpu.memref_slice %arg5[%dma_start3A_92, %dma_start3A_93] : memref<256x16xi32, #tpu.memory_space<hbm>> -> memref<32x16xi32, #tpu.memory_space<hbm>>
        %dma_start3A_95 = arith.constant 32 : i32
        %dma_start3A_96 = arith.constant 0 : i32
        %dma_start3A_97 = tpu.memref_slice %arg5[%dma_start3A_95, %dma_start3A_96] : memref<256x16xi32, #tpu.memory_space<hbm>> -> memref<32x16xi32, #tpu.memory_space<hbm>>
        tpu.enqueue_dma source(%arg9 : memref<32x16xi32, #tpu.memory_space<vmem>>) target(%dma_start3A_97 : memref<32x16xi32, #tpu.memory_space<hbm>>) target_semaphore(%run_scoped3A : memref<!tpu.dma_semaphore, #tpu.memory_space<semaphore_mem>>)
        %dma_wait3A_98 = arith.constant 32 : i32
        %dma_wait3A_99 = arith.constant 0 : i32
        %dma_wait3A_100 = tpu.memref_slice %arg5[%dma_wait3A_98, %dma_wait3A_99] : memref<256x16xi32, #tpu.memory_space<hbm>> -> memref<32x16xi32, #tpu.memory_space<hbm>>
        %dma_wait3A_101 = arith.constant 32 : i32
        %dma_wait3A_102 = arith.constant 0 : i32
        %dma_wait3A_103 = tpu.memref_slice %arg5[%dma_wait3A_101, %dma_wait3A_102] : memref<256x16xi32, #tpu.memory_space<hbm>> -> memref<32x16xi32, #tpu.memory_space<hbm>>
        tpu.wait_dma2 semaphore(%run_scoped3A : memref<!tpu.dma_semaphore, #tpu.memory_space<semaphore_mem>>) src(%arg9 : memref<32x16xi32, #tpu.memory_space<vmem>>) dst(%dma_wait3A_103 : memref<32x16xi32, #tpu.memory_space<hbm>>)
        tpu.yield
      }) : () -> ()
      "tpu.region"() ({
        %run_scoped3A = tpu.sem_alloc : memref<!tpu.dma_semaphore, #tpu.memory_space<semaphore_mem>>
        %dma_start3A_92 = arith.constant 256 : i32
        %dma_start3A_93 = arith.constant 0 : i32
        %dma_start3A_94 = tpu.memref_slice %arg2[%dma_start3A_92, %dma_start3A_93] : memref<1024x16xi32, #tpu.memory_space<hbm>> -> memref<128x16xi32, #tpu.memory_space<hbm>>
        %dma_start3A_95 = arith.constant 256 : i32
        %dma_start3A_96 = arith.constant 0 : i32
        %dma_start3A_97 = tpu.memref_slice %arg2[%dma_start3A_95, %dma_start3A_96] : memref<1024x16xi32, #tpu.memory_space<hbm>> -> memref<128x16xi32, #tpu.memory_space<hbm>>
        tpu.enqueue_dma source(%dma_start3A_97 : memref<128x16xi32, #tpu.memory_space<hbm>>) target(%arg6 : memref<128x16xi32, #tpu.memory_space<vmem>>) target_semaphore(%run_scoped3A : memref<!tpu.dma_semaphore, #tpu.memory_space<semaphore_mem>>)
        %dma_wait3A_98 = arith.constant 256 : i32
        %dma_wait3A_99 = arith.constant 0 : i32
        %dma_wait3A_100 = tpu.memref_slice %arg2[%dma_wait3A_98, %dma_wait3A_99] : memref<1024x16xi32, #tpu.memory_space<hbm>> -> memref<128x16xi32, #tpu.memory_space<hbm>>
        %dma_wait3A_101 = arith.constant 256 : i32
        %dma_wait3A_102 = arith.constant 0 : i32
        %dma_wait3A_103 = tpu.memref_slice %arg2[%dma_wait3A_101, %dma_wait3A_102] : memref<1024x16xi32, #tpu.memory_space<hbm>> -> memref<128x16xi32, #tpu.memory_space<hbm>>
        tpu.wait_dma2 semaphore(%run_scoped3A : memref<!tpu.dma_semaphore, #tpu.memory_space<semaphore_mem>>) src(%dma_wait3A_103 : memref<128x16xi32, #tpu.memory_space<hbm>>) dst(%arg6 : memref<128x16xi32, #tpu.memory_space<vmem>>)
        tpu.yield
      }) : () -> ()
      %scan3A_56 = arith.constant 0 : i32
      %scan3A_57 = arith.constant 0 : i32
      %scan3A_58 = arith.constant 256 : i32
      %scan3A_59 = arith.addi %scan3A_57, %scan3A_58 : i32
      %scan3A_60 = arith.constant 1 : i32
      scf.for %scan3A_92 = %scan3A_57 to %scan3A_59 step %scan3A_60  : i32 {
        %shift_right_arithmetic3A = arith.constant 1 : i32
        %shift_right_arithmetic3A_93 = arith.shrsi %scan3A_92, %shift_right_arithmetic3A : i32
        %broadcast_in_dim3A_94 = vector.broadcast %shift_right_arithmetic3A_93 : i32 to vector<16xi32>
        %and3A_95 = arith.constant 1 : i32
        %and3A_96 = arith.andi %scan3A_92, %and3A_95 : i32
        %mul3A_97 = arith.constant 8 : i32
        %mul3A_98 = arith.muli %mul3A_97, %and3A_96 : i32
        %jit3A = arith.constant 8 : i32
        %eq3A_99 = arith.constant 0 : i32
        %eq3A_100 = arith.cmpi eq, %jit3A, %eq3A_99 : i32
        %jit3A_101 = arith.constant 1 : i32
        %select_n3A = arith.select %eq3A_100, %jit3A_101, %jit3A : i32
        %rem3A = vector.broadcast %select_n3A : i32 to vector<16xi32>
        %rem3A_102 = arith.remsi %iota3A, %rem3A : vector<16xi32>
        %ne3A = arith.constant 0 : i32
        %ne3A_103 = vector.broadcast %ne3A : i32 to vector<16xi32>
        %ne3A_104 = arith.cmpi ne, %rem3A_102, %ne3A_103 : vector<16xi32>
        %lt3A_105 = arith.constant 0 : i32
        %lt3A_106 = vector.broadcast %lt3A_105 : i32 to vector<16xi32>
        %lt3A_107 = arith.cmpi slt, %rem3A_102, %lt3A_106 : vector<16xi32>
        %lt3A_108 = arith.constant 0 : i32
        %lt3A_109 = arith.cmpi slt, %select_n3A, %lt3A_108 : i32
        %ne3A_110 = vector.broadcast %lt3A_109 : i1 to vector<16xi1>
        %ne3A_111 = vector.broadcast %ne3A_110 : vector<16xi1> to vector<16xi1>
        %ne3A_112 = arith.xori %lt3A_107, %ne3A_111 : vector<16xi1>
        %and3A_113 = arith.andi %ne3A_112, %ne3A_104 : vector<16xi1>
        %add3A_114 = vector.broadcast %select_n3A : i32 to vector<16xi32>
        %add3A_115 = arith.addi %rem3A_102, %add3A_114 : vector<16xi32>
        %select_n3A_116 = arith.select %and3A_113, %add3A_115, %rem3A_102 : vector<16xi1>, vector<16xi32>
        %add3A_117 = vector.broadcast %mul3A_98 : i32 to vector<16xi32>
        %add3A_118 = arith.addi %add3A_117, %select_n3A_116 : vector<16xi32>
        %gather3A = tpu.vector_load_idx %arg6[%broadcast_in_dim3A_94, %add3A_118] : memref<128x16xi32, #tpu.memory_space<vmem>>[vector<16xi32>, vector<16xi32>], vector<16xi32>,
        %gather3A_119 = tpu.vector_load_idx %arg10[%gather3A] : memref<16xi32, #tpu.memory_space<vmem>>[vector<16xi32>], vector<16xi32>,
        %lt3A_120 = vector.broadcast %squeeze3A_23 : i32 to vector<16xi32>
        %lt3A_121 = arith.cmpi slt, %gather3A_119, %lt3A_120 : vector<16xi32>
        %and3A_122 = arith.andi %lt3A_121, %lt3A_42 : vector<16xi1>
        %convert_element_type3A_123 = arith.extui %and3A_122 : vector<16xi1> to vector<16xi32>
        %broadcast_in_dim3A_124 = arith.constant true
        %broadcast_in_dim3A_125 = vector.broadcast %broadcast_in_dim3A_124 : i1 to vector<16xi1>
        %masked_cumsum3A = tpu.scan <sum>, %convert_element_type3A_123 masked %broadcast_in_dim3A_125 : vector<16xi32>, vector<16xi1> -> vector<16xi32>
        %le3A_126 = vector.broadcast %squeeze3A : i32 to vector<16xi32>
        %le3A_127 = arith.cmpi sle, %masked_cumsum3A, %le3A_126 : vector<16xi32>
        %and3A_128 = arith.andi %and3A_122, %le3A_127 : vector<16xi1>
        %convert_element_type3A_129 = arith.extui %and3A_128 : vector<16xi1> to vector<16xi32>
        %broadcast_in_dim3A_130 = arith.constant true
        %broadcast_in_dim3A_131 = vector.broadcast %broadcast_in_dim3A_130 : i1 to vector<16xi1>
        %masked_cumsum3A_132 = tpu.scan <sum>, %convert_element_type3A_129 masked %broadcast_in_dim3A_131 : vector<16xi32>, vector<16xi1> -> vector<16xi32>
        %eq3A_133 = arith.constant 1 : i32
        %eq3A_134 = vector.broadcast %eq3A_133 : i32 to vector<16xi32>
        %eq3A_135 = arith.cmpi eq, %masked_cumsum3A_132, %eq3A_134 : vector<16xi32>
        %and3A_136 = arith.andi %and3A_128, %eq3A_135 : vector<16xi1>
        %add3A_137 = arith.constant 1 : i32
        %add3A_138 = vector.broadcast %add3A_137 : i32 to vector<16xi32>
        %add3A_139 = arith.addi %gather3A, %add3A_138 : vector<16xi32>
        %jit3A_140 = arith.constant 0 : i32
        %broadcast_in_dim3A_141 = vector.broadcast %jit3A_140 : i32 to vector<16xi32>
        %select_n3A_142 = arith.select %and3A_136, %add3A_139, %broadcast_in_dim3A_141 : vector<16xi1>, vector<16xi32>
        %reduce_sum3A = arith.constant true
        %reduce_sum3A_143 = vector.broadcast %reduce_sum3A : i1 to vector<16xi1>
        %reduce_sum3A_144 = tpu.scan <sum>, %select_n3A_142 masked %reduce_sum3A_143 : vector<16xi32>, vector<16xi1> -> vector<16xi32>
        %reduce_sum3A_145 = vector.extract %reduce_sum3A_144[15] : i32 from vector<16xi32>
        %sub3A = arith.constant 1 : i32
        %sub3A_146 = arith.subi %reduce_sum3A_145, %sub3A : i32
        %eq3A_147 = arith.constant 2 : i32
        %eq3A_148 = vector.broadcast %eq3A_147 : i32 to vector<16xi32>
        %eq3A_149 = arith.cmpi eq, %masked_cumsum3A_132, %eq3A_148 : vector<16xi32>
        %and3A_150 = arith.andi %and3A_128, %eq3A_149 : vector<16xi1>
        %add3A_151 = arith.constant 1 : i32
        %add3A_152 = vector.broadcast %add3A_151 : i32 to vector<16xi32>
        %add3A_153 = arith.addi %gather3A, %add3A_152 : vector<16xi32>
        %jit3A_154 = arith.constant 0 : i32
        %broadcast_in_dim3A_155 = vector.broadcast %jit3A_154 : i32 to vector<16xi32>
        %select_n3A_156 = arith.select %and3A_150, %add3A_153, %broadcast_in_dim3A_155 : vector<16xi1>, vector<16xi32>
        %reduce_sum3A_157 = arith.constant true
        %reduce_sum3A_158 = vector.broadcast %reduce_sum3A_157 : i1 to vector<16xi1>
        %reduce_sum3A_159 = tpu.scan <sum>, %select_n3A_156 masked %reduce_sum3A_158 : vector<16xi32>, vector<16xi1> -> vector<16xi32>
        %reduce_sum3A_160 = vector.extract %reduce_sum3A_159[15] : i32 from vector<16xi32>
        %sub3A_161 = arith.constant 1 : i32
        %sub3A_162 = arith.subi %reduce_sum3A_160, %sub3A_161 : i32
        tpu.vector_store_idx %arg10[%gather3A], %broadcast_in_dim3A_44 masked %and3A_128 {add = true} : memref<16xi32, #tpu.memory_space<vmem>>[vector<16xi32>], vector<16xi32>, vector<16xi1>
        %eq3A_163 = arith.constant 0 : i32
        %eq3A_164 = vector.broadcast %eq3A_163 : i32 to vector<16xi32>
        %eq3A_165 = arith.cmpi eq, %iota3A, %eq3A_164 : vector<16xi32>
        %broadcast_in_dim3A_166 = vector.broadcast %sub3A_146 : i32 to vector<16xi32>
        %broadcast_in_dim3A_167 = vector.broadcast %sub3A_162 : i32 to vector<16xi32>
        %select_n3A_168 = arith.select %eq3A_165, %broadcast_in_dim3A_166, %broadcast_in_dim3A_167 : vector<16xi1>, vector<16xi32>
        %shift_right_arithmetic3A_169 = arith.constant 3 : i32
        %shift_right_arithmetic3A_170 = arith.shrsi %scan3A_92, %shift_right_arithmetic3A_169 : i32
        %broadcast_in_dim3A_171 = vector.broadcast %shift_right_arithmetic3A_170 : i32 to vector<16xi32>
        %and3A_172 = arith.constant 7 : i32
        %and3A_173 = arith.andi %scan3A_92, %and3A_172 : i32
        %mul3A_174 = arith.constant 2 : i32
        %mul3A_175 = arith.muli %mul3A_174, %and3A_173 : i32
        %add3A_176 = vector.broadcast %mul3A_175 : i32 to vector<16xi32>
        %add3A_177 = arith.addi %add3A_176, %iota3A : vector<16xi32>
        %lt3A_178 = arith.constant 2 : i32
        %lt3A_179 = vector.broadcast %lt3A_178 : i32 to vector<16xi32>
        %lt3A_180 = arith.cmpi slt, %iota3A, %lt3A_179 : vector<16xi32>
        tpu.vector_store_idx %arg9[%broadcast_in_dim3A_171, %add3A_177], %select_n3A_168 masked %lt3A_180 : memref<32x16xi32, #tpu.memory_space<vmem>>[vector<16xi32>, vector<16xi32>], vector<16xi32>, vector<16xi1>
      }
      %scan3A_61 = arith.constant 256 : i32
      "tpu.region"() ({
        %run_scoped3A = tpu.sem_alloc : memref<!tpu.dma_semaphore, #tpu.memory_space<semaphore_mem>>
        %dma_start3A_92 = arith.constant 64 : i32
        %dma_start3A_93 = arith.constant 0 : i32
        %dma_start3A_94 = tpu.memref_slice %arg5[%dma_start3A_92, %dma_start3A_93] : memref<256x16xi32, #tpu.memory_space<hbm>> -> memref<32x16xi32, #tpu.memory_space<hbm>>
        %dma_start3A_95 = arith.constant 64 : i32
        %dma_start3A_96 = arith.constant 0 : i32
        %dma_start3A_97 = tpu.memref_slice %arg5[%dma_start3A_95, %dma_start3A_96] : memref<256x16xi32, #tpu.memory_space<hbm>> -> memref<32x16xi32, #tpu.memory_space<hbm>>
        tpu.enqueue_dma source(%arg9 : memref<32x16xi32, #tpu.memory_space<vmem>>) target(%dma_start3A_97 : memref<32x16xi32, #tpu.memory_space<hbm>>) target_semaphore(%run_scoped3A : memref<!tpu.dma_semaphore, #tpu.memory_space<semaphore_mem>>)
        %dma_wait3A_98 = arith.constant 64 : i32
        %dma_wait3A_99 = arith.constant 0 : i32
        %dma_wait3A_100 = tpu.memref_slice %arg5[%dma_wait3A_98, %dma_wait3A_99] : memref<256x16xi32, #tpu.memory_space<hbm>> -> memref<32x16xi32, #tpu.memory_space<hbm>>
        %dma_wait3A_101 = arith.constant 64 : i32
        %dma_wait3A_102 = arith.constant 0 : i32
        %dma_wait3A_103 = tpu.memref_slice %arg5[%dma_wait3A_101, %dma_wait3A_102] : memref<256x16xi32, #tpu.memory_space<hbm>> -> memref<32x16xi32, #tpu.memory_space<hbm>>
        tpu.wait_dma2 semaphore(%run_scoped3A : memref<!tpu.dma_semaphore, #tpu.memory_space<semaphore_mem>>) src(%arg9 : memref<32x16xi32, #tpu.memory_space<vmem>>) dst(%dma_wait3A_103 : memref<32x16xi32, #tpu.memory_space<hbm>>)
        tpu.yield
      }) : () -> ()
      "tpu.region"() ({
        %run_scoped3A = tpu.sem_alloc : memref<!tpu.dma_semaphore, #tpu.memory_space<semaphore_mem>>
        %dma_start3A_92 = arith.constant 384 : i32
        %dma_start3A_93 = arith.constant 0 : i32
        %dma_start3A_94 = tpu.memref_slice %arg2[%dma_start3A_92, %dma_start3A_93] : memref<1024x16xi32, #tpu.memory_space<hbm>> -> memref<128x16xi32, #tpu.memory_space<hbm>>
        %dma_start3A_95 = arith.constant 384 : i32
        %dma_start3A_96 = arith.constant 0 : i32
        %dma_start3A_97 = tpu.memref_slice %arg2[%dma_start3A_95, %dma_start3A_96] : memref<1024x16xi32, #tpu.memory_space<hbm>> -> memref<128x16xi32, #tpu.memory_space<hbm>>
        tpu.enqueue_dma source(%dma_start3A_97 : memref<128x16xi32, #tpu.memory_space<hbm>>) target(%arg6 : memref<128x16xi32, #tpu.memory_space<vmem>>) target_semaphore(%run_scoped3A : memref<!tpu.dma_semaphore, #tpu.memory_space<semaphore_mem>>)
        %dma_wait3A_98 = arith.constant 384 : i32
        %dma_wait3A_99 = arith.constant 0 : i32
        %dma_wait3A_100 = tpu.memref_slice %arg2[%dma_wait3A_98, %dma_wait3A_99] : memref<1024x16xi32, #tpu.memory_space<hbm>> -> memref<128x16xi32, #tpu.memory_space<hbm>>
        %dma_wait3A_101 = arith.constant 384 : i32
        %dma_wait3A_102 = arith.constant 0 : i32
        %dma_wait3A_103 = tpu.memref_slice %arg2[%dma_wait3A_101, %dma_wait3A_102] : memref<1024x16xi32, #tpu.memory_space<hbm>> -> memref<128x16xi32, #tpu.memory_space<hbm>>
        tpu.wait_dma2 semaphore(%run_scoped3A : memref<!tpu.dma_semaphore, #tpu.memory_space<semaphore_mem>>) src(%dma_wait3A_103 : memref<128x16xi32, #tpu.memory_space<hbm>>) dst(%arg6 : memref<128x16xi32, #tpu.memory_space<vmem>>)
        tpu.yield
      }) : () -> ()
      %scan3A_62 = arith.constant 0 : i32
      %scan3A_63 = arith.constant 0 : i32
      %scan3A_64 = arith.constant 256 : i32
      %scan3A_65 = arith.addi %scan3A_63, %scan3A_64 : i32
      %scan3A_66 = arith.constant 1 : i32
      scf.for %scan3A_92 = %scan3A_63 to %scan3A_65 step %scan3A_66  : i32 {
        %shift_right_arithmetic3A = arith.constant 1 : i32
        %shift_right_arithmetic3A_93 = arith.shrsi %scan3A_92, %shift_right_arithmetic3A : i32
        %broadcast_in_dim3A_94 = vector.broadcast %shift_right_arithmetic3A_93 : i32 to vector<16xi32>
        %and3A_95 = arith.constant 1 : i32
        %and3A_96 = arith.andi %scan3A_92, %and3A_95 : i32
        %mul3A_97 = arith.constant 8 : i32
        %mul3A_98 = arith.muli %mul3A_97, %and3A_96 : i32
        %jit3A = arith.constant 8 : i32
        %eq3A_99 = arith.constant 0 : i32
        %eq3A_100 = arith.cmpi eq, %jit3A, %eq3A_99 : i32
        %jit3A_101 = arith.constant 1 : i32
        %select_n3A = arith.select %eq3A_100, %jit3A_101, %jit3A : i32
        %rem3A = vector.broadcast %select_n3A : i32 to vector<16xi32>
        %rem3A_102 = arith.remsi %iota3A, %rem3A : vector<16xi32>
        %ne3A = arith.constant 0 : i32
        %ne3A_103 = vector.broadcast %ne3A : i32 to vector<16xi32>
        %ne3A_104 = arith.cmpi ne, %rem3A_102, %ne3A_103 : vector<16xi32>
        %lt3A_105 = arith.constant 0 : i32
        %lt3A_106 = vector.broadcast %lt3A_105 : i32 to vector<16xi32>
        %lt3A_107 = arith.cmpi slt, %rem3A_102, %lt3A_106 : vector<16xi32>
        %lt3A_108 = arith.constant 0 : i32
        %lt3A_109 = arith.cmpi slt, %select_n3A, %lt3A_108 : i32
        %ne3A_110 = vector.broadcast %lt3A_109 : i1 to vector<16xi1>
        %ne3A_111 = vector.broadcast %ne3A_110 : vector<16xi1> to vector<16xi1>
        %ne3A_112 = arith.xori %lt3A_107, %ne3A_111 : vector<16xi1>
        %and3A_113 = arith.andi %ne3A_112, %ne3A_104 : vector<16xi1>
        %add3A_114 = vector.broadcast %select_n3A : i32 to vector<16xi32>
        %add3A_115 = arith.addi %rem3A_102, %add3A_114 : vector<16xi32>
        %select_n3A_116 = arith.select %and3A_113, %add3A_115, %rem3A_102 : vector<16xi1>, vector<16xi32>
        %add3A_117 = vector.broadcast %mul3A_98 : i32 to vector<16xi32>
        %add3A_118 = arith.addi %add3A_117, %select_n3A_116 : vector<16xi32>
        %gather3A = tpu.vector_load_idx %arg6[%broadcast_in_dim3A_94, %add3A_118] : memref<128x16xi32, #tpu.memory_space<vmem>>[vector<16xi32>, vector<16xi32>], vector<16xi32>,
        %gather3A_119 = tpu.vector_load_idx %arg10[%gather3A] : memref<16xi32, #tpu.memory_space<vmem>>[vector<16xi32>], vector<16xi32>,
        %lt3A_120 = vector.broadcast %squeeze3A_23 : i32 to vector<16xi32>
        %lt3A_121 = arith.cmpi slt, %gather3A_119, %lt3A_120 : vector<16xi32>
        %and3A_122 = arith.andi %lt3A_121, %lt3A_42 : vector<16xi1>
        %convert_element_type3A_123 = arith.extui %and3A_122 : vector<16xi1> to vector<16xi32>
        %broadcast_in_dim3A_124 = arith.constant true
        %broadcast_in_dim3A_125 = vector.broadcast %broadcast_in_dim3A_124 : i1 to vector<16xi1>
        %masked_cumsum3A = tpu.scan <sum>, %convert_element_type3A_123 masked %broadcast_in_dim3A_125 : vector<16xi32>, vector<16xi1> -> vector<16xi32>
        %le3A_126 = vector.broadcast %squeeze3A : i32 to vector<16xi32>
        %le3A_127 = arith.cmpi sle, %masked_cumsum3A, %le3A_126 : vector<16xi32>
        %and3A_128 = arith.andi %and3A_122, %le3A_127 : vector<16xi1>
        %convert_element_type3A_129 = arith.extui %and3A_128 : vector<16xi1> to vector<16xi32>
        %broadcast_in_dim3A_130 = arith.constant true
        %broadcast_in_dim3A_131 = vector.broadcast %broadcast_in_dim3A_130 : i1 to vector<16xi1>
        %masked_cumsum3A_132 = tpu.scan <sum>, %convert_element_type3A_129 masked %broadcast_in_dim3A_131 : vector<16xi32>, vector<16xi1> -> vector<16xi32>
        %eq3A_133 = arith.constant 1 : i32
        %eq3A_134 = vector.broadcast %eq3A_133 : i32 to vector<16xi32>
        %eq3A_135 = arith.cmpi eq, %masked_cumsum3A_132, %eq3A_134 : vector<16xi32>
        %and3A_136 = arith.andi %and3A_128, %eq3A_135 : vector<16xi1>
        %add3A_137 = arith.constant 1 : i32
        %add3A_138 = vector.broadcast %add3A_137 : i32 to vector<16xi32>
        %add3A_139 = arith.addi %gather3A, %add3A_138 : vector<16xi32>
        %jit3A_140 = arith.constant 0 : i32
        %broadcast_in_dim3A_141 = vector.broadcast %jit3A_140 : i32 to vector<16xi32>
        %select_n3A_142 = arith.select %and3A_136, %add3A_139, %broadcast_in_dim3A_141 : vector<16xi1>, vector<16xi32>
        %reduce_sum3A = arith.constant true
        %reduce_sum3A_143 = vector.broadcast %reduce_sum3A : i1 to vector<16xi1>
        %reduce_sum3A_144 = tpu.scan <sum>, %select_n3A_142 masked %reduce_sum3A_143 : vector<16xi32>, vector<16xi1> -> vector<16xi32>
        %reduce_sum3A_145 = vector.extract %reduce_sum3A_144[15] : i32 from vector<16xi32>
        %sub3A = arith.constant 1 : i32
        %sub3A_146 = arith.subi %reduce_sum3A_145, %sub3A : i32
        %eq3A_147 = arith.constant 2 : i32
        %eq3A_148 = vector.broadcast %eq3A_147 : i32 to vector<16xi32>
        %eq3A_149 = arith.cmpi eq, %masked_cumsum3A_132, %eq3A_148 : vector<16xi32>
        %and3A_150 = arith.andi %and3A_128, %eq3A_149 : vector<16xi1>
        %add3A_151 = arith.constant 1 : i32
        %add3A_152 = vector.broadcast %add3A_151 : i32 to vector<16xi32>
        %add3A_153 = arith.addi %gather3A, %add3A_152 : vector<16xi32>
        %jit3A_154 = arith.constant 0 : i32
        %broadcast_in_dim3A_155 = vector.broadcast %jit3A_154 : i32 to vector<16xi32>
        %select_n3A_156 = arith.select %and3A_150, %add3A_153, %broadcast_in_dim3A_155 : vector<16xi1>, vector<16xi32>
        %reduce_sum3A_157 = arith.constant true
        %reduce_sum3A_158 = vector.broadcast %reduce_sum3A_157 : i1 to vector<16xi1>
        %reduce_sum3A_159 = tpu.scan <sum>, %select_n3A_156 masked %reduce_sum3A_158 : vector<16xi32>, vector<16xi1> -> vector<16xi32>
        %reduce_sum3A_160 = vector.extract %reduce_sum3A_159[15] : i32 from vector<16xi32>
        %sub3A_161 = arith.constant 1 : i32
        %sub3A_162 = arith.subi %reduce_sum3A_160, %sub3A_161 : i32
        tpu.vector_store_idx %arg10[%gather3A], %broadcast_in_dim3A_44 masked %and3A_128 {add = true} : memref<16xi32, #tpu.memory_space<vmem>>[vector<16xi32>], vector<16xi32>, vector<16xi1>
        %eq3A_163 = arith.constant 0 : i32
        %eq3A_164 = vector.broadcast %eq3A_163 : i32 to vector<16xi32>
        %eq3A_165 = arith.cmpi eq, %iota3A, %eq3A_164 : vector<16xi32>
        %broadcast_in_dim3A_166 = vector.broadcast %sub3A_146 : i32 to vector<16xi32>
        %broadcast_in_dim3A_167 = vector.broadcast %sub3A_162 : i32 to vector<16xi32>
        %select_n3A_168 = arith.select %eq3A_165, %broadcast_in_dim3A_166, %broadcast_in_dim3A_167 : vector<16xi1>, vector<16xi32>
        %shift_right_arithmetic3A_169 = arith.constant 3 : i32
        %shift_right_arithmetic3A_170 = arith.shrsi %scan3A_92, %shift_right_arithmetic3A_169 : i32
        %broadcast_in_dim3A_171 = vector.broadcast %shift_right_arithmetic3A_170 : i32 to vector<16xi32>
        %and3A_172 = arith.constant 7 : i32
        %and3A_173 = arith.andi %scan3A_92, %and3A_172 : i32
        %mul3A_174 = arith.constant 2 : i32
        %mul3A_175 = arith.muli %mul3A_174, %and3A_173 : i32
        %add3A_176 = vector.broadcast %mul3A_175 : i32 to vector<16xi32>
        %add3A_177 = arith.addi %add3A_176, %iota3A : vector<16xi32>
        %lt3A_178 = arith.constant 2 : i32
        %lt3A_179 = vector.broadcast %lt3A_178 : i32 to vector<16xi32>
        %lt3A_180 = arith.cmpi slt, %iota3A, %lt3A_179 : vector<16xi32>
        tpu.vector_store_idx %arg9[%broadcast_in_dim3A_171, %add3A_177], %select_n3A_168 masked %lt3A_180 : memref<32x16xi32, #tpu.memory_space<vmem>>[vector<16xi32>, vector<16xi32>], vector<16xi32>, vector<16xi1>
      }
      %scan3A_67 = arith.constant 256 : i32
      "tpu.region"() ({
        %run_scoped3A = tpu.sem_alloc : memref<!tpu.dma_semaphore, #tpu.memory_space<semaphore_mem>>
        %dma_start3A_92 = arith.constant 96 : i32
        %dma_start3A_93 = arith.constant 0 : i32
        %dma_start3A_94 = tpu.memref_slice %arg5[%dma_start3A_92, %dma_start3A_93] : memref<256x16xi32, #tpu.memory_space<hbm>> -> memref<32x16xi32, #tpu.memory_space<hbm>>
        %dma_start3A_95 = arith.constant 96 : i32
        %dma_start3A_96 = arith.constant 0 : i32
        %dma_start3A_97 = tpu.memref_slice %arg5[%dma_start3A_95, %dma_start3A_96] : memref<256x16xi32, #tpu.memory_space<hbm>> -> memref<32x16xi32, #tpu.memory_space<hbm>>
        tpu.enqueue_dma source(%arg9 : memref<32x16xi32, #tpu.memory_space<vmem>>) target(%dma_start3A_97 : memref<32x16xi32, #tpu.memory_space<hbm>>) target_semaphore(%run_scoped3A : memref<!tpu.dma_semaphore, #tpu.memory_space<semaphore_mem>>)
        %dma_wait3A_98 = arith.constant 96 : i32
        %dma_wait3A_99 = arith.constant 0 : i32
        %dma_wait3A_100 = tpu.memref_slice %arg5[%dma_wait3A_98, %dma_wait3A_99] : memref<256x16xi32, #tpu.memory_space<hbm>> -> memref<32x16xi32, #tpu.memory_space<hbm>>
        %dma_wait3A_101 = arith.constant 96 : i32
        %dma_wait3A_102 = arith.constant 0 : i32
        %dma_wait3A_103 = tpu.memref_slice %arg5[%dma_wait3A_101, %dma_wait3A_102] : memref<256x16xi32, #tpu.memory_space<hbm>> -> memref<32x16xi32, #tpu.memory_space<hbm>>
        tpu.wait_dma2 semaphore(%run_scoped3A : memref<!tpu.dma_semaphore, #tpu.memory_space<semaphore_mem>>) src(%arg9 : memref<32x16xi32, #tpu.memory_space<vmem>>) dst(%dma_wait3A_103 : memref<32x16xi32, #tpu.memory_space<hbm>>)
        tpu.yield
      }) : () -> ()
      "tpu.region"() ({
        %run_scoped3A = tpu.sem_alloc : memref<!tpu.dma_semaphore, #tpu.memory_space<semaphore_mem>>
        %dma_start3A_92 = arith.constant 512 : i32
        %dma_start3A_93 = arith.constant 0 : i32
        %dma_start3A_94 = tpu.memref_slice %arg2[%dma_start3A_92, %dma_start3A_93] : memref<1024x16xi32, #tpu.memory_space<hbm>> -> memref<128x16xi32, #tpu.memory_space<hbm>>
        %dma_start3A_95 = arith.constant 512 : i32
        %dma_start3A_96 = arith.constant 0 : i32
        %dma_start3A_97 = tpu.memref_slice %arg2[%dma_start3A_95, %dma_start3A_96] : memref<1024x16xi32, #tpu.memory_space<hbm>> -> memref<128x16xi32, #tpu.memory_space<hbm>>
        tpu.enqueue_dma source(%dma_start3A_97 : memref<128x16xi32, #tpu.memory_space<hbm>>) target(%arg6 : memref<128x16xi32, #tpu.memory_space<vmem>>) target_semaphore(%run_scoped3A : memref<!tpu.dma_semaphore, #tpu.memory_space<semaphore_mem>>)
        %dma_wait3A_98 = arith.constant 512 : i32
        %dma_wait3A_99 = arith.constant 0 : i32
        %dma_wait3A_100 = tpu.memref_slice %arg2[%dma_wait3A_98, %dma_wait3A_99] : memref<1024x16xi32, #tpu.memory_space<hbm>> -> memref<128x16xi32, #tpu.memory_space<hbm>>
        %dma_wait3A_101 = arith.constant 512 : i32
        %dma_wait3A_102 = arith.constant 0 : i32
        %dma_wait3A_103 = tpu.memref_slice %arg2[%dma_wait3A_101, %dma_wait3A_102] : memref<1024x16xi32, #tpu.memory_space<hbm>> -> memref<128x16xi32, #tpu.memory_space<hbm>>
        tpu.wait_dma2 semaphore(%run_scoped3A : memref<!tpu.dma_semaphore, #tpu.memory_space<semaphore_mem>>) src(%dma_wait3A_103 : memref<128x16xi32, #tpu.memory_space<hbm>>) dst(%arg6 : memref<128x16xi32, #tpu.memory_space<vmem>>)
        tpu.yield
      }) : () -> ()
      %scan3A_68 = arith.constant 0 : i32
      %scan3A_69 = arith.constant 0 : i32
      %scan3A_70 = arith.constant 256 : i32
      %scan3A_71 = arith.addi %scan3A_69, %scan3A_70 : i32
      %scan3A_72 = arith.constant 1 : i32
      scf.for %scan3A_92 = %scan3A_69 to %scan3A_71 step %scan3A_72  : i32 {
        %shift_right_arithmetic3A = arith.constant 1 : i32
        %shift_right_arithmetic3A_93 = arith.shrsi %scan3A_92, %shift_right_arithmetic3A : i32
        %broadcast_in_dim3A_94 = vector.broadcast %shift_right_arithmetic3A_93 : i32 to vector<16xi32>
        %and3A_95 = arith.constant 1 : i32
        %and3A_96 = arith.andi %scan3A_92, %and3A_95 : i32
        %mul3A_97 = arith.constant 8 : i32
        %mul3A_98 = arith.muli %mul3A_97, %and3A_96 : i32
        %jit3A = arith.constant 8 : i32
        %eq3A_99 = arith.constant 0 : i32
        %eq3A_100 = arith.cmpi eq, %jit3A, %eq3A_99 : i32
        %jit3A_101 = arith.constant 1 : i32
        %select_n3A = arith.select %eq3A_100, %jit3A_101, %jit3A : i32
        %rem3A = vector.broadcast %select_n3A : i32 to vector<16xi32>
        %rem3A_102 = arith.remsi %iota3A, %rem3A : vector<16xi32>
        %ne3A = arith.constant 0 : i32
        %ne3A_103 = vector.broadcast %ne3A : i32 to vector<16xi32>
        %ne3A_104 = arith.cmpi ne, %rem3A_102, %ne3A_103 : vector<16xi32>
        %lt3A_105 = arith.constant 0 : i32
        %lt3A_106 = vector.broadcast %lt3A_105 : i32 to vector<16xi32>
        %lt3A_107 = arith.cmpi slt, %rem3A_102, %lt3A_106 : vector<16xi32>
        %lt3A_108 = arith.constant 0 : i32
        %lt3A_109 = arith.cmpi slt, %select_n3A, %lt3A_108 : i32
        %ne3A_110 = vector.broadcast %lt3A_109 : i1 to vector<16xi1>
        %ne3A_111 = vector.broadcast %ne3A_110 : vector<16xi1> to vector<16xi1>
        %ne3A_112 = arith.xori %lt3A_107, %ne3A_111 : vector<16xi1>
        %and3A_113 = arith.andi %ne3A_112, %ne3A_104 : vector<16xi1>
        %add3A_114 = vector.broadcast %select_n3A : i32 to vector<16xi32>
        %add3A_115 = arith.addi %rem3A_102, %add3A_114 : vector<16xi32>
        %select_n3A_116 = arith.select %and3A_113, %add3A_115, %rem3A_102 : vector<16xi1>, vector<16xi32>
        %add3A_117 = vector.broadcast %mul3A_98 : i32 to vector<16xi32>
        %add3A_118 = arith.addi %add3A_117, %select_n3A_116 : vector<16xi32>
        %gather3A = tpu.vector_load_idx %arg6[%broadcast_in_dim3A_94, %add3A_118] : memref<128x16xi32, #tpu.memory_space<vmem>>[vector<16xi32>, vector<16xi32>], vector<16xi32>,
        %gather3A_119 = tpu.vector_load_idx %arg10[%gather3A] : memref<16xi32, #tpu.memory_space<vmem>>[vector<16xi32>], vector<16xi32>,
        %lt3A_120 = vector.broadcast %squeeze3A_23 : i32 to vector<16xi32>
        %lt3A_121 = arith.cmpi slt, %gather3A_119, %lt3A_120 : vector<16xi32>
        %and3A_122 = arith.andi %lt3A_121, %lt3A_42 : vector<16xi1>
        %convert_element_type3A_123 = arith.extui %and3A_122 : vector<16xi1> to vector<16xi32>
        %broadcast_in_dim3A_124 = arith.constant true
        %broadcast_in_dim3A_125 = vector.broadcast %broadcast_in_dim3A_124 : i1 to vector<16xi1>
        %masked_cumsum3A = tpu.scan <sum>, %convert_element_type3A_123 masked %broadcast_in_dim3A_125 : vector<16xi32>, vector<16xi1> -> vector<16xi32>
        %le3A_126 = vector.broadcast %squeeze3A : i32 to vector<16xi32>
        %le3A_127 = arith.cmpi sle, %masked_cumsum3A, %le3A_126 : vector<16xi32>
        %and3A_128 = arith.andi %and3A_122, %le3A_127 : vector<16xi1>
        %convert_element_type3A_129 = arith.extui %and3A_128 : vector<16xi1> to vector<16xi32>
        %broadcast_in_dim3A_130 = arith.constant true
        %broadcast_in_dim3A_131 = vector.broadcast %broadcast_in_dim3A_130 : i1 to vector<16xi1>
        %masked_cumsum3A_132 = tpu.scan <sum>, %convert_element_type3A_129 masked %broadcast_in_dim3A_131 : vector<16xi32>, vector<16xi1> -> vector<16xi32>
        %eq3A_133 = arith.constant 1 : i32
        %eq3A_134 = vector.broadcast %eq3A_133 : i32 to vector<16xi32>
        %eq3A_135 = arith.cmpi eq, %masked_cumsum3A_132, %eq3A_134 : vector<16xi32>
        %and3A_136 = arith.andi %and3A_128, %eq3A_135 : vector<16xi1>
        %add3A_137 = arith.constant 1 : i32
        %add3A_138 = vector.broadcast %add3A_137 : i32 to vector<16xi32>
        %add3A_139 = arith.addi %gather3A, %add3A_138 : vector<16xi32>
        %jit3A_140 = arith.constant 0 : i32
        %broadcast_in_dim3A_141 = vector.broadcast %jit3A_140 : i32 to vector<16xi32>
        %select_n3A_142 = arith.select %and3A_136, %add3A_139, %broadcast_in_dim3A_141 : vector<16xi1>, vector<16xi32>
        %reduce_sum3A = arith.constant true
        %reduce_sum3A_143 = vector.broadcast %reduce_sum3A : i1 to vector<16xi1>
        %reduce_sum3A_144 = tpu.scan <sum>, %select_n3A_142 masked %reduce_sum3A_143 : vector<16xi32>, vector<16xi1> -> vector<16xi32>
        %reduce_sum3A_145 = vector.extract %reduce_sum3A_144[15] : i32 from vector<16xi32>
        %sub3A = arith.constant 1 : i32
        %sub3A_146 = arith.subi %reduce_sum3A_145, %sub3A : i32
        %eq3A_147 = arith.constant 2 : i32
        %eq3A_148 = vector.broadcast %eq3A_147 : i32 to vector<16xi32>
        %eq3A_149 = arith.cmpi eq, %masked_cumsum3A_132, %eq3A_148 : vector<16xi32>
        %and3A_150 = arith.andi %and3A_128, %eq3A_149 : vector<16xi1>
        %add3A_151 = arith.constant 1 : i32
        %add3A_152 = vector.broadcast %add3A_151 : i32 to vector<16xi32>
        %add3A_153 = arith.addi %gather3A, %add3A_152 : vector<16xi32>
        %jit3A_154 = arith.constant 0 : i32
        %broadcast_in_dim3A_155 = vector.broadcast %jit3A_154 : i32 to vector<16xi32>
        %select_n3A_156 = arith.select %and3A_150, %add3A_153, %broadcast_in_dim3A_155 : vector<16xi1>, vector<16xi32>
        %reduce_sum3A_157 = arith.constant true
        %reduce_sum3A_158 = vector.broadcast %reduce_sum3A_157 : i1 to vector<16xi1>
        %reduce_sum3A_159 = tpu.scan <sum>, %select_n3A_156 masked %reduce_sum3A_158 : vector<16xi32>, vector<16xi1> -> vector<16xi32>
        %reduce_sum3A_160 = vector.extract %reduce_sum3A_159[15] : i32 from vector<16xi32>
        %sub3A_161 = arith.constant 1 : i32
        %sub3A_162 = arith.subi %reduce_sum3A_160, %sub3A_161 : i32
        tpu.vector_store_idx %arg10[%gather3A], %broadcast_in_dim3A_44 masked %and3A_128 {add = true} : memref<16xi32, #tpu.memory_space<vmem>>[vector<16xi32>], vector<16xi32>, vector<16xi1>
        %eq3A_163 = arith.constant 0 : i32
        %eq3A_164 = vector.broadcast %eq3A_163 : i32 to vector<16xi32>
        %eq3A_165 = arith.cmpi eq, %iota3A, %eq3A_164 : vector<16xi32>
        %broadcast_in_dim3A_166 = vector.broadcast %sub3A_146 : i32 to vector<16xi32>
        %broadcast_in_dim3A_167 = vector.broadcast %sub3A_162 : i32 to vector<16xi32>
        %select_n3A_168 = arith.select %eq3A_165, %broadcast_in_dim3A_166, %broadcast_in_dim3A_167 : vector<16xi1>, vector<16xi32>
        %shift_right_arithmetic3A_169 = arith.constant 3 : i32
        %shift_right_arithmetic3A_170 = arith.shrsi %scan3A_92, %shift_right_arithmetic3A_169 : i32
        %broadcast_in_dim3A_171 = vector.broadcast %shift_right_arithmetic3A_170 : i32 to vector<16xi32>
        %and3A_172 = arith.constant 7 : i32
        %and3A_173 = arith.andi %scan3A_92, %and3A_172 : i32
        %mul3A_174 = arith.constant 2 : i32
        %mul3A_175 = arith.muli %mul3A_174, %and3A_173 : i32
        %add3A_176 = vector.broadcast %mul3A_175 : i32 to vector<16xi32>
        %add3A_177 = arith.addi %add3A_176, %iota3A : vector<16xi32>
        %lt3A_178 = arith.constant 2 : i32
        %lt3A_179 = vector.broadcast %lt3A_178 : i32 to vector<16xi32>
        %lt3A_180 = arith.cmpi slt, %iota3A, %lt3A_179 : vector<16xi32>
        tpu.vector_store_idx %arg9[%broadcast_in_dim3A_171, %add3A_177], %select_n3A_168 masked %lt3A_180 : memref<32x16xi32, #tpu.memory_space<vmem>>[vector<16xi32>, vector<16xi32>], vector<16xi32>, vector<16xi1>
      }
      %scan3A_73 = arith.constant 256 : i32
      "tpu.region"() ({
        %run_scoped3A = tpu.sem_alloc : memref<!tpu.dma_semaphore, #tpu.memory_space<semaphore_mem>>
        %dma_start3A_92 = arith.constant 128 : i32
        %dma_start3A_93 = arith.constant 0 : i32
        %dma_start3A_94 = tpu.memref_slice %arg5[%dma_start3A_92, %dma_start3A_93] : memref<256x16xi32, #tpu.memory_space<hbm>> -> memref<32x16xi32, #tpu.memory_space<hbm>>
        %dma_start3A_95 = arith.constant 128 : i32
        %dma_start3A_96 = arith.constant 0 : i32
        %dma_start3A_97 = tpu.memref_slice %arg5[%dma_start3A_95, %dma_start3A_96] : memref<256x16xi32, #tpu.memory_space<hbm>> -> memref<32x16xi32, #tpu.memory_space<hbm>>
        tpu.enqueue_dma source(%arg9 : memref<32x16xi32, #tpu.memory_space<vmem>>) target(%dma_start3A_97 : memref<32x16xi32, #tpu.memory_space<hbm>>) target_semaphore(%run_scoped3A : memref<!tpu.dma_semaphore, #tpu.memory_space<semaphore_mem>>)
        %dma_wait3A_98 = arith.constant 128 : i32
        %dma_wait3A_99 = arith.constant 0 : i32
        %dma_wait3A_100 = tpu.memref_slice %arg5[%dma_wait3A_98, %dma_wait3A_99] : memref<256x16xi32, #tpu.memory_space<hbm>> -> memref<32x16xi32, #tpu.memory_space<hbm>>
        %dma_wait3A_101 = arith.constant 128 : i32
        %dma_wait3A_102 = arith.constant 0 : i32
        %dma_wait3A_103 = tpu.memref_slice %arg5[%dma_wait3A_101, %dma_wait3A_102] : memref<256x16xi32, #tpu.memory_space<hbm>> -> memref<32x16xi32, #tpu.memory_space<hbm>>
        tpu.wait_dma2 semaphore(%run_scoped3A : memref<!tpu.dma_semaphore, #tpu.memory_space<semaphore_mem>>) src(%arg9 : memref<32x16xi32, #tpu.memory_space<vmem>>) dst(%dma_wait3A_103 : memref<32x16xi32, #tpu.memory_space<hbm>>)
        tpu.yield
      }) : () -> ()
      "tpu.region"() ({
        %run_scoped3A = tpu.sem_alloc : memref<!tpu.dma_semaphore, #tpu.memory_space<semaphore_mem>>
        %dma_start3A_92 = arith.constant 640 : i32
        %dma_start3A_93 = arith.constant 0 : i32
        %dma_start3A_94 = tpu.memref_slice %arg2[%dma_start3A_92, %dma_start3A_93] : memref<1024x16xi32, #tpu.memory_space<hbm>> -> memref<128x16xi32, #tpu.memory_space<hbm>>
        %dma_start3A_95 = arith.constant 640 : i32
        %dma_start3A_96 = arith.constant 0 : i32
        %dma_start3A_97 = tpu.memref_slice %arg2[%dma_start3A_95, %dma_start3A_96] : memref<1024x16xi32, #tpu.memory_space<hbm>> -> memref<128x16xi32, #tpu.memory_space<hbm>>
        tpu.enqueue_dma source(%dma_start3A_97 : memref<128x16xi32, #tpu.memory_space<hbm>>) target(%arg6 : memref<128x16xi32, #tpu.memory_space<vmem>>) target_semaphore(%run_scoped3A : memref<!tpu.dma_semaphore, #tpu.memory_space<semaphore_mem>>)
        %dma_wait3A_98 = arith.constant 640 : i32
        %dma_wait3A_99 = arith.constant 0 : i32
        %dma_wait3A_100 = tpu.memref_slice %arg2[%dma_wait3A_98, %dma_wait3A_99] : memref<1024x16xi32, #tpu.memory_space<hbm>> -> memref<128x16xi32, #tpu.memory_space<hbm>>
        %dma_wait3A_101 = arith.constant 640 : i32
        %dma_wait3A_102 = arith.constant 0 : i32
        %dma_wait3A_103 = tpu.memref_slice %arg2[%dma_wait3A_101, %dma_wait3A_102] : memref<1024x16xi32, #tpu.memory_space<hbm>> -> memref<128x16xi32, #tpu.memory_space<hbm>>
        tpu.wait_dma2 semaphore(%run_scoped3A : memref<!tpu.dma_semaphore, #tpu.memory_space<semaphore_mem>>) src(%dma_wait3A_103 : memref<128x16xi32, #tpu.memory_space<hbm>>) dst(%arg6 : memref<128x16xi32, #tpu.memory_space<vmem>>)
        tpu.yield
      }) : () -> ()
      %scan3A_74 = arith.constant 0 : i32
      %scan3A_75 = arith.constant 0 : i32
      %scan3A_76 = arith.constant 256 : i32
      %scan3A_77 = arith.addi %scan3A_75, %scan3A_76 : i32
      %scan3A_78 = arith.constant 1 : i32
      scf.for %scan3A_92 = %scan3A_75 to %scan3A_77 step %scan3A_78  : i32 {
        %shift_right_arithmetic3A = arith.constant 1 : i32
        %shift_right_arithmetic3A_93 = arith.shrsi %scan3A_92, %shift_right_arithmetic3A : i32
        %broadcast_in_dim3A_94 = vector.broadcast %shift_right_arithmetic3A_93 : i32 to vector<16xi32>
        %and3A_95 = arith.constant 1 : i32
        %and3A_96 = arith.andi %scan3A_92, %and3A_95 : i32
        %mul3A_97 = arith.constant 8 : i32
        %mul3A_98 = arith.muli %mul3A_97, %and3A_96 : i32
        %jit3A = arith.constant 8 : i32
        %eq3A_99 = arith.constant 0 : i32
        %eq3A_100 = arith.cmpi eq, %jit3A, %eq3A_99 : i32
        %jit3A_101 = arith.constant 1 : i32
        %select_n3A = arith.select %eq3A_100, %jit3A_101, %jit3A : i32
        %rem3A = vector.broadcast %select_n3A : i32 to vector<16xi32>
        %rem3A_102 = arith.remsi %iota3A, %rem3A : vector<16xi32>
        %ne3A = arith.constant 0 : i32
        %ne3A_103 = vector.broadcast %ne3A : i32 to vector<16xi32>
        %ne3A_104 = arith.cmpi ne, %rem3A_102, %ne3A_103 : vector<16xi32>
        %lt3A_105 = arith.constant 0 : i32
        %lt3A_106 = vector.broadcast %lt3A_105 : i32 to vector<16xi32>
        %lt3A_107 = arith.cmpi slt, %rem3A_102, %lt3A_106 : vector<16xi32>
        %lt3A_108 = arith.constant 0 : i32
        %lt3A_109 = arith.cmpi slt, %select_n3A, %lt3A_108 : i32
        %ne3A_110 = vector.broadcast %lt3A_109 : i1 to vector<16xi1>
        %ne3A_111 = vector.broadcast %ne3A_110 : vector<16xi1> to vector<16xi1>
        %ne3A_112 = arith.xori %lt3A_107, %ne3A_111 : vector<16xi1>
        %and3A_113 = arith.andi %ne3A_112, %ne3A_104 : vector<16xi1>
        %add3A_114 = vector.broadcast %select_n3A : i32 to vector<16xi32>
        %add3A_115 = arith.addi %rem3A_102, %add3A_114 : vector<16xi32>
        %select_n3A_116 = arith.select %and3A_113, %add3A_115, %rem3A_102 : vector<16xi1>, vector<16xi32>
        %add3A_117 = vector.broadcast %mul3A_98 : i32 to vector<16xi32>
        %add3A_118 = arith.addi %add3A_117, %select_n3A_116 : vector<16xi32>
        %gather3A = tpu.vector_load_idx %arg6[%broadcast_in_dim3A_94, %add3A_118] : memref<128x16xi32, #tpu.memory_space<vmem>>[vector<16xi32>, vector<16xi32>], vector<16xi32>,
        %gather3A_119 = tpu.vector_load_idx %arg10[%gather3A] : memref<16xi32, #tpu.memory_space<vmem>>[vector<16xi32>], vector<16xi32>,
        %lt3A_120 = vector.broadcast %squeeze3A_23 : i32 to vector<16xi32>
        %lt3A_121 = arith.cmpi slt, %gather3A_119, %lt3A_120 : vector<16xi32>
        %and3A_122 = arith.andi %lt3A_121, %lt3A_42 : vector<16xi1>
        %convert_element_type3A_123 = arith.extui %and3A_122 : vector<16xi1> to vector<16xi32>
        %broadcast_in_dim3A_124 = arith.constant true
        %broadcast_in_dim3A_125 = vector.broadcast %broadcast_in_dim3A_124 : i1 to vector<16xi1>
        %masked_cumsum3A = tpu.scan <sum>, %convert_element_type3A_123 masked %broadcast_in_dim3A_125 : vector<16xi32>, vector<16xi1> -> vector<16xi32>
        %le3A_126 = vector.broadcast %squeeze3A : i32 to vector<16xi32>
        %le3A_127 = arith.cmpi sle, %masked_cumsum3A, %le3A_126 : vector<16xi32>
        %and3A_128 = arith.andi %and3A_122, %le3A_127 : vector<16xi1>
        %convert_element_type3A_129 = arith.extui %and3A_128 : vector<16xi1> to vector<16xi32>
        %broadcast_in_dim3A_130 = arith.constant true
        %broadcast_in_dim3A_131 = vector.broadcast %broadcast_in_dim3A_130 : i1 to vector<16xi1>
        %masked_cumsum3A_132 = tpu.scan <sum>, %convert_element_type3A_129 masked %broadcast_in_dim3A_131 : vector<16xi32>, vector<16xi1> -> vector<16xi32>
        %eq3A_133 = arith.constant 1 : i32
        %eq3A_134 = vector.broadcast %eq3A_133 : i32 to vector<16xi32>
        %eq3A_135 = arith.cmpi eq, %masked_cumsum3A_132, %eq3A_134 : vector<16xi32>
        %and3A_136 = arith.andi %and3A_128, %eq3A_135 : vector<16xi1>
        %add3A_137 = arith.constant 1 : i32
        %add3A_138 = vector.broadcast %add3A_137 : i32 to vector<16xi32>
        %add3A_139 = arith.addi %gather3A, %add3A_138 : vector<16xi32>
        %jit3A_140 = arith.constant 0 : i32
        %broadcast_in_dim3A_141 = vector.broadcast %jit3A_140 : i32 to vector<16xi32>
        %select_n3A_142 = arith.select %and3A_136, %add3A_139, %broadcast_in_dim3A_141 : vector<16xi1>, vector<16xi32>
        %reduce_sum3A = arith.constant true
        %reduce_sum3A_143 = vector.broadcast %reduce_sum3A : i1 to vector<16xi1>
        %reduce_sum3A_144 = tpu.scan <sum>, %select_n3A_142 masked %reduce_sum3A_143 : vector<16xi32>, vector<16xi1> -> vector<16xi32>
        %reduce_sum3A_145 = vector.extract %reduce_sum3A_144[15] : i32 from vector<16xi32>
        %sub3A = arith.constant 1 : i32
        %sub3A_146 = arith.subi %reduce_sum3A_145, %sub3A : i32
        %eq3A_147 = arith.constant 2 : i32
        %eq3A_148 = vector.broadcast %eq3A_147 : i32 to vector<16xi32>
        %eq3A_149 = arith.cmpi eq, %masked_cumsum3A_132, %eq3A_148 : vector<16xi32>
        %and3A_150 = arith.andi %and3A_128, %eq3A_149 : vector<16xi1>
        %add3A_151 = arith.constant 1 : i32
        %add3A_152 = vector.broadcast %add3A_151 : i32 to vector<16xi32>
        %add3A_153 = arith.addi %gather3A, %add3A_152 : vector<16xi32>
        %jit3A_154 = arith.constant 0 : i32
        %broadcast_in_dim3A_155 = vector.broadcast %jit3A_154 : i32 to vector<16xi32>
        %select_n3A_156 = arith.select %and3A_150, %add3A_153, %broadcast_in_dim3A_155 : vector<16xi1>, vector<16xi32>
        %reduce_sum3A_157 = arith.constant true
        %reduce_sum3A_158 = vector.broadcast %reduce_sum3A_157 : i1 to vector<16xi1>
        %reduce_sum3A_159 = tpu.scan <sum>, %select_n3A_156 masked %reduce_sum3A_158 : vector<16xi32>, vector<16xi1> -> vector<16xi32>
        %reduce_sum3A_160 = vector.extract %reduce_sum3A_159[15] : i32 from vector<16xi32>
        %sub3A_161 = arith.constant 1 : i32
        %sub3A_162 = arith.subi %reduce_sum3A_160, %sub3A_161 : i32
        tpu.vector_store_idx %arg10[%gather3A], %broadcast_in_dim3A_44 masked %and3A_128 {add = true} : memref<16xi32, #tpu.memory_space<vmem>>[vector<16xi32>], vector<16xi32>, vector<16xi1>
        %eq3A_163 = arith.constant 0 : i32
        %eq3A_164 = vector.broadcast %eq3A_163 : i32 to vector<16xi32>
        %eq3A_165 = arith.cmpi eq, %iota3A, %eq3A_164 : vector<16xi32>
        %broadcast_in_dim3A_166 = vector.broadcast %sub3A_146 : i32 to vector<16xi32>
        %broadcast_in_dim3A_167 = vector.broadcast %sub3A_162 : i32 to vector<16xi32>
        %select_n3A_168 = arith.select %eq3A_165, %broadcast_in_dim3A_166, %broadcast_in_dim3A_167 : vector<16xi1>, vector<16xi32>
        %shift_right_arithmetic3A_169 = arith.constant 3 : i32
        %shift_right_arithmetic3A_170 = arith.shrsi %scan3A_92, %shift_right_arithmetic3A_169 : i32
        %broadcast_in_dim3A_171 = vector.broadcast %shift_right_arithmetic3A_170 : i32 to vector<16xi32>
        %and3A_172 = arith.constant 7 : i32
        %and3A_173 = arith.andi %scan3A_92, %and3A_172 : i32
        %mul3A_174 = arith.constant 2 : i32
        %mul3A_175 = arith.muli %mul3A_174, %and3A_173 : i32
        %add3A_176 = vector.broadcast %mul3A_175 : i32 to vector<16xi32>
        %add3A_177 = arith.addi %add3A_176, %iota3A : vector<16xi32>
        %lt3A_178 = arith.constant 2 : i32
        %lt3A_179 = vector.broadcast %lt3A_178 : i32 to vector<16xi32>
        %lt3A_180 = arith.cmpi slt, %iota3A, %lt3A_179 : vector<16xi32>
        tpu.vector_store_idx %arg9[%broadcast_in_dim3A_171, %add3A_177], %select_n3A_168 masked %lt3A_180 : memref<32x16xi32, #tpu.memory_space<vmem>>[vector<16xi32>, vector<16xi32>], vector<16xi32>, vector<16xi1>
      }
      %scan3A_79 = arith.constant 256 : i32
      "tpu.region"() ({
        %run_scoped3A = tpu.sem_alloc : memref<!tpu.dma_semaphore, #tpu.memory_space<semaphore_mem>>
        %dma_start3A_92 = arith.constant 160 : i32
        %dma_start3A_93 = arith.constant 0 : i32
        %dma_start3A_94 = tpu.memref_slice %arg5[%dma_start3A_92, %dma_start3A_93] : memref<256x16xi32, #tpu.memory_space<hbm>> -> memref<32x16xi32, #tpu.memory_space<hbm>>
        %dma_start3A_95 = arith.constant 160 : i32
        %dma_start3A_96 = arith.constant 0 : i32
        %dma_start3A_97 = tpu.memref_slice %arg5[%dma_start3A_95, %dma_start3A_96] : memref<256x16xi32, #tpu.memory_space<hbm>> -> memref<32x16xi32, #tpu.memory_space<hbm>>
        tpu.enqueue_dma source(%arg9 : memref<32x16xi32, #tpu.memory_space<vmem>>) target(%dma_start3A_97 : memref<32x16xi32, #tpu.memory_space<hbm>>) target_semaphore(%run_scoped3A : memref<!tpu.dma_semaphore, #tpu.memory_space<semaphore_mem>>)
        %dma_wait3A_98 = arith.constant 160 : i32
        %dma_wait3A_99 = arith.constant 0 : i32
        %dma_wait3A_100 = tpu.memref_slice %arg5[%dma_wait3A_98, %dma_wait3A_99] : memref<256x16xi32, #tpu.memory_space<hbm>> -> memref<32x16xi32, #tpu.memory_space<hbm>>
        %dma_wait3A_101 = arith.constant 160 : i32
        %dma_wait3A_102 = arith.constant 0 : i32
        %dma_wait3A_103 = tpu.memref_slice %arg5[%dma_wait3A_101, %dma_wait3A_102] : memref<256x16xi32, #tpu.memory_space<hbm>> -> memref<32x16xi32, #tpu.memory_space<hbm>>
        tpu.wait_dma2 semaphore(%run_scoped3A : memref<!tpu.dma_semaphore, #tpu.memory_space<semaphore_mem>>) src(%arg9 : memref<32x16xi32, #tpu.memory_space<vmem>>) dst(%dma_wait3A_103 : memref<32x16xi32, #tpu.memory_space<hbm>>)
        tpu.yield
      }) : () -> ()
      "tpu.region"() ({
        %run_scoped3A = tpu.sem_alloc : memref<!tpu.dma_semaphore, #tpu.memory_space<semaphore_mem>>
        %dma_start3A_92 = arith.constant 768 : i32
        %dma_start3A_93 = arith.constant 0 : i32
        %dma_start3A_94 = tpu.memref_slice %arg2[%dma_start3A_92, %dma_start3A_93] : memref<1024x16xi32, #tpu.memory_space<hbm>> -> memref<128x16xi32, #tpu.memory_space<hbm>>
        %dma_start3A_95 = arith.constant 768 : i32
        %dma_start3A_96 = arith.constant 0 : i32
        %dma_start3A_97 = tpu.memref_slice %arg2[%dma_start3A_95, %dma_start3A_96] : memref<1024x16xi32, #tpu.memory_space<hbm>> -> memref<128x16xi32, #tpu.memory_space<hbm>>
        tpu.enqueue_dma source(%dma_start3A_97 : memref<128x16xi32, #tpu.memory_space<hbm>>) target(%arg6 : memref<128x16xi32, #tpu.memory_space<vmem>>) target_semaphore(%run_scoped3A : memref<!tpu.dma_semaphore, #tpu.memory_space<semaphore_mem>>)
        %dma_wait3A_98 = arith.constant 768 : i32
        %dma_wait3A_99 = arith.constant 0 : i32
        %dma_wait3A_100 = tpu.memref_slice %arg2[%dma_wait3A_98, %dma_wait3A_99] : memref<1024x16xi32, #tpu.memory_space<hbm>> -> memref<128x16xi32, #tpu.memory_space<hbm>>
        %dma_wait3A_101 = arith.constant 768 : i32
        %dma_wait3A_102 = arith.constant 0 : i32
        %dma_wait3A_103 = tpu.memref_slice %arg2[%dma_wait3A_101, %dma_wait3A_102] : memref<1024x16xi32, #tpu.memory_space<hbm>> -> memref<128x16xi32, #tpu.memory_space<hbm>>
        tpu.wait_dma2 semaphore(%run_scoped3A : memref<!tpu.dma_semaphore, #tpu.memory_space<semaphore_mem>>) src(%dma_wait3A_103 : memref<128x16xi32, #tpu.memory_space<hbm>>) dst(%arg6 : memref<128x16xi32, #tpu.memory_space<vmem>>)
        tpu.yield
      }) : () -> ()
      %scan3A_80 = arith.constant 0 : i32
      %scan3A_81 = arith.constant 0 : i32
      %scan3A_82 = arith.constant 256 : i32
      %scan3A_83 = arith.addi %scan3A_81, %scan3A_82 : i32
      %scan3A_84 = arith.constant 1 : i32
      scf.for %scan3A_92 = %scan3A_81 to %scan3A_83 step %scan3A_84  : i32 {
        %shift_right_arithmetic3A = arith.constant 1 : i32
        %shift_right_arithmetic3A_93 = arith.shrsi %scan3A_92, %shift_right_arithmetic3A : i32
        %broadcast_in_dim3A_94 = vector.broadcast %shift_right_arithmetic3A_93 : i32 to vector<16xi32>
        %and3A_95 = arith.constant 1 : i32
        %and3A_96 = arith.andi %scan3A_92, %and3A_95 : i32
        %mul3A_97 = arith.constant 8 : i32
        %mul3A_98 = arith.muli %mul3A_97, %and3A_96 : i32
        %jit3A = arith.constant 8 : i32
        %eq3A_99 = arith.constant 0 : i32
        %eq3A_100 = arith.cmpi eq, %jit3A, %eq3A_99 : i32
        %jit3A_101 = arith.constant 1 : i32
        %select_n3A = arith.select %eq3A_100, %jit3A_101, %jit3A : i32
        %rem3A = vector.broadcast %select_n3A : i32 to vector<16xi32>
        %rem3A_102 = arith.remsi %iota3A, %rem3A : vector<16xi32>
        %ne3A = arith.constant 0 : i32
        %ne3A_103 = vector.broadcast %ne3A : i32 to vector<16xi32>
        %ne3A_104 = arith.cmpi ne, %rem3A_102, %ne3A_103 : vector<16xi32>
        %lt3A_105 = arith.constant 0 : i32
        %lt3A_106 = vector.broadcast %lt3A_105 : i32 to vector<16xi32>
        %lt3A_107 = arith.cmpi slt, %rem3A_102, %lt3A_106 : vector<16xi32>
        %lt3A_108 = arith.constant 0 : i32
        %lt3A_109 = arith.cmpi slt, %select_n3A, %lt3A_108 : i32
        %ne3A_110 = vector.broadcast %lt3A_109 : i1 to vector<16xi1>
        %ne3A_111 = vector.broadcast %ne3A_110 : vector<16xi1> to vector<16xi1>
        %ne3A_112 = arith.xori %lt3A_107, %ne3A_111 : vector<16xi1>
        %and3A_113 = arith.andi %ne3A_112, %ne3A_104 : vector<16xi1>
        %add3A_114 = vector.broadcast %select_n3A : i32 to vector<16xi32>
        %add3A_115 = arith.addi %rem3A_102, %add3A_114 : vector<16xi32>
        %select_n3A_116 = arith.select %and3A_113, %add3A_115, %rem3A_102 : vector<16xi1>, vector<16xi32>
        %add3A_117 = vector.broadcast %mul3A_98 : i32 to vector<16xi32>
        %add3A_118 = arith.addi %add3A_117, %select_n3A_116 : vector<16xi32>
        %gather3A = tpu.vector_load_idx %arg6[%broadcast_in_dim3A_94, %add3A_118] : memref<128x16xi32, #tpu.memory_space<vmem>>[vector<16xi32>, vector<16xi32>], vector<16xi32>,
        %gather3A_119 = tpu.vector_load_idx %arg10[%gather3A] : memref<16xi32, #tpu.memory_space<vmem>>[vector<16xi32>], vector<16xi32>,
        %lt3A_120 = vector.broadcast %squeeze3A_23 : i32 to vector<16xi32>
        %lt3A_121 = arith.cmpi slt, %gather3A_119, %lt3A_120 : vector<16xi32>
        %and3A_122 = arith.andi %lt3A_121, %lt3A_42 : vector<16xi1>
        %convert_element_type3A_123 = arith.extui %and3A_122 : vector<16xi1> to vector<16xi32>
        %broadcast_in_dim3A_124 = arith.constant true
        %broadcast_in_dim3A_125 = vector.broadcast %broadcast_in_dim3A_124 : i1 to vector<16xi1>
        %masked_cumsum3A = tpu.scan <sum>, %convert_element_type3A_123 masked %broadcast_in_dim3A_125 : vector<16xi32>, vector<16xi1> -> vector<16xi32>
        %le3A_126 = vector.broadcast %squeeze3A : i32 to vector<16xi32>
        %le3A_127 = arith.cmpi sle, %masked_cumsum3A, %le3A_126 : vector<16xi32>
        %and3A_128 = arith.andi %and3A_122, %le3A_127 : vector<16xi1>
        %convert_element_type3A_129 = arith.extui %and3A_128 : vector<16xi1> to vector<16xi32>
        %broadcast_in_dim3A_130 = arith.constant true
        %broadcast_in_dim3A_131 = vector.broadcast %broadcast_in_dim3A_130 : i1 to vector<16xi1>
        %masked_cumsum3A_132 = tpu.scan <sum>, %convert_element_type3A_129 masked %broadcast_in_dim3A_131 : vector<16xi32>, vector<16xi1> -> vector<16xi32>
        %eq3A_133 = arith.constant 1 : i32
        %eq3A_134 = vector.broadcast %eq3A_133 : i32 to vector<16xi32>
        %eq3A_135 = arith.cmpi eq, %masked_cumsum3A_132, %eq3A_134 : vector<16xi32>
        %and3A_136 = arith.andi %and3A_128, %eq3A_135 : vector<16xi1>
        %add3A_137 = arith.constant 1 : i32
        %add3A_138 = vector.broadcast %add3A_137 : i32 to vector<16xi32>
        %add3A_139 = arith.addi %gather3A, %add3A_138 : vector<16xi32>
        %jit3A_140 = arith.constant 0 : i32
        %broadcast_in_dim3A_141 = vector.broadcast %jit3A_140 : i32 to vector<16xi32>
        %select_n3A_142 = arith.select %and3A_136, %add3A_139, %broadcast_in_dim3A_141 : vector<16xi1>, vector<16xi32>
        %reduce_sum3A = arith.constant true
        %reduce_sum3A_143 = vector.broadcast %reduce_sum3A : i1 to vector<16xi1>
        %reduce_sum3A_144 = tpu.scan <sum>, %select_n3A_142 masked %reduce_sum3A_143 : vector<16xi32>, vector<16xi1> -> vector<16xi32>
        %reduce_sum3A_145 = vector.extract %reduce_sum3A_144[15] : i32 from vector<16xi32>
        %sub3A = arith.constant 1 : i32
        %sub3A_146 = arith.subi %reduce_sum3A_145, %sub3A : i32
        %eq3A_147 = arith.constant 2 : i32
        %eq3A_148 = vector.broadcast %eq3A_147 : i32 to vector<16xi32>
        %eq3A_149 = arith.cmpi eq, %masked_cumsum3A_132, %eq3A_148 : vector<16xi32>
        %and3A_150 = arith.andi %and3A_128, %eq3A_149 : vector<16xi1>
        %add3A_151 = arith.constant 1 : i32
        %add3A_152 = vector.broadcast %add3A_151 : i32 to vector<16xi32>
        %add3A_153 = arith.addi %gather3A, %add3A_152 : vector<16xi32>
        %jit3A_154 = arith.constant 0 : i32
        %broadcast_in_dim3A_155 = vector.broadcast %jit3A_154 : i32 to vector<16xi32>
        %select_n3A_156 = arith.select %and3A_150, %add3A_153, %broadcast_in_dim3A_155 : vector<16xi1>, vector<16xi32>
        %reduce_sum3A_157 = arith.constant true
        %reduce_sum3A_158 = vector.broadcast %reduce_sum3A_157 : i1 to vector<16xi1>
        %reduce_sum3A_159 = tpu.scan <sum>, %select_n3A_156 masked %reduce_sum3A_158 : vector<16xi32>, vector<16xi1> -> vector<16xi32>
        %reduce_sum3A_160 = vector.extract %reduce_sum3A_159[15] : i32 from vector<16xi32>
        %sub3A_161 = arith.constant 1 : i32
        %sub3A_162 = arith.subi %reduce_sum3A_160, %sub3A_161 : i32
        tpu.vector_store_idx %arg10[%gather3A], %broadcast_in_dim3A_44 masked %and3A_128 {add = true} : memref<16xi32, #tpu.memory_space<vmem>>[vector<16xi32>], vector<16xi32>, vector<16xi1>
        %eq3A_163 = arith.constant 0 : i32
        %eq3A_164 = vector.broadcast %eq3A_163 : i32 to vector<16xi32>
        %eq3A_165 = arith.cmpi eq, %iota3A, %eq3A_164 : vector<16xi32>
        %broadcast_in_dim3A_166 = vector.broadcast %sub3A_146 : i32 to vector<16xi32>
        %broadcast_in_dim3A_167 = vector.broadcast %sub3A_162 : i32 to vector<16xi32>
        %select_n3A_168 = arith.select %eq3A_165, %broadcast_in_dim3A_166, %broadcast_in_dim3A_167 : vector<16xi1>, vector<16xi32>
        %shift_right_arithmetic3A_169 = arith.constant 3 : i32
        %shift_right_arithmetic3A_170 = arith.shrsi %scan3A_92, %shift_right_arithmetic3A_169 : i32
        %broadcast_in_dim3A_171 = vector.broadcast %shift_right_arithmetic3A_170 : i32 to vector<16xi32>
        %and3A_172 = arith.constant 7 : i32
        %and3A_173 = arith.andi %scan3A_92, %and3A_172 : i32
        %mul3A_174 = arith.constant 2 : i32
        %mul3A_175 = arith.muli %mul3A_174, %and3A_173 : i32
        %add3A_176 = vector.broadcast %mul3A_175 : i32 to vector<16xi32>
        %add3A_177 = arith.addi %add3A_176, %iota3A : vector<16xi32>
        %lt3A_178 = arith.constant 2 : i32
        %lt3A_179 = vector.broadcast %lt3A_178 : i32 to vector<16xi32>
        %lt3A_180 = arith.cmpi slt, %iota3A, %lt3A_179 : vector<16xi32>
        tpu.vector_store_idx %arg9[%broadcast_in_dim3A_171, %add3A_177], %select_n3A_168 masked %lt3A_180 : memref<32x16xi32, #tpu.memory_space<vmem>>[vector<16xi32>, vector<16xi32>], vector<16xi32>, vector<16xi1>
      }
      %scan3A_85 = arith.constant 256 : i32
      "tpu.region"() ({
        %run_scoped3A = tpu.sem_alloc : memref<!tpu.dma_semaphore, #tpu.memory_space<semaphore_mem>>
        %dma_start3A_92 = arith.constant 192 : i32
        %dma_start3A_93 = arith.constant 0 : i32
        %dma_start3A_94 = tpu.memref_slice %arg5[%dma_start3A_92, %dma_start3A_93] : memref<256x16xi32, #tpu.memory_space<hbm>> -> memref<32x16xi32, #tpu.memory_space<hbm>>
        %dma_start3A_95 = arith.constant 192 : i32
        %dma_start3A_96 = arith.constant 0 : i32
        %dma_start3A_97 = tpu.memref_slice %arg5[%dma_start3A_95, %dma_start3A_96] : memref<256x16xi32, #tpu.memory_space<hbm>> -> memref<32x16xi32, #tpu.memory_space<hbm>>
        tpu.enqueue_dma source(%arg9 : memref<32x16xi32, #tpu.memory_space<vmem>>) target(%dma_start3A_97 : memref<32x16xi32, #tpu.memory_space<hbm>>) target_semaphore(%run_scoped3A : memref<!tpu.dma_semaphore, #tpu.memory_space<semaphore_mem>>)
        %dma_wait3A_98 = arith.constant 192 : i32
        %dma_wait3A_99 = arith.constant 0 : i32
        %dma_wait3A_100 = tpu.memref_slice %arg5[%dma_wait3A_98, %dma_wait3A_99] : memref<256x16xi32, #tpu.memory_space<hbm>> -> memref<32x16xi32, #tpu.memory_space<hbm>>
        %dma_wait3A_101 = arith.constant 192 : i32
        %dma_wait3A_102 = arith.constant 0 : i32
        %dma_wait3A_103 = tpu.memref_slice %arg5[%dma_wait3A_101, %dma_wait3A_102] : memref<256x16xi32, #tpu.memory_space<hbm>> -> memref<32x16xi32, #tpu.memory_space<hbm>>
        tpu.wait_dma2 semaphore(%run_scoped3A : memref<!tpu.dma_semaphore, #tpu.memory_space<semaphore_mem>>) src(%arg9 : memref<32x16xi32, #tpu.memory_space<vmem>>) dst(%dma_wait3A_103 : memref<32x16xi32, #tpu.memory_space<hbm>>)
        tpu.yield
      }) : () -> ()
      "tpu.region"() ({
        %run_scoped3A = tpu.sem_alloc : memref<!tpu.dma_semaphore, #tpu.memory_space<semaphore_mem>>
        %dma_start3A_92 = arith.constant 896 : i32
        %dma_start3A_93 = arith.constant 0 : i32
        %dma_start3A_94 = tpu.memref_slice %arg2[%dma_start3A_92, %dma_start3A_93] : memref<1024x16xi32, #tpu.memory_space<hbm>> -> memref<128x16xi32, #tpu.memory_space<hbm>>
        %dma_start3A_95 = arith.constant 896 : i32
        %dma_start3A_96 = arith.constant 0 : i32
        %dma_start3A_97 = tpu.memref_slice %arg2[%dma_start3A_95, %dma_start3A_96] : memref<1024x16xi32, #tpu.memory_space<hbm>> -> memref<128x16xi32, #tpu.memory_space<hbm>>
        tpu.enqueue_dma source(%dma_start3A_97 : memref<128x16xi32, #tpu.memory_space<hbm>>) target(%arg6 : memref<128x16xi32, #tpu.memory_space<vmem>>) target_semaphore(%run_scoped3A : memref<!tpu.dma_semaphore, #tpu.memory_space<semaphore_mem>>)
        %dma_wait3A_98 = arith.constant 896 : i32
        %dma_wait3A_99 = arith.constant 0 : i32
        %dma_wait3A_100 = tpu.memref_slice %arg2[%dma_wait3A_98, %dma_wait3A_99] : memref<1024x16xi32, #tpu.memory_space<hbm>> -> memref<128x16xi32, #tpu.memory_space<hbm>>
        %dma_wait3A_101 = arith.constant 896 : i32
        %dma_wait3A_102 = arith.constant 0 : i32
        %dma_wait3A_103 = tpu.memref_slice %arg2[%dma_wait3A_101, %dma_wait3A_102] : memref<1024x16xi32, #tpu.memory_space<hbm>> -> memref<128x16xi32, #tpu.memory_space<hbm>>
        tpu.wait_dma2 semaphore(%run_scoped3A : memref<!tpu.dma_semaphore, #tpu.memory_space<semaphore_mem>>) src(%dma_wait3A_103 : memref<128x16xi32, #tpu.memory_space<hbm>>) dst(%arg6 : memref<128x16xi32, #tpu.memory_space<vmem>>)
        tpu.yield
      }) : () -> ()
      %scan3A_86 = arith.constant 0 : i32
      %scan3A_87 = arith.constant 0 : i32
      %scan3A_88 = arith.constant 256 : i32
      %scan3A_89 = arith.addi %scan3A_87, %scan3A_88 : i32
      %scan3A_90 = arith.constant 1 : i32
      scf.for %scan3A_92 = %scan3A_87 to %scan3A_89 step %scan3A_90  : i32 {
        %shift_right_arithmetic3A = arith.constant 1 : i32
        %shift_right_arithmetic3A_93 = arith.shrsi %scan3A_92, %shift_right_arithmetic3A : i32
        %broadcast_in_dim3A_94 = vector.broadcast %shift_right_arithmetic3A_93 : i32 to vector<16xi32>
        %and3A_95 = arith.constant 1 : i32
        %and3A_96 = arith.andi %scan3A_92, %and3A_95 : i32
        %mul3A_97 = arith.constant 8 : i32
        %mul3A_98 = arith.muli %mul3A_97, %and3A_96 : i32
        %jit3A = arith.constant 8 : i32
        %eq3A_99 = arith.constant 0 : i32
        %eq3A_100 = arith.cmpi eq, %jit3A, %eq3A_99 : i32
        %jit3A_101 = arith.constant 1 : i32
        %select_n3A = arith.select %eq3A_100, %jit3A_101, %jit3A : i32
        %rem3A = vector.broadcast %select_n3A : i32 to vector<16xi32>
        %rem3A_102 = arith.remsi %iota3A, %rem3A : vector<16xi32>
        %ne3A = arith.constant 0 : i32
        %ne3A_103 = vector.broadcast %ne3A : i32 to vector<16xi32>
        %ne3A_104 = arith.cmpi ne, %rem3A_102, %ne3A_103 : vector<16xi32>
        %lt3A_105 = arith.constant 0 : i32
        %lt3A_106 = vector.broadcast %lt3A_105 : i32 to vector<16xi32>
        %lt3A_107 = arith.cmpi slt, %rem3A_102, %lt3A_106 : vector<16xi32>
        %lt3A_108 = arith.constant 0 : i32
        %lt3A_109 = arith.cmpi slt, %select_n3A, %lt3A_108 : i32
        %ne3A_110 = vector.broadcast %lt3A_109 : i1 to vector<16xi1>
        %ne3A_111 = vector.broadcast %ne3A_110 : vector<16xi1> to vector<16xi1>
        %ne3A_112 = arith.xori %lt3A_107, %ne3A_111 : vector<16xi1>
        %and3A_113 = arith.andi %ne3A_112, %ne3A_104 : vector<16xi1>
        %add3A_114 = vector.broadcast %select_n3A : i32 to vector<16xi32>
        %add3A_115 = arith.addi %rem3A_102, %add3A_114 : vector<16xi32>
        %select_n3A_116 = arith.select %and3A_113, %add3A_115, %rem3A_102 : vector<16xi1>, vector<16xi32>
        %add3A_117 = vector.broadcast %mul3A_98 : i32 to vector<16xi32>
        %add3A_118 = arith.addi %add3A_117, %select_n3A_116 : vector<16xi32>
        %gather3A = tpu.vector_load_idx %arg6[%broadcast_in_dim3A_94, %add3A_118] : memref<128x16xi32, #tpu.memory_space<vmem>>[vector<16xi32>, vector<16xi32>], vector<16xi32>,
        %gather3A_119 = tpu.vector_load_idx %arg10[%gather3A] : memref<16xi32, #tpu.memory_space<vmem>>[vector<16xi32>], vector<16xi32>,
        %lt3A_120 = vector.broadcast %squeeze3A_23 : i32 to vector<16xi32>
        %lt3A_121 = arith.cmpi slt, %gather3A_119, %lt3A_120 : vector<16xi32>
        %and3A_122 = arith.andi %lt3A_121, %lt3A_42 : vector<16xi1>
        %convert_element_type3A_123 = arith.extui %and3A_122 : vector<16xi1> to vector<16xi32>
        %broadcast_in_dim3A_124 = arith.constant true
        %broadcast_in_dim3A_125 = vector.broadcast %broadcast_in_dim3A_124 : i1 to vector<16xi1>
        %masked_cumsum3A = tpu.scan <sum>, %convert_element_type3A_123 masked %broadcast_in_dim3A_125 : vector<16xi32>, vector<16xi1> -> vector<16xi32>
        %le3A_126 = vector.broadcast %squeeze3A : i32 to vector<16xi32>
        %le3A_127 = arith.cmpi sle, %masked_cumsum3A, %le3A_126 : vector<16xi32>
        %and3A_128 = arith.andi %and3A_122, %le3A_127 : vector<16xi1>
        %convert_element_type3A_129 = arith.extui %and3A_128 : vector<16xi1> to vector<16xi32>
        %broadcast_in_dim3A_130 = arith.constant true
        %broadcast_in_dim3A_131 = vector.broadcast %broadcast_in_dim3A_130 : i1 to vector<16xi1>
        %masked_cumsum3A_132 = tpu.scan <sum>, %convert_element_type3A_129 masked %broadcast_in_dim3A_131 : vector<16xi32>, vector<16xi1> -> vector<16xi32>
        %eq3A_133 = arith.constant 1 : i32
        %eq3A_134 = vector.broadcast %eq3A_133 : i32 to vector<16xi32>
        %eq3A_135 = arith.cmpi eq, %masked_cumsum3A_132, %eq3A_134 : vector<16xi32>
        %and3A_136 = arith.andi %and3A_128, %eq3A_135 : vector<16xi1>
        %add3A_137 = arith.constant 1 : i32
        %add3A_138 = vector.broadcast %add3A_137 : i32 to vector<16xi32>
        %add3A_139 = arith.addi %gather3A, %add3A_138 : vector<16xi32>
        %jit3A_140 = arith.constant 0 : i32
        %broadcast_in_dim3A_141 = vector.broadcast %jit3A_140 : i32 to vector<16xi32>
        %select_n3A_142 = arith.select %and3A_136, %add3A_139, %broadcast_in_dim3A_141 : vector<16xi1>, vector<16xi32>
        %reduce_sum3A = arith.constant true
        %reduce_sum3A_143 = vector.broadcast %reduce_sum3A : i1 to vector<16xi1>
        %reduce_sum3A_144 = tpu.scan <sum>, %select_n3A_142 masked %reduce_sum3A_143 : vector<16xi32>, vector<16xi1> -> vector<16xi32>
        %reduce_sum3A_145 = vector.extract %reduce_sum3A_144[15] : i32 from vector<16xi32>
        %sub3A = arith.constant 1 : i32
        %sub3A_146 = arith.subi %reduce_sum3A_145, %sub3A : i32
        %eq3A_147 = arith.constant 2 : i32
        %eq3A_148 = vector.broadcast %eq3A_147 : i32 to vector<16xi32>
        %eq3A_149 = arith.cmpi eq, %masked_cumsum3A_132, %eq3A_148 : vector<16xi32>
        %and3A_150 = arith.andi %and3A_128, %eq3A_149 : vector<16xi1>
        %add3A_151 = arith.constant 1 : i32
        %add3A_152 = vector.broadcast %add3A_151 : i32 to vector<16xi32>
        %add3A_153 = arith.addi %gather3A, %add3A_152 : vector<16xi32>
        %jit3A_154 = arith.constant 0 : i32
        %broadcast_in_dim3A_155 = vector.broadcast %jit3A_154 : i32 to vector<16xi32>
        %select_n3A_156 = arith.select %and3A_150, %add3A_153, %broadcast_in_dim3A_155 : vector<16xi1>, vector<16xi32>
        %reduce_sum3A_157 = arith.constant true
        %reduce_sum3A_158 = vector.broadcast %reduce_sum3A_157 : i1 to vector<16xi1>
        %reduce_sum3A_159 = tpu.scan <sum>, %select_n3A_156 masked %reduce_sum3A_158 : vector<16xi32>, vector<16xi1> -> vector<16xi32>
        %reduce_sum3A_160 = vector.extract %reduce_sum3A_159[15] : i32 from vector<16xi32>
        %sub3A_161 = arith.constant 1 : i32
        %sub3A_162 = arith.subi %reduce_sum3A_160, %sub3A_161 : i32
        tpu.vector_store_idx %arg10[%gather3A], %broadcast_in_dim3A_44 masked %and3A_128 {add = true} : memref<16xi32, #tpu.memory_space<vmem>>[vector<16xi32>], vector<16xi32>, vector<16xi1>
        %eq3A_163 = arith.constant 0 : i32
        %eq3A_164 = vector.broadcast %eq3A_163 : i32 to vector<16xi32>
        %eq3A_165 = arith.cmpi eq, %iota3A, %eq3A_164 : vector<16xi32>
        %broadcast_in_dim3A_166 = vector.broadcast %sub3A_146 : i32 to vector<16xi32>
        %broadcast_in_dim3A_167 = vector.broadcast %sub3A_162 : i32 to vector<16xi32>
        %select_n3A_168 = arith.select %eq3A_165, %broadcast_in_dim3A_166, %broadcast_in_dim3A_167 : vector<16xi1>, vector<16xi32>
        %shift_right_arithmetic3A_169 = arith.constant 3 : i32
        %shift_right_arithmetic3A_170 = arith.shrsi %scan3A_92, %shift_right_arithmetic3A_169 : i32
        %broadcast_in_dim3A_171 = vector.broadcast %shift_right_arithmetic3A_170 : i32 to vector<16xi32>
        %and3A_172 = arith.constant 7 : i32
        %and3A_173 = arith.andi %scan3A_92, %and3A_172 : i32
        %mul3A_174 = arith.constant 2 : i32
        %mul3A_175 = arith.muli %mul3A_174, %and3A_173 : i32
        %add3A_176 = vector.broadcast %mul3A_175 : i32 to vector<16xi32>
        %add3A_177 = arith.addi %add3A_176, %iota3A : vector<16xi32>
        %lt3A_178 = arith.constant 2 : i32
        %lt3A_179 = vector.broadcast %lt3A_178 : i32 to vector<16xi32>
        %lt3A_180 = arith.cmpi slt, %iota3A, %lt3A_179 : vector<16xi32>
        tpu.vector_store_idx %arg9[%broadcast_in_dim3A_171, %add3A_177], %select_n3A_168 masked %lt3A_180 : memref<32x16xi32, #tpu.memory_space<vmem>>[vector<16xi32>, vector<16xi32>], vector<16xi32>, vector<16xi1>
      }
      %scan3A_91 = arith.constant 256 : i32
      "tpu.region"() ({
        %run_scoped3A = tpu.sem_alloc : memref<!tpu.dma_semaphore, #tpu.memory_space<semaphore_mem>>
        %dma_start3A_92 = arith.constant 224 : i32
        %dma_start3A_93 = arith.constant 0 : i32
        %dma_start3A_94 = tpu.memref_slice %arg5[%dma_start3A_92, %dma_start3A_93] : memref<256x16xi32, #tpu.memory_space<hbm>> -> memref<32x16xi32, #tpu.memory_space<hbm>>
        %dma_start3A_95 = arith.constant 224 : i32
        %dma_start3A_96 = arith.constant 0 : i32
        %dma_start3A_97 = tpu.memref_slice %arg5[%dma_start3A_95, %dma_start3A_96] : memref<256x16xi32, #tpu.memory_space<hbm>> -> memref<32x16xi32, #tpu.memory_space<hbm>>
        tpu.enqueue_dma source(%arg9 : memref<32x16xi32, #tpu.memory_space<vmem>>) target(%dma_start3A_97 : memref<32x16xi32, #tpu.memory_space<hbm>>) target_semaphore(%run_scoped3A : memref<!tpu.dma_semaphore, #tpu.memory_space<semaphore_mem>>)
        %dma_wait3A_98 = arith.constant 224 : i32
        %dma_wait3A_99 = arith.constant 0 : i32
        %dma_wait3A_100 = tpu.memref_slice %arg5[%dma_wait3A_98, %dma_wait3A_99] : memref<256x16xi32, #tpu.memory_space<hbm>> -> memref<32x16xi32, #tpu.memory_space<hbm>>
        %dma_wait3A_101 = arith.constant 224 : i32
        %dma_wait3A_102 = arith.constant 0 : i32
        %dma_wait3A_103 = tpu.memref_slice %arg5[%dma_wait3A_101, %dma_wait3A_102] : memref<256x16xi32, #tpu.memory_space<hbm>> -> memref<32x16xi32, #tpu.memory_space<hbm>>
        tpu.wait_dma2 semaphore(%run_scoped3A : memref<!tpu.dma_semaphore, #tpu.memory_space<semaphore_mem>>) src(%arg9 : memref<32x16xi32, #tpu.memory_space<vmem>>) dst(%dma_wait3A_103 : memref<32x16xi32, #tpu.memory_space<hbm>>)
        tpu.yield
      }) : () -> ()
    } else {
    }
    return
  }
}

module attributes {stable_mosaic.version = 14 : i64} {
  func.func @_k1a_body(%arg0: memref<2xf32, #tpu.memory_space<smem>>, %arg1: memref<2xi32, #tpu.memory_space<smem>>, %arg2: memref<2048x1024xf32, #tpu.memory_space<vmem>>, %arg3: memref<16x1024xf32, #tpu.memory_space<vmem>>, %arg4: memref<1x16xf32, #tpu.memory_space<vmem>>, %arg5: memref<2048x16xf32, #tpu.memory_space<vmem>>, %arg6: memref<2048x8xi32, #tpu.memory_space<vmem>>, %arg7: memref<1x16xi32, #tpu.memory_space<vmem>>, %arg8: memref<1x16xi32, #tpu.memory_space<vmem>>) attributes {dimension_semantics = [], scalar_prefetch = 0 : i64, scratch_operands = 0 : i64, tpu.core_type = #tpu.core_type<tc>} {
    %get3A = arith.constant 0 : index
    %get3A_0 = memref.load %arg0[%get3A] : memref<2xf32, #tpu.memory_space<smem>>
    %get3A_1 = arith.constant 1 : index
    %get3A_2 = memref.load %arg0[%get3A_1] : memref<2xf32, #tpu.memory_space<smem>>
    %get3A_3 = arith.constant 0 : index
    %get3A_4 = memref.load %arg1[%get3A_3] : memref<2xi32, #tpu.memory_space<smem>>
    %get3A_5 = arith.constant 0 : index
    %get3A_6 = arith.constant 0 : index
    %get3A_7 = vector.load %arg2[%get3A_5, %get3A_6] : memref<2048x1024xf32, #tpu.memory_space<vmem>>, vector<2048x1024xf32>
    %get3A_8 = arith.constant 0 : index
    %get3A_9 = arith.constant 0 : index
    %get3A_10 = vector.load %arg3[%get3A_8, %get3A_9] : memref<16x1024xf32, #tpu.memory_space<vmem>>, vector<16x1024xf32>
    %dot_general3A = arith.constant dense<0.000000e+00> : vector<2048x16xf32>
    %dot_general3A_11 = tpu.matmul %get3A_7, %get3A_10, %dot_general3A {dimension_numbers = #tpu.dot_dimension_numbers<[1], [1], [0], [0], [0, 0, 1, 0], [], []>, transpose_lhs_hint = false} : vector<2048x1024xf32>, vector<16x1024xf32>, vector<2048x16xf32> -> vector<2048x16xf32>
    %mul3A = vector.broadcast %get3A_0 : f32 to vector<2048x16xf32>
    %mul3A_12 = arith.mulf %dot_general3A_11, %mul3A : vector<2048x16xf32>
    %get3A_13 = arith.constant 0 : index
    %get3A_14 = arith.constant 0 : index
    %get3A_15 = vector.load %arg4[%get3A_13, %get3A_14] : memref<1x16xf32, #tpu.memory_space<vmem>>, vector<1x16xf32>
    %add3A = vector.broadcast %get3A_15 : vector<1x16xf32> to vector<2048x16xf32>
    %add3A_16 = arith.addf %mul3A_12, %add3A : vector<2048x16xf32>
    %reduce_max3A = arith.constant dense<0xFF800000> : vector<2048xf32>
    %reduce_max3A_17 = vector.multi_reduction <maximumf>, %add3A_16, %reduce_max3A [1] : vector<2048x16xf32> to vector<2048xf32>
    %broadcast_in_dim3A = vector.shape_cast %reduce_max3A_17 : vector<2048xf32> to vector<2048x1xf32>
    %sub3A = vector.broadcast %broadcast_in_dim3A : vector<2048x1xf32> to vector<2048x16xf32>
    %sub3A_18 = arith.subf %add3A_16, %sub3A : vector<2048x16xf32>
    %exp3A = math.exp %sub3A_18 : vector<2048x16xf32>
    %reduce_sum3A = arith.constant dense<0.000000e+00> : vector<2048xf32>
    %reduce_sum3A_19 = vector.multi_reduction <add>, %exp3A, %reduce_sum3A [1] : vector<2048x16xf32> to vector<2048xf32>
    %broadcast_in_dim3A_20 = vector.shape_cast %reduce_sum3A_19 : vector<2048xf32> to vector<2048x1xf32>
    %div3A = vector.broadcast %broadcast_in_dim3A_20 : vector<2048x1xf32> to vector<2048x16xf32>
    %div3A_21 = arith.divf %exp3A, %div3A : vector<2048x16xf32>
    %gt3A = arith.constant 0.000000e+00 : f32
    %gt3A_22 = arith.cmpf ogt, %get3A_2, %gt3A : f32
    %sub3A_23 = arith.constant 1.000000e+00 : f32
    %sub3A_24 = arith.subf %sub3A_23, %get3A_2 : f32
    %mul3A_25 = vector.broadcast %sub3A_24 : f32 to vector<2048x16xf32>
    %mul3A_26 = arith.mulf %mul3A_25, %div3A_21 : vector<2048x16xf32>
    %div3A_27 = arith.constant 1.600000e+01 : f32
    %div3A_28 = arith.divf %get3A_2, %div3A_27 : f32
    %add3A_29 = vector.broadcast %div3A_28 : f32 to vector<2048x16xf32>
    %add3A_30 = arith.addf %mul3A_26, %add3A_29 : vector<2048x16xf32>
    %select_n3A = arith.select %gt3A_22, %add3A_30, %div3A_21 : vector<2048x16xf32>
    %swap3A = arith.constant 0 : index
    %swap3A_31 = arith.constant 0 : index
    %swap3A_32 = vector.load %arg5[%swap3A, %swap3A_31] : memref<2048x16xf32, #tpu.memory_space<vmem>>, vector<2048x16xf32>
    tpu.vector_store %arg5[%swap3A, %swap3A_31], %select_n3A {strides = array<i32>} : memref<2048x16xf32, #tpu.memory_space<vmem>>, vector<2048x16xf32>,
    %iota3A = tpu.iota {dimensions = array<i32: 1>} : vector<2048x16xi32>
    %iota3A_33 = tpu.iota {dimensions = array<i32: 1>} : vector<2048x8xi32>
    %bitcast_convert_type3A = tpu.bitcast %select_n3A : vector<2048x16xf32> -> vector<2048x16xi32>
    %and3A = arith.constant -16 : i32
    %and3A_34 = vector.broadcast %and3A : i32 to vector<2048x16xi32>
    %and3A_35 = arith.andi %bitcast_convert_type3A, %and3A_34 : vector<2048x16xi32>
    %sub3A_36 = arith.constant 15 : i32
    %sub3A_37 = vector.broadcast %sub3A_36 : i32 to vector<2048x16xi32>
    %sub3A_38 = arith.subi %sub3A_37, %iota3A : vector<2048x16xi32>
    %or3A = arith.ori %and3A_35, %sub3A_38 : vector<2048x16xi32>
    %broadcast_in_dim3A_39 = arith.constant 0 : i32
    %broadcast_in_dim3A_40 = vector.broadcast %broadcast_in_dim3A_39 : i32 to vector<2048x8xi32>
    %reduce_max3A_41 = arith.constant dense<-2147483648> : vector<2048xi32>
    %reduce_max3A_42 = vector.multi_reduction <maxsi>, %or3A, %reduce_max3A_41 [1] : vector<2048x16xi32> to vector<2048xi32>
    %broadcast_in_dim3A_43 = vector.shape_cast %reduce_max3A_42 : vector<2048xi32> to vector<2048x1xi32>
    %and3A_44 = arith.constant 15 : i32
    %and3A_45 = vector.broadcast %and3A_44 : i32 to vector<2048x1xi32>
    %and3A_46 = arith.andi %broadcast_in_dim3A_43, %and3A_45 : vector<2048x1xi32>
    %sub3A_47 = arith.constant 15 : i32
    %sub3A_48 = vector.broadcast %sub3A_47 : i32 to vector<2048x1xi32>
    %sub3A_49 = arith.subi %sub3A_48, %and3A_46 : vector<2048x1xi32>
    %eq3A = arith.constant 0 : i32
    %eq3A_50 = vector.broadcast %eq3A : i32 to vector<2048x8xi32>
    %eq3A_51 = arith.cmpi eq, %iota3A_33, %eq3A_50 : vector<2048x8xi32>
    %convert_element_type3A = arith.extui %eq3A_51 : vector<2048x8xi1> to vector<2048x8xi32>
    %mul3A_52 = vector.broadcast %sub3A_49 : vector<2048x1xi32> to vector<2048x8xi32>
    %mul3A_53 = arith.muli %mul3A_52, %convert_element_type3A : vector<2048x8xi32>
    %add3A_54 = arith.addi %broadcast_in_dim3A_40, %mul3A_53 : vector<2048x8xi32>
    %eq3A_55 = vector.broadcast %broadcast_in_dim3A_43 : vector<2048x1xi32> to vector<2048x16xi32>
    %eq3A_56 = arith.cmpi eq, %or3A, %eq3A_55 : vector<2048x16xi32>
    %jit3A = arith.constant -1 : i32
    %broadcast_in_dim3A_57 = vector.broadcast %jit3A : i32 to vector<2048x16xi32>
    %select_n3A_58 = arith.select %eq3A_56, %broadcast_in_dim3A_57, %or3A : vector<2048x16xi1>, vector<2048x16xi32>
    %reduce_max3A_59 = arith.constant dense<-2147483648> : vector<2048xi32>
    %reduce_max3A_60 = vector.multi_reduction <maxsi>, %select_n3A_58, %reduce_max3A_59 [1] : vector<2048x16xi32> to vector<2048xi32>
    %broadcast_in_dim3A_61 = vector.shape_cast %reduce_max3A_60 : vector<2048xi32> to vector<2048x1xi32>
    %and3A_62 = arith.constant 15 : i32
    %and3A_63 = vector.broadcast %and3A_62 : i32 to vector<2048x1xi32>
    %and3A_64 = arith.andi %broadcast_in_dim3A_61, %and3A_63 : vector<2048x1xi32>
    %sub3A_65 = arith.constant 15 : i32
    %sub3A_66 = vector.broadcast %sub3A_65 : i32 to vector<2048x1xi32>
    %sub3A_67 = arith.subi %sub3A_66, %and3A_64 : vector<2048x1xi32>
    %eq3A_68 = arith.constant 1 : i32
    %eq3A_69 = vector.broadcast %eq3A_68 : i32 to vector<2048x8xi32>
    %eq3A_70 = arith.cmpi eq, %iota3A_33, %eq3A_69 : vector<2048x8xi32>
    %convert_element_type3A_71 = arith.extui %eq3A_70 : vector<2048x8xi1> to vector<2048x8xi32>
    %mul3A_72 = vector.broadcast %sub3A_67 : vector<2048x1xi32> to vector<2048x8xi32>
    %mul3A_73 = arith.muli %mul3A_72, %convert_element_type3A_71 : vector<2048x8xi32>
    %add3A_74 = arith.addi %add3A_54, %mul3A_73 : vector<2048x8xi32>
    %eq3A_75 = vector.broadcast %broadcast_in_dim3A_61 : vector<2048x1xi32> to vector<2048x16xi32>
    %eq3A_76 = arith.cmpi eq, %select_n3A_58, %eq3A_75 : vector<2048x16xi32>
    %jit3A_77 = arith.constant -1 : i32
    %broadcast_in_dim3A_78 = vector.broadcast %jit3A_77 : i32 to vector<2048x16xi32>
    %select_n3A_79 = arith.select %eq3A_76, %broadcast_in_dim3A_78, %select_n3A_58 : vector<2048x16xi1>, vector<2048x16xi32>
    %reduce_max3A_80 = arith.constant dense<-2147483648> : vector<2048xi32>
    %reduce_max3A_81 = vector.multi_reduction <maxsi>, %select_n3A_79, %reduce_max3A_80 [1] : vector<2048x16xi32> to vector<2048xi32>
    %broadcast_in_dim3A_82 = vector.shape_cast %reduce_max3A_81 : vector<2048xi32> to vector<2048x1xi32>
    %and3A_83 = arith.constant 15 : i32
    %and3A_84 = vector.broadcast %and3A_83 : i32 to vector<2048x1xi32>
    %and3A_85 = arith.andi %broadcast_in_dim3A_82, %and3A_84 : vector<2048x1xi32>
    %sub3A_86 = arith.constant 15 : i32
    %sub3A_87 = vector.broadcast %sub3A_86 : i32 to vector<2048x1xi32>
    %sub3A_88 = arith.subi %sub3A_87, %and3A_85 : vector<2048x1xi32>
    %eq3A_89 = arith.constant 2 : i32
    %eq3A_90 = vector.broadcast %eq3A_89 : i32 to vector<2048x8xi32>
    %eq3A_91 = arith.cmpi eq, %iota3A_33, %eq3A_90 : vector<2048x8xi32>
    %convert_element_type3A_92 = arith.extui %eq3A_91 : vector<2048x8xi1> to vector<2048x8xi32>
    %mul3A_93 = vector.broadcast %sub3A_88 : vector<2048x1xi32> to vector<2048x8xi32>
    %mul3A_94 = arith.muli %mul3A_93, %convert_element_type3A_92 : vector<2048x8xi32>
    %add3A_95 = arith.addi %add3A_74, %mul3A_94 : vector<2048x8xi32>
    %eq3A_96 = vector.broadcast %broadcast_in_dim3A_82 : vector<2048x1xi32> to vector<2048x16xi32>
    %eq3A_97 = arith.cmpi eq, %select_n3A_79, %eq3A_96 : vector<2048x16xi32>
    %jit3A_98 = arith.constant -1 : i32
    %broadcast_in_dim3A_99 = vector.broadcast %jit3A_98 : i32 to vector<2048x16xi32>
    %select_n3A_100 = arith.select %eq3A_97, %broadcast_in_dim3A_99, %select_n3A_79 : vector<2048x16xi1>, vector<2048x16xi32>
    %reduce_max3A_101 = arith.constant dense<-2147483648> : vector<2048xi32>
    %reduce_max3A_102 = vector.multi_reduction <maxsi>, %select_n3A_100, %reduce_max3A_101 [1] : vector<2048x16xi32> to vector<2048xi32>
    %broadcast_in_dim3A_103 = vector.shape_cast %reduce_max3A_102 : vector<2048xi32> to vector<2048x1xi32>
    %and3A_104 = arith.constant 15 : i32
    %and3A_105 = vector.broadcast %and3A_104 : i32 to vector<2048x1xi32>
    %and3A_106 = arith.andi %broadcast_in_dim3A_103, %and3A_105 : vector<2048x1xi32>
    %sub3A_107 = arith.constant 15 : i32
    %sub3A_108 = vector.broadcast %sub3A_107 : i32 to vector<2048x1xi32>
    %sub3A_109 = arith.subi %sub3A_108, %and3A_106 : vector<2048x1xi32>
    %eq3A_110 = arith.constant 3 : i32
    %eq3A_111 = vector.broadcast %eq3A_110 : i32 to vector<2048x8xi32>
    %eq3A_112 = arith.cmpi eq, %iota3A_33, %eq3A_111 : vector<2048x8xi32>
    %convert_element_type3A_113 = arith.extui %eq3A_112 : vector<2048x8xi1> to vector<2048x8xi32>
    %mul3A_114 = vector.broadcast %sub3A_109 : vector<2048x1xi32> to vector<2048x8xi32>
    %mul3A_115 = arith.muli %mul3A_114, %convert_element_type3A_113 : vector<2048x8xi32>
    %add3A_116 = arith.addi %add3A_95, %mul3A_115 : vector<2048x8xi32>
    %eq3A_117 = vector.broadcast %broadcast_in_dim3A_103 : vector<2048x1xi32> to vector<2048x16xi32>
    %eq3A_118 = arith.cmpi eq, %select_n3A_100, %eq3A_117 : vector<2048x16xi32>
    %jit3A_119 = arith.constant -1 : i32
    %broadcast_in_dim3A_120 = vector.broadcast %jit3A_119 : i32 to vector<2048x16xi32>
    %select_n3A_121 = arith.select %eq3A_118, %broadcast_in_dim3A_120, %select_n3A_100 : vector<2048x16xi1>, vector<2048x16xi32>
    %reduce_max3A_122 = arith.constant dense<-2147483648> : vector<2048xi32>
    %reduce_max3A_123 = vector.multi_reduction <maxsi>, %select_n3A_121, %reduce_max3A_122 [1] : vector<2048x16xi32> to vector<2048xi32>
    %broadcast_in_dim3A_124 = vector.shape_cast %reduce_max3A_123 : vector<2048xi32> to vector<2048x1xi32>
    %and3A_125 = arith.constant 15 : i32
    %and3A_126 = vector.broadcast %and3A_125 : i32 to vector<2048x1xi32>
    %and3A_127 = arith.andi %broadcast_in_dim3A_124, %and3A_126 : vector<2048x1xi32>
    %sub3A_128 = arith.constant 15 : i32
    %sub3A_129 = vector.broadcast %sub3A_128 : i32 to vector<2048x1xi32>
    %sub3A_130 = arith.subi %sub3A_129, %and3A_127 : vector<2048x1xi32>
    %eq3A_131 = arith.constant 4 : i32
    %eq3A_132 = vector.broadcast %eq3A_131 : i32 to vector<2048x8xi32>
    %eq3A_133 = arith.cmpi eq, %iota3A_33, %eq3A_132 : vector<2048x8xi32>
    %convert_element_type3A_134 = arith.extui %eq3A_133 : vector<2048x8xi1> to vector<2048x8xi32>
    %mul3A_135 = vector.broadcast %sub3A_130 : vector<2048x1xi32> to vector<2048x8xi32>
    %mul3A_136 = arith.muli %mul3A_135, %convert_element_type3A_134 : vector<2048x8xi32>
    %add3A_137 = arith.addi %add3A_116, %mul3A_136 : vector<2048x8xi32>
    %eq3A_138 = vector.broadcast %broadcast_in_dim3A_124 : vector<2048x1xi32> to vector<2048x16xi32>
    %eq3A_139 = arith.cmpi eq, %select_n3A_121, %eq3A_138 : vector<2048x16xi32>
    %jit3A_140 = arith.constant -1 : i32
    %broadcast_in_dim3A_141 = vector.broadcast %jit3A_140 : i32 to vector<2048x16xi32>
    %select_n3A_142 = arith.select %eq3A_139, %broadcast_in_dim3A_141, %select_n3A_121 : vector<2048x16xi1>, vector<2048x16xi32>
    %reduce_max3A_143 = arith.constant dense<-2147483648> : vector<2048xi32>
    %reduce_max3A_144 = vector.multi_reduction <maxsi>, %select_n3A_142, %reduce_max3A_143 [1] : vector<2048x16xi32> to vector<2048xi32>
    %broadcast_in_dim3A_145 = vector.shape_cast %reduce_max3A_144 : vector<2048xi32> to vector<2048x1xi32>
    %and3A_146 = arith.constant 15 : i32
    %and3A_147 = vector.broadcast %and3A_146 : i32 to vector<2048x1xi32>
    %and3A_148 = arith.andi %broadcast_in_dim3A_145, %and3A_147 : vector<2048x1xi32>
    %sub3A_149 = arith.constant 15 : i32
    %sub3A_150 = vector.broadcast %sub3A_149 : i32 to vector<2048x1xi32>
    %sub3A_151 = arith.subi %sub3A_150, %and3A_148 : vector<2048x1xi32>
    %eq3A_152 = arith.constant 5 : i32
    %eq3A_153 = vector.broadcast %eq3A_152 : i32 to vector<2048x8xi32>
    %eq3A_154 = arith.cmpi eq, %iota3A_33, %eq3A_153 : vector<2048x8xi32>
    %convert_element_type3A_155 = arith.extui %eq3A_154 : vector<2048x8xi1> to vector<2048x8xi32>
    %mul3A_156 = vector.broadcast %sub3A_151 : vector<2048x1xi32> to vector<2048x8xi32>
    %mul3A_157 = arith.muli %mul3A_156, %convert_element_type3A_155 : vector<2048x8xi32>
    %add3A_158 = arith.addi %add3A_137, %mul3A_157 : vector<2048x8xi32>
    %eq3A_159 = vector.broadcast %broadcast_in_dim3A_145 : vector<2048x1xi32> to vector<2048x16xi32>
    %eq3A_160 = arith.cmpi eq, %select_n3A_142, %eq3A_159 : vector<2048x16xi32>
    %jit3A_161 = arith.constant -1 : i32
    %broadcast_in_dim3A_162 = vector.broadcast %jit3A_161 : i32 to vector<2048x16xi32>
    %select_n3A_163 = arith.select %eq3A_160, %broadcast_in_dim3A_162, %select_n3A_142 : vector<2048x16xi1>, vector<2048x16xi32>
    %reduce_max3A_164 = arith.constant dense<-2147483648> : vector<2048xi32>
    %reduce_max3A_165 = vector.multi_reduction <maxsi>, %select_n3A_163, %reduce_max3A_164 [1] : vector<2048x16xi32> to vector<2048xi32>
    %broadcast_in_dim3A_166 = vector.shape_cast %reduce_max3A_165 : vector<2048xi32> to vector<2048x1xi32>
    %and3A_167 = arith.constant 15 : i32
    %and3A_168 = vector.broadcast %and3A_167 : i32 to vector<2048x1xi32>
    %and3A_169 = arith.andi %broadcast_in_dim3A_166, %and3A_168 : vector<2048x1xi32>
    %sub3A_170 = arith.constant 15 : i32
    %sub3A_171 = vector.broadcast %sub3A_170 : i32 to vector<2048x1xi32>
    %sub3A_172 = arith.subi %sub3A_171, %and3A_169 : vector<2048x1xi32>
    %eq3A_173 = arith.constant 6 : i32
    %eq3A_174 = vector.broadcast %eq3A_173 : i32 to vector<2048x8xi32>
    %eq3A_175 = arith.cmpi eq, %iota3A_33, %eq3A_174 : vector<2048x8xi32>
    %convert_element_type3A_176 = arith.extui %eq3A_175 : vector<2048x8xi1> to vector<2048x8xi32>
    %mul3A_177 = vector.broadcast %sub3A_172 : vector<2048x1xi32> to vector<2048x8xi32>
    %mul3A_178 = arith.muli %mul3A_177, %convert_element_type3A_176 : vector<2048x8xi32>
    %add3A_179 = arith.addi %add3A_158, %mul3A_178 : vector<2048x8xi32>
    %eq3A_180 = vector.broadcast %broadcast_in_dim3A_166 : vector<2048x1xi32> to vector<2048x16xi32>
    %eq3A_181 = arith.cmpi eq, %select_n3A_163, %eq3A_180 : vector<2048x16xi32>
    %jit3A_182 = arith.constant -1 : i32
    %broadcast_in_dim3A_183 = vector.broadcast %jit3A_182 : i32 to vector<2048x16xi32>
    %select_n3A_184 = arith.select %eq3A_181, %broadcast_in_dim3A_183, %select_n3A_163 : vector<2048x16xi1>, vector<2048x16xi32>
    %reduce_max3A_185 = arith.constant dense<-2147483648> : vector<2048xi32>
    %reduce_max3A_186 = vector.multi_reduction <maxsi>, %select_n3A_184, %reduce_max3A_185 [1] : vector<2048x16xi32> to vector<2048xi32>
    %broadcast_in_dim3A_187 = vector.shape_cast %reduce_max3A_186 : vector<2048xi32> to vector<2048x1xi32>
    %and3A_188 = arith.constant 15 : i32
    %and3A_189 = vector.broadcast %and3A_188 : i32 to vector<2048x1xi32>
    %and3A_190 = arith.andi %broadcast_in_dim3A_187, %and3A_189 : vector<2048x1xi32>
    %sub3A_191 = arith.constant 15 : i32
    %sub3A_192 = vector.broadcast %sub3A_191 : i32 to vector<2048x1xi32>
    %sub3A_193 = arith.subi %sub3A_192, %and3A_190 : vector<2048x1xi32>
    %eq3A_194 = arith.constant 7 : i32
    %eq3A_195 = vector.broadcast %eq3A_194 : i32 to vector<2048x8xi32>
    %eq3A_196 = arith.cmpi eq, %iota3A_33, %eq3A_195 : vector<2048x8xi32>
    %convert_element_type3A_197 = arith.extui %eq3A_196 : vector<2048x8xi1> to vector<2048x8xi32>
    %mul3A_198 = vector.broadcast %sub3A_193 : vector<2048x1xi32> to vector<2048x8xi32>
    %mul3A_199 = arith.muli %mul3A_198, %convert_element_type3A_197 : vector<2048x8xi32>
    %add3A_200 = arith.addi %add3A_179, %mul3A_199 : vector<2048x8xi32>
    %swap3A_201 = arith.constant 0 : index
    %swap3A_202 = arith.constant 0 : index
    %swap3A_203 = vector.load %arg6[%swap3A_201, %swap3A_202] : memref<2048x8xi32, #tpu.memory_space<vmem>>, vector<2048x8xi32>
    tpu.vector_store %arg6[%swap3A_201, %swap3A_202], %add3A_200 {strides = array<i32>} : memref<2048x8xi32, #tpu.memory_space<vmem>>, vector<2048x8xi32>,
    %broadcast_in_dim3A_204 = arith.constant 0 : i32
    %broadcast_in_dim3A_205 = vector.broadcast %broadcast_in_dim3A_204 : i32 to vector<1x16xi32>
    %eq3A_206 = vector.broadcast %sub3A_49 : vector<2048x1xi32> to vector<2048x16xi32>
    %eq3A_207 = arith.cmpi eq, %eq3A_206, %iota3A : vector<2048x16xi32>
    %convert_element_type3A_208 = arith.extui %eq3A_207 : vector<2048x16xi1> to vector<2048x16xi32>
    %gt3A_209 = arith.constant 0 : i32
    %gt3A_210 = arith.cmpi sgt, %get3A_4, %gt3A_209 : i32
    %jit3A_211 = arith.constant 1 : i32
    %jit3A_212 = arith.constant 0 : i32
    %select_n3A_213 = arith.select %gt3A_210, %jit3A_211, %jit3A_212 : i32
    %reduce_sum3A_214 = arith.constant dense<0> : vector<16xi32>
    %reduce_sum3A_215 = vector.multi_reduction <add>, %convert_element_type3A_208, %reduce_sum3A_214 [0] : vector<2048x16xi32> to vector<16xi32>
    %broadcast_in_dim3A_216 = vector.shape_cast %reduce_sum3A_215 : vector<16xi32> to vector<1x16xi32>
    %mul3A_217 = vector.broadcast %select_n3A_213 : i32 to vector<1x16xi32>
    %mul3A_218 = arith.muli %broadcast_in_dim3A_216, %mul3A_217 : vector<1x16xi32>
    %add3A_219 = arith.addi %broadcast_in_dim3A_205, %mul3A_218 : vector<1x16xi32>
    %eq3A_220 = vector.broadcast %sub3A_67 : vector<2048x1xi32> to vector<2048x16xi32>
    %eq3A_221 = arith.cmpi eq, %eq3A_220, %iota3A : vector<2048x16xi32>
    %convert_element_type3A_222 = arith.extui %eq3A_221 : vector<2048x16xi1> to vector<2048x16xi32>
    %gt3A_223 = arith.constant 1 : i32
    %gt3A_224 = arith.cmpi sgt, %get3A_4, %gt3A_223 : i32
    %jit3A_225 = arith.constant 1 : i32
    %jit3A_226 = arith.constant 0 : i32
    %select_n3A_227 = arith.select %gt3A_224, %jit3A_225, %jit3A_226 : i32
    %reduce_sum3A_228 = arith.constant dense<0> : vector<16xi32>
    %reduce_sum3A_229 = vector.multi_reduction <add>, %convert_element_type3A_222, %reduce_sum3A_228 [0] : vector<2048x16xi32> to vector<16xi32>
    %broadcast_in_dim3A_230 = vector.shape_cast %reduce_sum3A_229 : vector<16xi32> to vector<1x16xi32>
    %mul3A_231 = vector.broadcast %select_n3A_227 : i32 to vector<1x16xi32>
    %mul3A_232 = arith.muli %broadcast_in_dim3A_230, %mul3A_231 : vector<1x16xi32>
    %add3A_233 = arith.addi %add3A_219, %mul3A_232 : vector<1x16xi32>
    %swap3A_234 = arith.constant 0 : index
    %swap3A_235 = arith.constant 0 : index
    %swap3A_236 = vector.load %arg7[%swap3A_234, %swap3A_235] : memref<1x16xi32, #tpu.memory_space<vmem>>, vector<1x16xi32>
    tpu.vector_store %arg7[%swap3A_234, %swap3A_235], %add3A_233 {strides = array<i32>} : memref<1x16xi32, #tpu.memory_space<vmem>>, vector<1x16xi32>,
    %get3A_237 = arith.constant 1 : index
    %get3A_238 = memref.load %arg1[%get3A_237] : memref<2xi32, #tpu.memory_space<smem>>
    %iota3A_239 = tpu.iota {dimensions = array<i32: 1>} : vector<1x16xi32>
    %eq3A_240 = arith.constant 0 : i32
    %eq3A_241 = vector.broadcast %eq3A_240 : i32 to vector<1x16xi32>
    %eq3A_242 = arith.cmpi eq, %iota3A_239, %eq3A_241 : vector<1x16xi32>
    %jit3A_243 = arith.constant 0 : i32
    %broadcast_in_dim3A_244 = vector.broadcast %get3A_4 : i32 to vector<1x16xi32>
    %broadcast_in_dim3A_245 = vector.broadcast %jit3A_243 : i32 to vector<1x16xi32>
    %select_n3A_246 = arith.select %eq3A_242, %broadcast_in_dim3A_244, %broadcast_in_dim3A_245 : vector<1x16xi1>, vector<1x16xi32>
    %eq3A_247 = arith.constant 1 : i32
    %eq3A_248 = vector.broadcast %eq3A_247 : i32 to vector<1x16xi32>
    %eq3A_249 = arith.cmpi eq, %iota3A_239, %eq3A_248 : vector<1x16xi32>
    %jit3A_250 = arith.constant 0 : i32
    %broadcast_in_dim3A_251 = vector.broadcast %get3A_238 : i32 to vector<1x16xi32>
    %broadcast_in_dim3A_252 = vector.broadcast %jit3A_250 : i32 to vector<1x16xi32>
    %select_n3A_253 = arith.select %eq3A_249, %broadcast_in_dim3A_251, %broadcast_in_dim3A_252 : vector<1x16xi1>, vector<1x16xi32>
    %add3A_254 = arith.addi %select_n3A_246, %select_n3A_253 : vector<1x16xi32>
    %swap3A_255 = arith.constant 0 : index
    %swap3A_256 = arith.constant 0 : index
    %swap3A_257 = vector.load %arg8[%swap3A_255, %swap3A_256] : memref<1x16xi32, #tpu.memory_space<vmem>>, vector<1x16xi32>
    tpu.vector_store %arg8[%swap3A_255, %swap3A_256], %add3A_254 {strides = array<i32>} : memref<1x16xi32, #tpu.memory_space<vmem>>, vector<1x16xi32>,
    return
  }
}

module attributes {stable_mosaic.version = 14 : i64} {
  func.func @_k1b_body(%arg0: i32, %arg1: memref<512x1024xf32, #tpu.memory_space<vmem>>, %arg2: memref<2048x1024xf32, #tpu.memory_space<vmem>>, %arg3: memref<1x2048xf32, #tpu.memory_space<vmem>>, %arg4: memref<512x1024xf32, #tpu.memory_space<vmem>>, %arg5: memref<64x1024xf32, #tpu.memory_space<vmem>>, %arg6: memref<512x2048xbf16, #tpu.memory_space<vmem>>, %arg7: memref<512x512xbf16, #tpu.memory_space<vmem>>, %arg8: memref<512x64xf32, #tpu.memory_space<vmem>>) attributes {dimension_semantics = [#tpu.dimension_semantics<arbitrary>], iteration_bounds = array<i64: 4>, scalar_prefetch = 0 : i64, scratch_operands = 0 : i64, tpu.core_type = #tpu.core_type<tc>, window_params = [{transform_indices = @transform_0, window_bounds = array<i64: 512, 1024>}, {pipeline_mode = #tpu.pipeline_mode<synchronous>, transform_indices = @transform_1, window_bounds = array<i64: 2048, 1024>}, {pipeline_mode = #tpu.pipeline_mode<synchronous>, transform_indices = @transform_2, window_bounds = array<i64: 1, 2048>}, {pipeline_mode = #tpu.pipeline_mode<synchronous>, transform_indices = @transform_3, window_bounds = array<i64: 512, 1024>}, {pipeline_mode = #tpu.pipeline_mode<synchronous>, transform_indices = @transform_4, window_bounds = array<i64: 64, 1024>}, {transform_indices = @transform_5, window_bounds = array<i64: 512, 2048>}, {transform_indices = @transform_6, window_bounds = array<i64: 512, 512>}, {transform_indices = @transform_7, window_bounds = array<i64: 512, 64>}]} {
    %get3A = arith.constant 0 : index
    %get3A_0 = arith.constant 0 : index
    %get3A_1 = vector.load %arg1[%get3A, %get3A_0] : memref<512x1024xf32, #tpu.memory_space<vmem>>, vector<512x1024xf32>
    %get3A_2 = arith.constant 0 : index
    %get3A_3 = arith.constant 0 : index
    %get3A_4 = vector.load %arg2[%get3A_2, %get3A_3] : memref<2048x1024xf32, #tpu.memory_space<vmem>>, vector<2048x1024xf32>
    %dot_general3A = arith.constant dense<0.000000e+00> : vector<512x2048xf32>
    %dot_general3A_5 = tpu.matmul %get3A_1, %get3A_4, %dot_general3A {dimension_numbers = #tpu.dot_dimension_numbers<[1], [1], [0], [0], [0, 0, 1, 0], [], []>, transpose_lhs_hint = false} : vector<512x1024xf32>, vector<2048x1024xf32>, vector<512x2048xf32> -> vector<512x2048xf32>
    %get3A_6 = arith.constant 0 : index
    %get3A_7 = arith.constant 0 : index
    %get3A_8 = vector.load %arg3[%get3A_6, %get3A_7] : memref<1x2048xf32, #tpu.memory_space<vmem>>, vector<1x2048xf32>
    %add3A = vector.broadcast %get3A_8 : vector<1x2048xf32> to vector<512x2048xf32>
    %add3A_9 = arith.addf %dot_general3A_5, %add3A : vector<512x2048xf32>
    %neg3A = arith.constant 0.000000e+00 : f32
    %neg3A_10 = vector.broadcast %neg3A : f32 to vector<512x2048xf32>
    %neg3A_11 = arith.subf %neg3A_10, %add3A_9 : vector<512x2048xf32>
    %exp3A = math.exp %neg3A_11 : vector<512x2048xf32>
    %add3A_12 = arith.constant 1.000000e+00 : f32
    %add3A_13 = vector.broadcast %add3A_12 : f32 to vector<512x2048xf32>
    %add3A_14 = arith.addf %add3A_13, %exp3A : vector<512x2048xf32>
    %div3A = arith.divf %add3A_9, %add3A_14 : vector<512x2048xf32>
    %convert_element_type3A = arith.truncf %div3A : vector<512x2048xf32> to vector<512x2048xbf16>
    %swap3A = arith.constant 0 : index
    %swap3A_15 = arith.constant 0 : index
    %swap3A_16 = vector.load %arg6[%swap3A, %swap3A_15] : memref<512x2048xbf16, #tpu.memory_space<vmem>>, vector<512x2048xbf16>
    tpu.vector_store %arg6[%swap3A, %swap3A_15], %convert_element_type3A {strides = array<i32>} : memref<512x2048xbf16, #tpu.memory_space<vmem>>, vector<512x2048xbf16>,
    %get3A_17 = arith.constant 0 : index
    %get3A_18 = arith.constant 0 : index
    %get3A_19 = vector.load %arg4[%get3A_17, %get3A_18] : memref<512x1024xf32, #tpu.memory_space<vmem>>, vector<512x1024xf32>
    %dot_general3A_20 = arith.constant dense<0.000000e+00> : vector<512x512xf32>
    %dot_general3A_21 = tpu.matmul %get3A_1, %get3A_19, %dot_general3A_20 {dimension_numbers = #tpu.dot_dimension_numbers<[1], [1], [0], [0], [0, 0, 1, 0], [], []>, transpose_lhs_hint = false} : vector<512x1024xf32>, vector<512x1024xf32>, vector<512x512xf32> -> vector<512x512xf32>
    %convert_element_type3A_22 = arith.truncf %dot_general3A_21 : vector<512x512xf32> to vector<512x512xbf16>
    %swap3A_23 = arith.constant 0 : index
    %swap3A_24 = arith.constant 0 : index
    %swap3A_25 = vector.load %arg7[%swap3A_23, %swap3A_24] : memref<512x512xbf16, #tpu.memory_space<vmem>>, vector<512x512xbf16>
    tpu.vector_store %arg7[%swap3A_23, %swap3A_24], %convert_element_type3A_22 {strides = array<i32>} : memref<512x512xbf16, #tpu.memory_space<vmem>>, vector<512x512xbf16>,
    %get3A_26 = arith.constant 0 : index
    %get3A_27 = arith.constant 0 : index
    %get3A_28 = vector.load %arg5[%get3A_26, %get3A_27] : memref<64x1024xf32, #tpu.memory_space<vmem>>, vector<64x1024xf32>
    %dot_general3A_29 = arith.constant dense<0.000000e+00> : vector<512x64xf32>
    %dot_general3A_30 = tpu.matmul %get3A_1, %get3A_28, %dot_general3A_29 {dimension_numbers = #tpu.dot_dimension_numbers<[1], [1], [0], [0], [0, 0, 1, 0], [], []>, transpose_lhs_hint = false} : vector<512x1024xf32>, vector<64x1024xf32>, vector<512x64xf32> -> vector<512x64xf32>
    %swap3A_31 = arith.constant 0 : index
    %swap3A_32 = arith.constant 0 : index
    %swap3A_33 = vector.load %arg8[%swap3A_31, %swap3A_32] : memref<512x64xf32, #tpu.memory_space<vmem>>, vector<512x64xf32>
    tpu.vector_store %arg8[%swap3A_31, %swap3A_32], %dot_general3A_30 {strides = array<i32>} : memref<512x64xf32, #tpu.memory_space<vmem>>, vector<512x64xf32>,
    return
  }
  func.func @transform_0(%arg0: i32) -> (i32, i32) {
    %c0_i32 = arith.constant 0 : i32
    %c0_i32_0 = arith.constant 0 : i32
    return %arg0, %c0_i32 : i32, i32
  }
  func.func @transform_1(%arg0: i32) -> (i32, i32) {
    %c0_i32 = arith.constant 0 : i32
    %c0_i32_0 = arith.constant 0 : i32
    %c0_i32_1 = arith.constant 0 : i32
    return %c0_i32, %c0_i32_0 : i32, i32
  }
  func.func @transform_2(%arg0: i32) -> (i32, i32) {
    %c0_i32 = arith.constant 0 : i32
    %c0_i32_0 = arith.constant 0 : i32
    %c0_i32_1 = arith.constant 0 : i32
    return %c0_i32, %c0_i32_0 : i32, i32
  }
  func.func @transform_3(%arg0: i32) -> (i32, i32) {
    %c0_i32 = arith.constant 0 : i32
    %c0_i32_0 = arith.constant 0 : i32
    %c0_i32_1 = arith.constant 0 : i32
    return %c0_i32, %c0_i32_0 : i32, i32
  }
  func.func @transform_4(%arg0: i32) -> (i32, i32) {
    %c0_i32 = arith.constant 0 : i32
    %c0_i32_0 = arith.constant 0 : i32
    %c0_i32_1 = arith.constant 0 : i32
    return %c0_i32, %c0_i32_0 : i32, i32
  }
  func.func @transform_5(%arg0: i32) -> (i32, i32) {
    %c0_i32 = arith.constant 0 : i32
    %c0_i32_0 = arith.constant 0 : i32
    return %arg0, %c0_i32 : i32, i32
  }
  func.func @transform_6(%arg0: i32) -> (i32, i32) {
    %c0_i32 = arith.constant 0 : i32
    %c0_i32_0 = arith.constant 0 : i32
    return %arg0, %c0_i32 : i32, i32
  }
  func.func @transform_7(%arg0: i32) -> (i32, i32) {
    %c0_i32 = arith.constant 0 : i32
    %c0_i32_0 = arith.constant 0 : i32
    return %arg0, %c0_i32 : i32, i32
  }
}

module attributes {stable_mosaic.version = 14 : i64} {
  func.func @_k2_body(%arg0: i32, %arg1: memref<512x2048xbf16, #tpu.memory_space<vmem>>, %arg2: memref<512x512xbf16, #tpu.memory_space<vmem>>, %arg3: memref<512x64xf32, #tpu.memory_space<vmem>>, %arg4: memref<512x16xf32, #tpu.memory_space<vmem>>, %arg5: memref<512x2xi32, #tpu.memory_space<vmem>>, %arg6: memref<1024x2048xf32, #tpu.memory_space<vmem>>, %arg7: memref<1x1024xf32, #tpu.memory_space<vmem>>, %arg8: memref<512x2048xf32, #tpu.memory_space<vmem>>, %arg9: memref<512x2048xf32, #tpu.memory_space<vmem>>, %arg10: memref<512x1024xf32, #tpu.memory_space<vmem>>, %arg11: memref<512x1024xf32, #tpu.memory_space<vmem>>) attributes {dimension_semantics = [#tpu.dimension_semantics<arbitrary>], iteration_bounds = array<i64: 4>, scalar_prefetch = 0 : i64, scratch_operands = 0 : i64, tpu.core_type = #tpu.core_type<tc>, window_params = [{transform_indices = @transform_0, window_bounds = array<i64: 512, 2048>}, {transform_indices = @transform_1, window_bounds = array<i64: 512, 512>}, {transform_indices = @transform_2, window_bounds = array<i64: 512, 64>}, {transform_indices = @transform_3, window_bounds = array<i64: 512, 16>}, {transform_indices = @transform_4, window_bounds = array<i64: 512, 2>}, {pipeline_mode = #tpu.pipeline_mode<synchronous>, transform_indices = @transform_5, window_bounds = array<i64: 1024, 2048>}, {pipeline_mode = #tpu.pipeline_mode<synchronous>, transform_indices = @transform_6, window_bounds = array<i64: 1, 1024>}, {pipeline_mode = #tpu.pipeline_mode<synchronous>, transform_indices = @transform_7, window_bounds = array<i64: 512, 2048>}, {pipeline_mode = #tpu.pipeline_mode<synchronous>, transform_indices = @transform_8, window_bounds = array<i64: 512, 2048>}, {pipeline_mode = #tpu.pipeline_mode<synchronous>, transform_indices = @transform_9, window_bounds = array<i64: 512, 1024>}, {transform_indices = @transform_10, window_bounds = array<i64: 512, 1024>}]} {
    %get3A = arith.constant 0 : index
    %get3A_0 = arith.constant 0 : index
    %get3A_1 = vector.load %arg1[%get3A, %get3A_0] : memref<512x2048xbf16, #tpu.memory_space<vmem>>, vector<512x2048xbf16>
    %convert_element_type3A = arith.extf %get3A_1 : vector<512x2048xbf16> to vector<512x2048xf32>
    %get3A_2 = arith.constant 0 : index
    %get3A_3 = arith.constant 0 : index
    %get3A_4 = vector.load %arg6[%get3A_2, %get3A_3] : memref<1024x2048xf32, #tpu.memory_space<vmem>>, vector<1024x2048xf32>
    %dot_general3A = arith.constant dense<0.000000e+00> : vector<512x1024xf32>
    %dot_general3A_5 = tpu.matmul %convert_element_type3A, %get3A_4, %dot_general3A {dimension_numbers = #tpu.dot_dimension_numbers<[1], [1], [0], [0], [0, 0, 1, 0], [], []>, transpose_lhs_hint = false} : vector<512x2048xf32>, vector<1024x2048xf32>, vector<512x1024xf32> -> vector<512x1024xf32>
    %get3A_6 = arith.constant 0 : index
    %get3A_7 = arith.constant 0 : index
    %get3A_8 = vector.load %arg7[%get3A_6, %get3A_7] : memref<1x1024xf32, #tpu.memory_space<vmem>>, vector<1x1024xf32>
    %add3A = vector.broadcast %get3A_8 : vector<1x1024xf32> to vector<512x1024xf32>
    %add3A_9 = arith.addf %dot_general3A_5, %add3A : vector<512x1024xf32>
    %get3A_10 = arith.constant 0 : index
    %get3A_11 = arith.constant 0 : index
    %get3A_12 = vector.load %arg2[%get3A_10, %get3A_11] : memref<512x512xbf16, #tpu.memory_space<vmem>>, vector<512x512xbf16>
    %convert_element_type3A_13 = arith.extf %get3A_12 : vector<512x512xbf16> to vector<512x512xf32>
    %get3A_14 = arith.constant 0 : index
    %get3A_15 = arith.constant 0 : index
    %get3A_16 = vector.load %arg3[%get3A_14, %get3A_15] : memref<512x64xf32, #tpu.memory_space<vmem>>, vector<512x64xf32>
    %get3A_17 = arith.constant 0 : index
    %get3A_18 = arith.constant 0 : index
    %get3A_19 = vector.load %arg4[%get3A_17, %get3A_18] : memref<512x16xf32, #tpu.memory_space<vmem>>, vector<512x16xf32>
    %iota3A = tpu.iota {dimensions = array<i32: 1>} : vector<512x16xi32>
    %iota3A_20 = tpu.iota {dimensions = array<i32: 1>} : vector<512x64xi32>
    %jit3A = arith.constant 4 : i32
    %div3A = vector.broadcast %jit3A : i32 to vector<512x64xi32>
    %div3A_21 = arith.divsi %iota3A_20, %div3A : vector<512x64xi32>
    %sign3A = arith.constant 0 : i32
    %sign3A_22 = vector.broadcast %sign3A : i32 to vector<512x64xi32>
    %sign3A_23 = arith.cmpi sgt, %iota3A_20, %sign3A_22 : vector<512x64xi32>
    %sign3A_24 = arith.extui %sign3A_23 : vector<512x64xi1> to vector<512x64xi32>
    %sign3A_25 = arith.constant 0 : i32
    %sign3A_26 = vector.broadcast %sign3A_25 : i32 to vector<512x64xi32>
    %sign3A_27 = arith.cmpi slt, %iota3A_20, %sign3A_26 : vector<512x64xi32>
    %sign3A_28 = arith.extui %sign3A_27 : vector<512x64xi1> to vector<512x64xi32>
    %sign3A_29 = arith.subi %sign3A_24, %sign3A_28 : vector<512x64xi32>
    %sign3A_30 = arith.constant 0 : i32
    %sign3A_31 = arith.cmpi sgt, %jit3A, %sign3A_30 : i32
    %sign3A_32 = arith.extui %sign3A_31 : i1 to i32
    %sign3A_33 = arith.constant 0 : i32
    %sign3A_34 = arith.cmpi slt, %jit3A, %sign3A_33 : i32
    %sign3A_35 = arith.extui %sign3A_34 : i1 to i32
    %sign3A_36 = arith.subi %sign3A_32, %sign3A_35 : i32
    %ne3A = vector.broadcast %sign3A_36 : i32 to vector<512x64xi32>
    %ne3A_37 = arith.cmpi ne, %sign3A_29, %ne3A : vector<512x64xi32>
    %rem3A = vector.broadcast %jit3A : i32 to vector<512x64xi32>
    %rem3A_38 = arith.remsi %iota3A_20, %rem3A : vector<512x64xi32>
    %ne3A_39 = arith.constant 0 : i32
    %ne3A_40 = vector.broadcast %ne3A_39 : i32 to vector<512x64xi32>
    %ne3A_41 = arith.cmpi ne, %rem3A_38, %ne3A_40 : vector<512x64xi32>
    %and3A = arith.andi %ne3A_37, %ne3A_41 : vector<512x64xi1>
    %sub3A = arith.constant 1 : i32
    %sub3A_42 = vector.broadcast %sub3A : i32 to vector<512x64xi32>
    %sub3A_43 = arith.subi %div3A_21, %sub3A_42 : vector<512x64xi32>
    %select_n3A = arith.select %and3A, %sub3A_43, %div3A_21 : vector<512x64xi1>, vector<512x64xi32>
    %iota3A_44 = tpu.iota {dimensions = array<i32: 1>} : vector<512x512xi32>
    %jit3A_45 = arith.constant 8 : i32
    %div3A_46 = vector.broadcast %jit3A_45 : i32 to vector<512x512xi32>
    %div3A_47 = arith.divsi %iota3A_44, %div3A_46 : vector<512x512xi32>
    %sign3A_48 = arith.constant 0 : i32
    %sign3A_49 = vector.broadcast %sign3A_48 : i32 to vector<512x512xi32>
    %sign3A_50 = arith.cmpi sgt, %iota3A_44, %sign3A_49 : vector<512x512xi32>
    %sign3A_51 = arith.extui %sign3A_50 : vector<512x512xi1> to vector<512x512xi32>
    %sign3A_52 = arith.constant 0 : i32
    %sign3A_53 = vector.broadcast %sign3A_52 : i32 to vector<512x512xi32>
    %sign3A_54 = arith.cmpi slt, %iota3A_44, %sign3A_53 : vector<512x512xi32>
    %sign3A_55 = arith.extui %sign3A_54 : vector<512x512xi1> to vector<512x512xi32>
    %sign3A_56 = arith.subi %sign3A_51, %sign3A_55 : vector<512x512xi32>
    %sign3A_57 = arith.constant 0 : i32
    %sign3A_58 = arith.cmpi sgt, %jit3A_45, %sign3A_57 : i32
    %sign3A_59 = arith.extui %sign3A_58 : i1 to i32
    %sign3A_60 = arith.constant 0 : i32
    %sign3A_61 = arith.cmpi slt, %jit3A_45, %sign3A_60 : i32
    %sign3A_62 = arith.extui %sign3A_61 : i1 to i32
    %sign3A_63 = arith.subi %sign3A_59, %sign3A_62 : i32
    %ne3A_64 = vector.broadcast %sign3A_63 : i32 to vector<512x512xi32>
    %ne3A_65 = arith.cmpi ne, %sign3A_56, %ne3A_64 : vector<512x512xi32>
    %rem3A_66 = vector.broadcast %jit3A_45 : i32 to vector<512x512xi32>
    %rem3A_67 = arith.remsi %iota3A_44, %rem3A_66 : vector<512x512xi32>
    %ne3A_68 = arith.constant 0 : i32
    %ne3A_69 = vector.broadcast %ne3A_68 : i32 to vector<512x512xi32>
    %ne3A_70 = arith.cmpi ne, %rem3A_67, %ne3A_69 : vector<512x512xi32>
    %and3A_71 = arith.andi %ne3A_65, %ne3A_70 : vector<512x512xi1>
    %sub3A_72 = arith.constant 1 : i32
    %sub3A_73 = vector.broadcast %sub3A_72 : i32 to vector<512x512xi32>
    %sub3A_74 = arith.subi %div3A_47, %sub3A_73 : vector<512x512xi32>
    %select_n3A_75 = arith.select %and3A_71, %sub3A_74, %div3A_47 : vector<512x512xi1>, vector<512x512xi32>
    %broadcast_in_dim3A = arith.constant 0.000000e+00 : f32
    %broadcast_in_dim3A_76 = vector.broadcast %broadcast_in_dim3A : f32 to vector<512x1024xf32>
    %get3A_77 = arith.constant 0 : index
    %get3A_78 = arith.constant 0 : index
    %get3A_79 = vector.load %arg5[%get3A_77, %get3A_78] : memref<512x2xi32, #tpu.memory_space<vmem>>, vector<512x1xi32>
    %ge3A = arith.constant 0 : i32
    %ge3A_80 = vector.broadcast %ge3A : i32 to vector<512x1xi32>
    %ge3A_81 = arith.cmpi sge, %get3A_79, %ge3A_80 : vector<512x1xi32>
    %jit3A_82 = arith.constant 0 : i32
    %broadcast_in_dim3A_83 = vector.broadcast %jit3A_82 : i32 to vector<512x1xi32>
    %select_n3A_84 = arith.select %ge3A_81, %get3A_79, %broadcast_in_dim3A_83 : vector<512x1xi1>, vector<512x1xi32>
    %eq3A = vector.broadcast %select_n3A_84 : vector<512x1xi32> to vector<512x16xi32>
    %eq3A_85 = arith.cmpi eq, %iota3A, %eq3A : vector<512x16xi32>
    %jit3A_86 = arith.constant 0.000000e+00 : f32
    %broadcast_in_dim3A_87 = vector.broadcast %jit3A_86 : f32 to vector<512x16xf32>
    %select_n3A_88 = arith.select %eq3A_85, %get3A_19, %broadcast_in_dim3A_87 : vector<512x16xi1>, vector<512x16xf32>
    %reduce_sum3A = arith.constant dense<0.000000e+00> : vector<512xf32>
    %reduce_sum3A_89 = vector.multi_reduction <add>, %select_n3A_88, %reduce_sum3A [1] : vector<512x16xf32> to vector<512xf32>
    %broadcast_in_dim3A_90 = vector.shape_cast %reduce_sum3A_89 : vector<512xf32> to vector<512x1xf32>
    %eq3A_91 = vector.broadcast %select_n3A_84 : vector<512x1xi32> to vector<512x64xi32>
    %eq3A_92 = arith.cmpi eq, %select_n3A, %eq3A_91 : vector<512x64xi32>
    %jit3A_93 = arith.constant -3.40282347E+38 : f32
    %broadcast_in_dim3A_94 = vector.broadcast %jit3A_93 : f32 to vector<512x64xf32>
    %select_n3A_95 = arith.select %eq3A_92, %get3A_16, %broadcast_in_dim3A_94 : vector<512x64xi1>, vector<512x64xf32>
    %reduce_max3A = arith.constant dense<0xFF800000> : vector<512xf32>
    %reduce_max3A_96 = vector.multi_reduction <maximumf>, %select_n3A_95, %reduce_max3A [1] : vector<512x64xf32> to vector<512xf32>
    %broadcast_in_dim3A_97 = vector.shape_cast %reduce_max3A_96 : vector<512xf32> to vector<512x1xf32>
    %eq3A_98 = vector.broadcast %broadcast_in_dim3A_97 : vector<512x1xf32> to vector<512x64xf32>
    %eq3A_99 = arith.cmpf oeq, %select_n3A_95, %eq3A_98 : vector<512x64xf32>
    %jit3A_100 = arith.constant 64 : i32
    %broadcast_in_dim3A_101 = vector.broadcast %jit3A_100 : i32 to vector<512x64xi32>
    %select_n3A_102 = arith.select %eq3A_99, %iota3A_20, %broadcast_in_dim3A_101 : vector<512x64xi1>, vector<512x64xi32>
    %reduce_min3A = arith.constant dense<2147483647> : vector<512xi32>
    %reduce_min3A_103 = vector.multi_reduction <minsi>, %select_n3A_102, %reduce_min3A [1] : vector<512x64xi32> to vector<512xi32>
    %broadcast_in_dim3A_104 = vector.shape_cast %reduce_min3A_103 : vector<512xi32> to vector<512x1xi32>
    %eq3A_105 = vector.broadcast %broadcast_in_dim3A_104 : vector<512x1xi32> to vector<512x512xi32>
    %eq3A_106 = arith.cmpi eq, %select_n3A_75, %eq3A_105 : vector<512x512xi32>
    %convert_element_type3A_107 = arith.extui %eq3A_106 : vector<512x512xi1> to vector<512x512xi32>
    %convert_element_type3A_108 = arith.sitofp %convert_element_type3A_107 : vector<512x512xi32> to vector<512x512xf32>
    %mul3A = arith.mulf %convert_element_type3A_13, %convert_element_type3A_108 : vector<512x512xf32>
    %get3A_109 = arith.constant 0 : index
    %get3A_110 = arith.constant 0 : index
    %get3A_111 = vector.load %arg8[%get3A_109, %get3A_110] : memref<512x2048xf32, #tpu.memory_space<vmem>>, vector<512x2048xf32>
    %dot_general3A_112 = arith.constant dense<0.000000e+00> : vector<512x2048xf32>
    %dot_general3A_113 = tpu.matmul %mul3A, %get3A_111, %dot_general3A_112 {dimension_numbers = #tpu.dot_dimension_numbers<[1], [0], [0], [1], [0, 0, 1, 1], [], []>, transpose_lhs_hint = false} : vector<512x512xf32>, vector<512x2048xf32>, vector<512x2048xf32> -> vector<512x2048xf32>
    %add3A_114 = arith.addf %convert_element_type3A, %dot_general3A_113 : vector<512x2048xf32>
    %neg3A = arith.constant 0.000000e+00 : f32
    %neg3A_115 = vector.broadcast %neg3A : f32 to vector<512x2048xf32>
    %neg3A_116 = arith.subf %neg3A_115, %add3A_114 : vector<512x2048xf32>
    %exp3A = math.exp %neg3A_116 : vector<512x2048xf32>
    %add3A_117 = arith.constant 1.000000e+00 : f32
    %add3A_118 = vector.broadcast %add3A_117 : f32 to vector<512x2048xf32>
    %add3A_119 = arith.addf %add3A_118, %exp3A : vector<512x2048xf32>
    %div3A_120 = arith.divf %add3A_114, %add3A_119 : vector<512x2048xf32>
    %get3A_121 = arith.constant 0 : index
    %get3A_122 = arith.constant 0 : index
    %get3A_123 = vector.load %arg9[%get3A_121, %get3A_122] : memref<512x2048xf32, #tpu.memory_space<vmem>>, vector<512x2048xf32>
    %dot_general3A_124 = arith.constant dense<0.000000e+00> : vector<512x512xf32>
    %dot_general3A_125 = tpu.matmul %div3A_120, %get3A_123, %dot_general3A_124 {dimension_numbers = #tpu.dot_dimension_numbers<[1], [1], [0], [0], [0, 0, 1, 0], [], []>, transpose_lhs_hint = false} : vector<512x2048xf32>, vector<512x2048xf32>, vector<512x512xf32> -> vector<512x512xf32>
    %mul3A_126 = arith.mulf %dot_general3A_125, %convert_element_type3A_108 : vector<512x512xf32>
    %get3A_127 = arith.constant 0 : index
    %get3A_128 = arith.constant 0 : index
    %get3A_129 = vector.load %arg10[%get3A_127, %get3A_128] : memref<512x1024xf32, #tpu.memory_space<vmem>>, vector<512x1024xf32>
    %dot_general3A_130 = arith.constant dense<0.000000e+00> : vector<512x1024xf32>
    %dot_general3A_131 = tpu.matmul %mul3A_126, %get3A_129, %dot_general3A_130 {dimension_numbers = #tpu.dot_dimension_numbers<[1], [0], [0], [1], [0, 0, 1, 1], [], []>, transpose_lhs_hint = false} : vector<512x512xf32>, vector<512x1024xf32>, vector<512x1024xf32> -> vector<512x1024xf32>
    %jit3A_132 = arith.constant 0.000000e+00 : f32
    %broadcast_in_dim3A_133 = vector.broadcast %jit3A_132 : f32 to vector<512x1xf32>
    %select_n3A_134 = arith.select %ge3A_81, %broadcast_in_dim3A_90, %broadcast_in_dim3A_133 : vector<512x1xi1>, vector<512x1xf32>
    %add3A_135 = arith.addf %add3A_9, %dot_general3A_131 : vector<512x1024xf32>
    %mul3A_136 = vector.broadcast %select_n3A_134 : vector<512x1xf32> to vector<512x1024xf32>
    %mul3A_137 = arith.mulf %mul3A_136, %add3A_135 : vector<512x1024xf32>
    %add3A_138 = arith.addf %broadcast_in_dim3A_76, %mul3A_137 : vector<512x1024xf32>
    %get3A_139 = arith.constant 0 : index
    %get3A_140 = arith.constant 1 : index
    %get3A_141 = vector.load %arg5[%get3A_139, %get3A_140] : memref<512x2xi32, #tpu.memory_space<vmem>>, vector<512x1xi32>
    %ge3A_142 = arith.constant 0 : i32
    %ge3A_143 = vector.broadcast %ge3A_142 : i32 to vector<512x1xi32>
    %ge3A_144 = arith.cmpi sge, %get3A_141, %ge3A_143 : vector<512x1xi32>
    %jit3A_145 = arith.constant 0 : i32
    %broadcast_in_dim3A_146 = vector.broadcast %jit3A_145 : i32 to vector<512x1xi32>
    %select_n3A_147 = arith.select %ge3A_144, %get3A_141, %broadcast_in_dim3A_146 : vector<512x1xi1>, vector<512x1xi32>
    %eq3A_148 = vector.broadcast %select_n3A_147 : vector<512x1xi32> to vector<512x16xi32>
    %eq3A_149 = arith.cmpi eq, %iota3A, %eq3A_148 : vector<512x16xi32>
    %jit3A_150 = arith.constant 0.000000e+00 : f32
    %broadcast_in_dim3A_151 = vector.broadcast %jit3A_150 : f32 to vector<512x16xf32>
    %select_n3A_152 = arith.select %eq3A_149, %get3A_19, %broadcast_in_dim3A_151 : vector<512x16xi1>, vector<512x16xf32>
    %reduce_sum3A_153 = arith.constant dense<0.000000e+00> : vector<512xf32>
    %reduce_sum3A_154 = vector.multi_reduction <add>, %select_n3A_152, %reduce_sum3A_153 [1] : vector<512x16xf32> to vector<512xf32>
    %broadcast_in_dim3A_155 = vector.shape_cast %reduce_sum3A_154 : vector<512xf32> to vector<512x1xf32>
    %eq3A_156 = vector.broadcast %select_n3A_147 : vector<512x1xi32> to vector<512x64xi32>
    %eq3A_157 = arith.cmpi eq, %select_n3A, %eq3A_156 : vector<512x64xi32>
    %jit3A_158 = arith.constant -3.40282347E+38 : f32
    %broadcast_in_dim3A_159 = vector.broadcast %jit3A_158 : f32 to vector<512x64xf32>
    %select_n3A_160 = arith.select %eq3A_157, %get3A_16, %broadcast_in_dim3A_159 : vector<512x64xi1>, vector<512x64xf32>
    %reduce_max3A_161 = arith.constant dense<0xFF800000> : vector<512xf32>
    %reduce_max3A_162 = vector.multi_reduction <maximumf>, %select_n3A_160, %reduce_max3A_161 [1] : vector<512x64xf32> to vector<512xf32>
    %broadcast_in_dim3A_163 = vector.shape_cast %reduce_max3A_162 : vector<512xf32> to vector<512x1xf32>
    %eq3A_164 = vector.broadcast %broadcast_in_dim3A_163 : vector<512x1xf32> to vector<512x64xf32>
    %eq3A_165 = arith.cmpf oeq, %select_n3A_160, %eq3A_164 : vector<512x64xf32>
    %jit3A_166 = arith.constant 64 : i32
    %broadcast_in_dim3A_167 = vector.broadcast %jit3A_166 : i32 to vector<512x64xi32>
    %select_n3A_168 = arith.select %eq3A_165, %iota3A_20, %broadcast_in_dim3A_167 : vector<512x64xi1>, vector<512x64xi32>
    %reduce_min3A_169 = arith.constant dense<2147483647> : vector<512xi32>
    %reduce_min3A_170 = vector.multi_reduction <minsi>, %select_n3A_168, %reduce_min3A_169 [1] : vector<512x64xi32> to vector<512xi32>
    %broadcast_in_dim3A_171 = vector.shape_cast %reduce_min3A_170 : vector<512xi32> to vector<512x1xi32>
    %eq3A_172 = vector.broadcast %broadcast_in_dim3A_171 : vector<512x1xi32> to vector<512x512xi32>
    %eq3A_173 = arith.cmpi eq, %select_n3A_75, %eq3A_172 : vector<512x512xi32>
    %convert_element_type3A_174 = arith.extui %eq3A_173 : vector<512x512xi1> to vector<512x512xi32>
    %convert_element_type3A_175 = arith.sitofp %convert_element_type3A_174 : vector<512x512xi32> to vector<512x512xf32>
    %mul3A_176 = arith.mulf %convert_element_type3A_13, %convert_element_type3A_175 : vector<512x512xf32>
    %get3A_177 = arith.constant 0 : index
    %get3A_178 = arith.constant 0 : index
    %get3A_179 = vector.load %arg8[%get3A_177, %get3A_178] : memref<512x2048xf32, #tpu.memory_space<vmem>>, vector<512x2048xf32>
    %dot_general3A_180 = arith.constant dense<0.000000e+00> : vector<512x2048xf32>
    %dot_general3A_181 = tpu.matmul %mul3A_176, %get3A_179, %dot_general3A_180 {dimension_numbers = #tpu.dot_dimension_numbers<[1], [0], [0], [1], [0, 0, 1, 1], [], []>, transpose_lhs_hint = false} : vector<512x512xf32>, vector<512x2048xf32>, vector<512x2048xf32> -> vector<512x2048xf32>
    %add3A_182 = arith.addf %convert_element_type3A, %dot_general3A_181 : vector<512x2048xf32>
    %neg3A_183 = arith.constant 0.000000e+00 : f32
    %neg3A_184 = vector.broadcast %neg3A_183 : f32 to vector<512x2048xf32>
    %neg3A_185 = arith.subf %neg3A_184, %add3A_182 : vector<512x2048xf32>
    %exp3A_186 = math.exp %neg3A_185 : vector<512x2048xf32>
    %add3A_187 = arith.constant 1.000000e+00 : f32
    %add3A_188 = vector.broadcast %add3A_187 : f32 to vector<512x2048xf32>
    %add3A_189 = arith.addf %add3A_188, %exp3A_186 : vector<512x2048xf32>
    %div3A_190 = arith.divf %add3A_182, %add3A_189 : vector<512x2048xf32>
    %get3A_191 = arith.constant 0 : index
    %get3A_192 = arith.constant 0 : index
    %get3A_193 = vector.load %arg9[%get3A_191, %get3A_192] : memref<512x2048xf32, #tpu.memory_space<vmem>>, vector<512x2048xf32>
    %dot_general3A_194 = arith.constant dense<0.000000e+00> : vector<512x512xf32>
    %dot_general3A_195 = tpu.matmul %div3A_190, %get3A_193, %dot_general3A_194 {dimension_numbers = #tpu.dot_dimension_numbers<[1], [1], [0], [0], [0, 0, 1, 0], [], []>, transpose_lhs_hint = false} : vector<512x2048xf32>, vector<512x2048xf32>, vector<512x512xf32> -> vector<512x512xf32>
    %mul3A_196 = arith.mulf %dot_general3A_195, %convert_element_type3A_175 : vector<512x512xf32>
    %get3A_197 = arith.constant 0 : index
    %get3A_198 = arith.constant 0 : index
    %get3A_199 = vector.load %arg10[%get3A_197, %get3A_198] : memref<512x1024xf32, #tpu.memory_space<vmem>>, vector<512x1024xf32>
    %dot_general3A_200 = arith.constant dense<0.000000e+00> : vector<512x1024xf32>
    %dot_general3A_201 = tpu.matmul %mul3A_196, %get3A_199, %dot_general3A_200 {dimension_numbers = #tpu.dot_dimension_numbers<[1], [0], [0], [1], [0, 0, 1, 1], [], []>, transpose_lhs_hint = false} : vector<512x512xf32>, vector<512x1024xf32>, vector<512x1024xf32> -> vector<512x1024xf32>
    %jit3A_202 = arith.constant 0.000000e+00 : f32
    %broadcast_in_dim3A_203 = vector.broadcast %jit3A_202 : f32 to vector<512x1xf32>
    %select_n3A_204 = arith.select %ge3A_144, %broadcast_in_dim3A_155, %broadcast_in_dim3A_203 : vector<512x1xi1>, vector<512x1xf32>
    %add3A_205 = arith.addf %add3A_9, %dot_general3A_201 : vector<512x1024xf32>
    %mul3A_206 = vector.broadcast %select_n3A_204 : vector<512x1xf32> to vector<512x1024xf32>
    %mul3A_207 = arith.mulf %mul3A_206, %add3A_205 : vector<512x1024xf32>
    %add3A_208 = arith.addf %add3A_138, %mul3A_207 : vector<512x1024xf32>
    %swap3A = arith.constant 0 : index
    %swap3A_209 = arith.constant 0 : index
    %swap3A_210 = vector.load %arg11[%swap3A, %swap3A_209] : memref<512x1024xf32, #tpu.memory_space<vmem>>, vector<512x1024xf32>
    tpu.vector_store %arg11[%swap3A, %swap3A_209], %add3A_208 {strides = array<i32>} : memref<512x1024xf32, #tpu.memory_space<vmem>>, vector<512x1024xf32>,
    return
  }
  func.func @transform_0(%arg0: i32) -> (i32, i32) {
    %c0_i32 = arith.constant 0 : i32
    %c0_i32_0 = arith.constant 0 : i32
    return %arg0, %c0_i32 : i32, i32
  }
  func.func @transform_1(%arg0: i32) -> (i32, i32) {
    %c0_i32 = arith.constant 0 : i32
    %c0_i32_0 = arith.constant 0 : i32
    return %arg0, %c0_i32 : i32, i32
  }
  func.func @transform_2(%arg0: i32) -> (i32, i32) {
    %c0_i32 = arith.constant 0 : i32
    %c0_i32_0 = arith.constant 0 : i32
    return %arg0, %c0_i32 : i32, i32
  }
  func.func @transform_3(%arg0: i32) -> (i32, i32) {
    %c0_i32 = arith.constant 0 : i32
    %c0_i32_0 = arith.constant 0 : i32
    return %arg0, %c0_i32 : i32, i32
  }
  func.func @transform_4(%arg0: i32) -> (i32, i32) {
    %c0_i32 = arith.constant 0 : i32
    %c0_i32_0 = arith.constant 0 : i32
    return %arg0, %c0_i32 : i32, i32
  }
  func.func @transform_5(%arg0: i32) -> (i32, i32) {
    %c0_i32 = arith.constant 0 : i32
    %c0_i32_0 = arith.constant 0 : i32
    %c0_i32_1 = arith.constant 0 : i32
    return %c0_i32, %c0_i32_0 : i32, i32
  }
  func.func @transform_6(%arg0: i32) -> (i32, i32) {
    %c0_i32 = arith.constant 0 : i32
    %c0_i32_0 = arith.constant 0 : i32
    %c0_i32_1 = arith.constant 0 : i32
    return %c0_i32, %c0_i32_0 : i32, i32
  }
  func.func @transform_7(%arg0: i32) -> (i32, i32) {
    %c0_i32 = arith.constant 0 : i32
    %c0_i32_0 = arith.constant 0 : i32
    %c0_i32_1 = arith.constant 0 : i32
    return %c0_i32, %c0_i32_0 : i32, i32
  }
  func.func @transform_8(%arg0: i32) -> (i32, i32) {
    %c0_i32 = arith.constant 0 : i32
    %c0_i32_0 = arith.constant 0 : i32
    %c0_i32_1 = arith.constant 0 : i32
    return %c0_i32, %c0_i32_0 : i32, i32
  }
  func.func @transform_9(%arg0: i32) -> (i32, i32) {
    %c0_i32 = arith.constant 0 : i32
    %c0_i32_0 = arith.constant 0 : i32
    %c0_i32_1 = arith.constant 0 : i32
    return %c0_i32, %c0_i32_0 : i32, i32
  }
  func.func @transform_10(%arg0: i32) -> (i32, i32) {
    %c0_i32 = arith.constant 0 : i32
    %c0_i32_0 = arith.constant 0 : i32
    return %arg0, %c0_i32 : i32, i32
  }
}

</mosaic_0001>

<sc_bundles>
// kernel: kernel.6.cloned.1.call-start
scs
__scs_entry_jumppad:
0x0: {  	(pc) =	sbr.rel $0x88, $3  }
0x1: {  	(tag) =	ssettag $0x0;
	lr =	simm.s32 $0x1  }
0x2: {  	[smem:$0x3F91] =	sst lr;
	_ =	strace $0xD0000000  }
0x3: {  	_ = 	snop  }
0x4: {  	_ = 	snop  }
0x5: {  	_ = 	snop  }
0x6: {  	_ = 	snop  }
0x7: {  	_ = 	snop  }
__scs_overlays_trampoline_lowered:
0x8: {  	[smem:$0x3FA0] =	sst s0  }
0x9: {  	[smem:$0x3FA1] =	sst s1  }
0xa: {  	[smem:$0x3FA2] =	sst s2  }
0xb: {  	[smem:$0x3FA3] =	sst s3  }
0xc: {  	[smem:$0x3FA4] =	sst s4  }
0xd: {  	[smem:$0x3FA5] =	sst s5  }
0xe: {  	[smem:$0x3FA6] =	sst s6  }
0xf: {  	[smem:$0x3FA7] =	sst s7  }
0x10: {  	[smem:$0x3FA8] =	sst s8  }
0x11: {  	[smem:$0x3FA9] =	sst s9;
	s0 =	simm.s32 @!p0 $0x0  }
0x12: {  	s1 =	sld [smem:$0x3F8F];
	s0 =	simm.s32 @p0 $0x1  }
0x13: {  	[smem:$0x3FAA] =	sst s0;
	s0 =	simm.s32 @!p1 $0x0  }
0x14: {  	s2 =	sld [smem:$0x3F8E];
	s0 =	simm.s32 @p1 $0x1  }
0x15: {  	[smem:$0x3FAB] =	sst s0;
	s0 =	simm.s32 @!p2 $0x0  }
0x16: {  	s3 =	sld [smem:$0x3FDB];
	s0 =	simm.s32 @p2 $0x1  }
0x17: {  	s4 =	simm.s32 $0x1BF5;
	[smem:$0x3FAD] =	sst s0  }
0x18: {  	s0 =	sld [smem:$0x3F90];
	_ =	swait.ge [sflag:s4], $0x0  }
0x19: {  	s7 =	sld [smem:$0x3F91]  }
0x1a: {  	s8 =	sadd.s32 $0xFFFFE003, lr  }
0x1b: {  	s9 =	sadd.s32 $0xFFFFFEF7, lr;
	s5 =	simm.s32 $0xFFFFFFFF;
	p2 =	slt.u32 s8, $0xFFFFF086  }
0x1c: {  	p1 =	slt.u32 s9, $0xF7A;
	s5 =	simm.s32 @!p2 $0x0  }
0x1d: {  	s5 =	simm.s32 @p1 $0x1;
	p0 =	seq.s32 s7, s2  }
0x1e: {  	s7 =	smul.u32 @!p0 $0xF7A, s2;
	p2 =	seq.s32 @!p0 s5, $0x0  }
0x1f: {  	s9 =	smul.u32 $0xF7A, s1;
	s8 =	simm.s32 @!p0 $0x1BF5;
	p2 =	por !p2, p0  }
0x20: {  	[sflag:s8] =	ssyncset.s32 @!p0 $0xFFFFF086;
	s6 =	sadd.s32 @!p0 s3, s7;
	s7 =	simm.s32 @!p0 $0x108  }
0x21: {  	s3 =	sadd.s32 s3, s9;
	s6 =	sadd.s32 @!p0 $0x88, s6;
	s7 =	simm.s32 @p2 $0x1082  }
0x22: {  	[simem:s7], [sflag:s8] =	dma.local @!p0 [hbm:s6], $0xF7A  }
0x23: {  	s9 =	sor.u32 $0xD0000000, s2;
	s6 =	simm.s32 $0x108;
	_ =	swait.ge @!p0 [sflag:s8], $0x0  }
0x24: {  	s3 =	sadd.s32 $0x88, s3;
	s6 =	simm.s32 @!p1 $0x1082;
	[sflag:s4] =	ssyncset.s32 $0xFFFFF086  }
0x25: {  	[simem:s6], [sflag:s4] =	dma.local [hbm:s3], $0xF7A  }
0x26: {  	[smem:$0x3F91] =	sst s1;
	(tag) =	ssettag s2;
	_ =	strace s9  }
0x27: {  	s1 =	sld [smem:$0x3FA1]  }
0x28: {  	s2 =	sld [smem:$0x3FA2]  }
0x29: {  	s4 =	sld [smem:$0x3FA4]  }
0x2a: {  	p0 =	seq.s32 s5, $0x0;
	s5 =	sld [smem:$0x3FA5]  }
0x2b: {  	s6 =	sld [smem:$0x3FA6]  }
0x2c: {  	s7 =	sld [smem:$0x3FA7]  }
0x2d: {  	s3 =	simm.s32 $0x108;
	s8 =	sld [smem:$0x3FA8]  }
0x2e: {  	s3 =	simm.s32 @!p0 $0x1082;
	s9 =	sld [smem:$0x3FA9]  }
0x2f: {  	lr =	sadd.s32 s0, s3;
	s0 =	sld [smem:$0x3FA0]  }
0x30: {  	s3 =	sld [smem:$0x3FA3]  }
0x31: {  	[smem:$0x3FAC] =	sst s10  }
0x32: {  	s10 =	sld [smem:$0x3FAA];
	_ =	sdelay $0x3  }
0x33: {  	p0 =	seq.s32 s10, $0x1;
	s10 =	sld [smem:$0x3FAC];
	_ =	sdelay $0x3  }
0x34: {  	[smem:$0x3FAC] =	sst s10  }
0x35: {  	s10 =	sld [smem:$0x3FAB];
	_ =	sdelay $0x3  }
0x36: {  	p1 =	seq.s32 s10, $0x1;
	s10 =	sld [smem:$0x3FAC];
	_ =	sdelay $0x3  }
0x37: {  	[smem:$0x3FAC] =	sst s10  }
0x38: {  	s10 =	sld [smem:$0x3FAD]  }
0x39: {  	_ = 	snop;
	(pc) =	sbr.ind lr, $3  }
0x3a: {  	_ = 	snop  }
0x3b: {  	_ = 	snop  }
0x3c: {  	p2 =	seq.s32 s10, $0x1;
	s10 =	sld [smem:$0x3FAC]  }
0x3d: {  	_ =	shalt  }
0x3e: {  	_ =	shalt  }
0x3f: {  	_ =	shalt  }
0x40: {  	_ =	shalt  }
0x41: {  	_ =	shalt  }
0x42: {  	_ =	shalt  }
0x43: {  	_ =	shalt  }
0x44: {  	_ =	shalt  }
0x45: {  	_ =	shalt  }
0x46: {  	_ =	shalt  }
0x47: {  	_ =	shalt  }
0x48: {  	_ =	shalt  }
0x49: {  	_ =	shalt  }
0x4a: {  	_ =	shalt  }
0x4b: {  	_ =	shalt  }
0x4c: {  	_ =	shalt  }
0x4d: {  	_ =	shalt  }
0x4e: {  	_ =	shalt  }
0x4f: {  	_ =	shalt  }
0x50: {  	_ =	shalt  }
0x51: {  	_ =	shalt  }
0x52: {  	_ =	shalt  }
0x53: {  	_ =	shalt  }
0x54: {  	_ =	shalt  }
0x55: {  	_ =	shalt  }
0x56: {  	_ =	shalt  }
0x57: {  	_ =	shalt  }
0x58: {  	_ =	shalt  }
0x59: {  	_ =	shalt  }
0x5a: {  	_ =	shalt  }
0x5b: {  	_ =	shalt  }
0x5c: {  	_ =	shalt  }
0x5d: {  	_ =	shalt  }
0x5e: {  	_ =	shalt  }
0x5f: {  	_ =	shalt  }
0x60: {  	_ =	shalt  }
0x61: {  	_ =	shalt  }
0x62: {  	_ =	shalt  }
0x63: {  	_ =	shalt  }
0x64: {  	_ =	shalt  }
0x65: {  	_ =	shalt  }
0x66: {  	_ =	shalt  }
0x67: {  	_ =	shalt  }
0x68: {  	_ =	shalt  }
0x69: {  	_ =	shalt  }
0x6a: {  	_ =	shalt  }
0x6b: {  	_ =	shalt  }
0x6c: {  	_ =	shalt  }
0x6d: {  	_ =	shalt  }
0x6e: {  	_ =	shalt  }
0x6f: {  	_ =	shalt  }
0x70: {  	_ =	shalt  }
0x71: {  	_ =	shalt  }
0x72: {  	_ =	shalt  }
0x73: {  	_ =	shalt  }
0x74: {  	_ =	shalt  }
0x75: {  	_ =	shalt  }
0x76: {  	_ =	shalt  }
0x77: {  	_ =	shalt  }
0x78: {  	_ =	shalt  }
0x79: {  	_ =	shalt  }
0x7a: {  	_ =	shalt  }
0x7b: {  	_ =	shalt  }
0x7c: {  	_ =	shalt  }
0x7d: {  	_ =	shalt  }
0x7e: {  	_ =	shalt  }
0x7f: {  	_ =	shalt  }
0x80: {  	_ =	shalt  }
0x81: {  	_ =	shalt  }
0x82: {  	_ =	shalt  }
0x83: {  	_ =	shalt  }
0x84: {  	_ =	shalt  }
0x85: {  	_ =	shalt  }
0x86: {  	_ =	shalt  }
0x87: {  	_ =	shalt  }
.Lfunc_end0:
.L_simem_size_0:
called_computation_lowered:
.L_overlay_start_0:
0x88: {  	s2 =	sld [smem:$0x3FD9]  }
0x89: {  	s3 =	sld [smem:$0x3FFE];
	_ =	sdelay $0x1  }
0x8a: {  	s1 =	srdreg.scid  }
0x8b: {  	s0 =	sand.u32 $0x1, s1  }
0x8c: {  	s17 =	sshll.u32 s0, $0xA;
	s2 =	sadd.s32 s3, s2  }
0x8d: {  	s2 =	sadd.s32 s2, s17  }
0x8e: {  	[smem:$0x3FB8] =	sst s2  }
0x8f: {  	_ = 	snop  }
0x90: {  	s2 =	sld [smem:$0x3FD0];
	(tm) =	ssettm $0x1  }
0x91: {  	s18 =	sld [smem:$0x3FFB];
	_ =	sdelay $0x3  }
0x92: {  	_ =	strace s18  }
0x93: {  	s3 =	sld [smem:$0x3FFC];
	_ =	sdelay $0x3  }
0x94: {  	_ =	strace s3  }
0x95: {  	s3 =	sld [smem:$0x3FFD];
	_ =	sdelay $0x3  }
0x96: {  	_ =	strace s3  }
0x97: {  	_ =	strace $0x8FFFFFFF  }
0x98: {  	s19 =	sld [smem:$0x3FDB];
	_ =	sdelay $0x1  }
0x99: {  	s4 =	simm.s32 $_scs_section_size  }
0x9a: {  	s5 =	simm.s32 $_size__tile_overlayer_lowered;
	s6 =	simm.s32 $_tile_overlayer_lowered  }
0x9b: {  	s22 =	simm.s32 $0x1BFF;
	s21 =	sshll.u32 s6, $0x1;
	s3 =	sadd.s32 s4, s19  }
0x9c: {  	s7 =	simm.s32 $0x0;
	s20 =	sshll.u32 s5, $0x1;
	s5 =	sadd.s32 s21, s3  }
0x9d: {  	[timem:s7], [sflag:s22] =	dma.local [hbm:s5], s20  }
0x9e: {  	_ =	swait.ge [sflag:s22], s20  }
0x9f: {  	s4 =	ssub.s32 $0x0, s20;
	[sflag:s22] =	ssyncset.done $0x0  }
0xa0: {  	[sflag:s22] =	ssyncadd.s32 s4;
	_ =	sdelay $0x1  }
0xa1: {  	s23 =	simm.s32 $0x1B8B  }
0xa2: {  	_ =	swait.ge [sflag:s23], $0x1  }
0xa3: {  	[sflag:s23] =	ssyncset.done $0x0  }
0xa4: {  	s25 =	simm.s32 $0x1B8E;
	s24 =	sld [smem:$0x3FFE];
	[sflag:s23] =	ssyncadd.s32 $0xFFFFFFFF  }
0xa5: {  	s26 =	simm.s32 $execute0_lowered;
	[smem:$0x3FD2] =	sst s25  }
0xa6: {  	s5 =	sshll.u32 s26, $0x1;
	_ =	strace $0x80000046;
	[dreg:$0x1] =	wrdreg $0xFFFFFFFF  }
0xa7: {  	s28 =	simm.s32 $_size_execute0_lowered;
	s3 =	sadd.s32 s3, s5;
	[dreg:$0x0] =	wrdreg $0x0  }
0xa8: {  	s5 =	sshll.u32 s28, $0x1;
	[dreg:$0x2] =	wrdreg s3  }
0xa9: {  	[dreg:$0x3] =	wrdreg s5  }
0xaa: {  	[dreg:$0x4] =	wrdreg $0xC0  }
0xab: {  	_ =	task [dreg:s7], $0x5FFFF  }
0xac: {  	[dreg:$0x1] =	wrdreg $0xFFFFFFFF  }
0xad: {  	[dreg:$0x0] =	wrdreg $0x60  }
0xae: {  	[dreg:$0x2] =	wrdreg s2  }
0xaf: {  	[dreg:$0x3] =	wrdreg s24  }
0xb0: {  	[dreg:$0x4] =	wrdreg $0x9  }
0xb1: {  	_ =	task.clear_ibuf [dreg:s7], $0x5FFFF;
	_ =	strace $0x90000046  }
0xb2: {  	s29 =	simm.s32 $0x9;
	_ =	strace $0x80000048  }
0xb3: {  	_ =	swait.ge [sflag:s29], $0x1  }
0xb4: {  	[sflag:s29] =	ssyncadd.s32 $0xFFFFFFFF  }
0xb5: {  	_ =	strace $0x90000048  }
0xb6: {  	_ =	sfence  }
0xb7: {  	s30 =	sld [smem:$0x0];
	_ =	sdelay $0x2  }
0xb8: {  	s31 =	sshll.u32 s1, $0xD;
	s1 =	sshrl.u32 s1, $0x2  }
0xb9: {  	s3 =	sand.u32 $0x4000, s31;
	s1 =	sadd.s32 s1, s30  }
0xba: {  	s0 =	sor.u32 s3, s0;
	s1 =	sshll.u32 s1, $0x11  }
0xbb: {  	s0 =	sor.u32 s1, s0  }
0xbc: {  	s0 =	sadd.s32 $0x8F2B, s0  }
0xbd: {  	[sflag:s0] =	ssyncadd.remote.s32 $0x1  }
0xbe: {  	_ =	sfence.sel $0xFFFF  }
0xbf: {  	[dreg:$0x0] =	wrdreg $0xFFFFFFFF;
	(pc) =	sbr.abs _section_cstart, $3  }
0xc0: {  	[dreg:$0x1] =	wrdreg $0xFFFFFFFF  }
0xc1: {  	_ =	task.clear_ibuf [dreg:s7], $0x2FFFF;
	_ =	strace $0x9FFFFFFF  }
0xc2: {  	(tm) =	ssettm $0x7FFFFFFF  }
0xc3: {  	_ =	shalt  }
tec
execute0_lowered:
.L_overlay_start_1:
0x0: {  	(tag) =	ssettag $0x1  }
0x1: {  	v0 =	vlaneseq.u32;
	v3 =	vimm.s32 $0x9080100  }
0x2: {  	v1 =	vimm.s32 $0x0;
	vm0 =	vmmov $0xff;
	v4 =	vimm.s32 $0x389  }
0x3: {  	vm15 =	vcmask $0x300;
	vm14 =	vcmask $0x704;
	vm1 =	vcmask $0xF00  }
0x4: {  	vm13 =	vcmask $0xB08;
	v5 =	vimm.s32 $0x89888180;
	vm12 =	vcmask $0xF0C  }
0x5: {  	vm11 =	vcmask $0x1310;
	vm10 =	vcmask $0x1714;
	vm9 =	vcmask $0x1B18  }
0x6: {  	vm8 =	vcmask $0x1F1C;
	vm7 =	vcmask $0x2320;
	vm6 =	vcmask $0x2724  }
0x7: {  	vm5 =	vcmask $0x2B28;
	vm4 =	vcmask $0x2F2C;
	vm3 =	vcmask $0x3330  }
0x8: {  	vm2 =	vcmask $0x3734;
	v7 =	vimm.s32 $0x789;
	v8 =	vimm.s32 $0x989  }
0x9: {  	v9 =	vimm.s32 $0xB89;
	v10 =	vimm.s32 $0xD89;
	v11 =	vimm.s32 $0xF89  }
0xa: {  	v2 =	vand.u32 $0x7, v0;
	v3 =	vunpack.c.0.s8.s32 v3;
	v4 =	vsel vm15, $0x200, v4  }
0xb: {  	v5 =	vunpack.c.0.s8.s32 v5;
	v7 =	vsel vm15, $0x600, v7;
	v8 =	vsel vm15, $0x800, v8  }
0xc: {  	v9 =	vsel vm15, $0xA00, v9;
	v10 =	vsel vm15, $0xC00, v10;
	v11 =	vsel vm15, $0xE00, v11  }
0xd: {  	v4 =	vsel vm14, $0x201, v4;
	v7 =	vsel vm14, $0x601, v7;
	v8 =	vsel vm14, $0x801, v8  }
0xe: {  	v9 =	vsel vm14, $0xA01, v9;
	v10 =	vsel vm14, $0xC01, v10;
	v11 =	vsel vm14, $0xE01, v11  }
0xf: {  	v3 =	vand.u32 $0xFF, v3;
	v4 =	vsel vm13, $0x208, v4;
	v5 =	vand.u32 $0xFF, v5  }
0x10: {  	v7 =	vsel vm13, $0x608, v7;
	v8 =	vsel vm13, $0x808, v8;
	v9 =	vsel vm13, $0xA08, v9  }
0x11: {  	v10 =	vsel vm13, $0xC08, v10;
	v11 =	vsel vm13, $0xE08, v11;
	v4 =	vsel vm12, $0x209, v4  }
0x12: {  	v3 =	vnsel vm1, $0x189, v3;
	vm1 =	vcmask $0x1F10;
	v7 =	vsel vm12, $0x609, v7  }
0x13: {  	v8 =	vsel vm12, $0x809, v8;
	v9 =	vsel vm12, $0xA09, v9;
	v10 =	vsel vm12, $0xC09, v10  }
0x14: {  	v11 =	vsel vm12, $0xE09, v11;
	v4 =	vsel vm11, $0x280, v4;
	v3 =	vsel vm1, v5, v3  }
0x15: {  	vm1 =	vcmask $0x3B38;
	v7 =	vsel vm11, $0x680, v7;
	v8 =	vsel vm11, $0x880, v8  }
0x16: {  	v9 =	vsel vm11, $0xA80, v9;
	v10 =	vsel vm11, $0xC80, v10;
	v11 =	vsel vm11, $0xE80, v11  }
0x17: {  	v4 =	vsel vm10, $0x281, v4;
	v3 =	vsel vm7, $0x100, v3;
	v7 =	vsel vm10, $0x681, v7  }
0x18: {  	v8 =	vsel vm10, $0x881, v8;
	v9 =	vsel vm10, $0xA81, v9;
	v10 =	vsel vm10, $0xC81, v10  }
0x19: {  	v11 =	vsel vm10, $0xE81, v11;
	v4 =	vsel vm9, $0x288, v4;
	v3 =	vsel vm6, $0x101, v3  }
0x1a: {  	v7 =	vsel vm9, $0x688, v7;
	v8 =	vsel vm9, $0x888, v8;
	v9 =	vsel vm9, $0xA88, v9  }
0x1b: {  	v10 =	vsel vm9, $0xC88, v10;
	v11 =	vsel vm9, $0xE88, v11;
	v4 =	vsel vm8, $0x289, v4  }
0x1c: {  	v3 =	vsel vm5, $0x108, v3;
	v7 =	vsel vm8, $0x689, v7;
	v8 =	vsel vm8, $0x889, v8  }
0x1d: {  	v9 =	vsel vm8, $0xA89, v9;
	v10 =	vsel vm8, $0xC89, v10;
	v4 =	vsel vm7, $0x300, v4  }
0x1e: {  	v11 =	vsel vm8, $0xE89, v11;
	v3 =	vsel vm4, $0x109, v3;
	v4 =	vsel vm6, $0x301, v4  }
0x1f: {  	v7 =	vsel vm7, $0x700, v7;
	v8 =	vsel vm7, $0x900, v8;
	v4 =	vsel vm5, $0x308, v4  }
0x20: {  	s0 =	rddreg [dreg:$0x0];
	v9 =	vsel vm7, $0xB00, v9;
	v10 =	vsel vm7, $0xD00, v10;
	v4 =	vsel vm4, $0x309, v4  }
0x21: {  	s1 =	rddreg [dreg:$0x1];
	s2 =	simm.s32 $0x0;
	v11 =	vsel vm7, $0xF00, v11;
	v3 =	vsel vm3, $0x180, v3;
	v4 =	vsel vm3, $0x380, v4  }
0x22: {  	s3 =	srdreg.scid;
	s6 =	stileid.u32;
	s28 =	simm.s32 $0x2;
	v7 =	vsel vm6, $0x701, v7;
	v5 =	vsel vm2, $0x181, v3;
	v6 =	vsel vm2, $0x381, v4  }
0x23: {  	s29 =	simm.s32 $0x3;
	s30 =	simm.s32 $0x4;
	s31 =	simm.s32 $0x5100;
	v4 =	vsel vm1, $0x188, v5;
	v5 =	vsel vm1, $0x388, v6;
	v6 =	vimm.s32 $0x589  }
0x24: {  	[smem:$0x7FF] =	sst s2;
	s4 =	sadd.s32 $0x2600, s1;
	s10 =	sadd.s32 $0x800, s0;
	v8 =	vsel vm6, $0x901, v8;
	v9 =	vsel vm6, $0xB01, v9;
	v6 =	vsel vm15, $0x400, v6  }
0x25: {  	s20 =	sadd.s32 $0x2A00, s1;
	_ =	strace $0x80000047;
	[dreg:$0x3] =	wrdreg s10;
	v10 =	vsel vm6, $0xD01, v10;
	v11 =	vsel vm6, $0xF01, v11;
	v6 =	vsel vm14, $0x401, v6  }
0x26: {  	s3 =	sand.u32 $0x1, s3;
	s21 =	sadd.s32 $0x1000, s0;
	[dreg:$0x4] =	wrdreg s20;
	v3 =	vimm.s32 $0x1;
	v7 =	vsel vm5, $0x708, v7;
	v6 =	vsel vm13, $0x408, v6  }
0x27: {  	s5 =	sadd.s32 $0x2400, s1;
	s22 =	sadd.s32 $0x2C00, s1;
	[dreg:$0x5] =	wrdreg s21;
	v8 =	vsel vm5, $0x908, v8;
	v9 =	vsel vm5, $0xB08, v9;
	v6 =	vsel vm12, $0x409, v6  }
0x28: {  	s8 =	sshll.u32 s6, $0x1;
	s23 =	sadd.s32 $0x1800, s0;
	[dreg:$0x6] =	wrdreg s22;
	v10 =	vsel vm5, $0xD08, v10;
	v11 =	vsel vm5, $0xF08, v11;
	v6 =	vsel vm11, $0x480, v6  }
0x29: {  	s6 =	sadd.s32 $0x2800, s1;
	s24 =	sadd.s32 $0x2E00, s1;
	[dreg:$0x7] =	wrdreg s23;
	v7 =	vsel vm4, $0x709, v7;
	v8 =	vsel vm4, $0x909, v8;
	v6 =	vsel vm10, $0x481, v6  }
0x2a: {  	s25 =	sadd.s32 $0x2000, s0;
	s26 =	sadd.s32 $0x3000, s1;
	[dreg:$0x8] =	wrdreg s24;
	v9 =	vsel vm4, $0xB09, v9;
	v10 =	vsel vm4, $0xD09, v10;
	v6 =	vsel vm9, $0x488, v6  }
0x2b: {  	s17 =	sadd.s32 $0x2800, s0;
	s18 =	sadd.s32 $0x3200, s1;
	[dreg:$0x9] =	wrdreg s25;
	v11 =	vsel vm4, $0xF09, v11;
	v7 =	vsel vm3, $0x780, v7;
	v6 =	vsel vm8, $0x489, v6  }
0x2c: {  	s7 =	ssub.s32 $0x2, s3;
	s3 =	sor.u32 s3, s8;
	[dreg:$0xa] =	wrdreg s26;
	v8 =	vsel vm3, $0x980, v8;
	v9 =	vsel vm3, $0xB80, v9;
	v6 =	vsel vm7, $0x500, v6  }
0x2d: {  	s20 =	sadd.s32 $0x3400, s1;
	s21 =	sadd.s32 $0x3800, s0;
	s22 =	sadd.s32 $0x3600, s1;
	v10 =	vsel vm3, $0xD80, v10;
	v11 =	vsel vm3, $0xF80, v11;
	v6 =	vsel vm6, $0x501, v6  }
.Ltmp0:
0x2e: {  	s24 =	simm.s32 $0x4000;
	s25 =	simm.s32 $0x4080;
	v7 =	vsel vm2, $0x781, v7;
	v8 =	vsel vm2, $0x981, v8;
	v6 =	vsel vm5, $0x508, v6;
	(pc) =	sbr.rel .LBB2_1-.Ltmp0, $4  }
0x2f: {  	s26 =	simm.s32 $0x1;
	s1 =	simm.s32 $0x4100;
	s9 =	sshrl.u32 s7, $0x1;
	v9 =	vsel vm2, $0xB81, v9;
	v10 =	vsel vm2, $0xD81, v10;
	v6 =	vsel vm4, $0x509, v6  }
0x30: {  	s19 =	sshll.u32 s3, $0x9;
	s8 =	sshll.u32 s3, $0x7;
	p0 =	sne.s32 s3, $0x0;
	v11 =	vsel vm2, $0xF81, v11;
	v7 =	vsel vm1, $0x788, v7;
	v6 =	vsel vm3, $0x580, v6  }
0x31: {  	s3 =	simm.s32 $0x0;
	s9 =	ssub.s32 s7, s9;
	s7 =	sadd.s32 s0, s19;
	v8 =	vsel vm1, $0x988, v8;
	v9 =	vsel vm1, $0xB88, v9;
	v6 =	vsel vm2, $0x581, v6  }
0x32: {  	s8 =	sadd.s32 s6, s8;
	s19 =	sadd.s32 $0x3000, s0;
	s23 =	smax.u32 s9, $0x1;
	v10 =	vsel vm1, $0xD88, v10;
	v11 =	vsel vm1, $0xF88, v11;
	v6 =	vsel vm1, $0x588, v6  }
.LBB2_2:
0x33: {  	_ =	sdelay $0x3  }
0x34: {  	v12 =	vld.idx.msk [tilespmem:v4+s2+$0x0], $0xffff;
	_ =	sdelay $0x1  }
0x35: {  	v13 =	vbroadcast v13, $0x0  }
0x36: {  	v14 =	vand.u32 $0x1, v0  }
0x37: {  	vm1 =	vgt.s32 v13, v14  }
0x38: {  	v12 =	vnsel vm1, $0xFFFFFFFF, v12  }
0x39: {  	[tilespmem:$0x4100] =	vst v12  }
0x3a: {  	v12 =	vld.idx.msk [tilespmem:v5+s2+$0x0], $0xffff;
	_ =	sdelay $0x4  }
0x3b: {  	v12 =	vnsel vm1, $0xFFFFFFFF, v12  }
0x3c: {  	[tilespmem:$0x4180] =	vst v12  }
0x3d: {  	v12 =	vld.idx.msk [tilespmem:v6+s2+$0x0], $0xffff;
	_ =	sdelay $0x4  }
0x3e: {  	v12 =	vnsel vm1, $0xFFFFFFFF, v12  }
0x3f: {  	[tilespmem:$0x4200] =	vst v12  }
0x40: {  	v12 =	vld.idx.msk [tilespmem:v7+s2+$0x0], $0xffff;
	_ =	sdelay $0x4  }
0x41: {  	v12 =	vnsel vm1, $0xFFFFFFFF, v12  }
0x42: {  	[tilespmem:$0x4280] =	vst v12  }
0x43: {  	v12 =	vld.idx.msk [tilespmem:v8+s2+$0x0], $0xffff;
	_ =	sdelay $0x4  }
0x44: {  	v12 =	vnsel vm1, $0xFFFFFFFF, v12  }
0x45: {  	[tilespmem:$0x4300] =	vst v12  }
0x46: {  	v12 =	vld.idx.msk [tilespmem:v9+s2+$0x0], $0xffff;
	_ =	sdelay $0x4  }
0x47: {  	v12 =	vnsel vm1, $0xFFFFFFFF, v12  }
0x48: {  	[tilespmem:$0x4380] =	vst v12  }
0x49: {  	v12 =	vld.idx.msk [tilespmem:v10+s2+$0x0], $0xffff;
	_ =	sdelay $0x4  }
0x4a: {  	v12 =	vnsel vm1, $0xFFFFFFFF, v12  }
0x4b: {  	[tilespmem:$0x4400] =	vst v12  }
0x4c: {  	v12 =	vld.idx.msk [tilespmem:v11+s2+$0x0], $0xffff;
	_ =	sdelay $0x4  }
0x4d: {  	v12 =	vnsel vm1, $0xFFFFFFFF, v12  }
0x4e: {  	[tilespmem:$0x4480] =	vst v12  }
0x4f: {  	[hbm4b:s8+s2] =	stream.linear.scatter [tilespmem:s1], [sflag:$0x4], $0x400, $0x38;
	[tilespmem:$0x5180] =	vst v63  }
0x50: {  	_ =	swait.ge [sflag:s30], $0x400  }
0x51: {  	[sflag:s30] =	ssyncset.done $0x0  }
0x52: {  	[sflag:s30] =	ssyncadd.s32 $0xFFFFFC00  }
.LBB2_21:
0x53: {  	s3 =	sadd.s32 $0x1, s3  }
0x54: {  	p1 =	sne.s32 s3, s23  }
.Ltmp1:
0x55: {  	_ = 	snop;
	(pc) =	sbr.rel @!p1 .LBB2_22-.Ltmp1, $1  }
0x56: {  	_ =	sdelay $0x3  }
.LBB2_1:
0x57: {  	[tilespmem:s24], [sflag:$0x1] =	stream.linear.gather [hbm4b:s4+s2], $0x80, $0x38;
	[tilespmem:$0x5180] =	vst v63  }
0x58: {  	_ = 	snop  }
0x59: {  	[tilespmem:s25], [sflag:$0x2] =	stream.linear.gather [hbm4b:s5+s2], $0x80, $0x38;
	[tilespmem:$0x5180] =	vst v63  }
0x5a: {  	_ = 	snop  }
0x5b: {  	[tilespmem:s2], [sflag:$0x3] =	stream.linear.gather [hbm4b:s7+s2], $0x1000, $0x38;
	[tilespmem:$0x5180] =	vst v63  }
0x5c: {  	_ =	swait.ge [sflag:s26], $0x80  }
0x5d: {  	[sflag:s26] =	ssyncset.done $0x0  }
0x5e: {  	[sflag:s26] =	ssyncadd.s32 $0xFFFFFF80  }
0x5f: {  	_ =	swait.ge [sflag:s28], $0x80  }
0x60: {  	[sflag:s28] =	ssyncset.done $0x0  }
0x61: {  	[sflag:s28] =	ssyncadd.s32 $0xFFFFFF80  }
0x62: {  	_ =	swait.ge [sflag:s29], $0x1000  }
0x63: {  	[sflag:s29] =	ssyncset.done $0x0  }
0x64: {  	[sflag:s29] =	ssyncadd.s32 $0xFFFFF000  }
0x65: {  	v12 =	vld [tilespmem:$0x4080];
	_ =	sdelay $0x4  }
0x66: {  	v12 =	vxor.u32 $0x80000000, v12  }
0x67: {  	(xrf0) =	vmax.scan.msk.u32 $0xffff, v12  }
0x68: {  	v13 =	vld [tilespmem:$0x4000];
	_ =	sdelay $0x4  }
0x69: {  	(v2sf) =	vpush v13, $0x1;
	v12, _, _ =	vpop (xrf0)  }
0x6a: {  	(v2sf) =	vpush v12, $0xF;
	_ =	sdelay $0xd  }
0x6b: {  	s9 =	spop (v2sf)  }
0x6c: {  	s10 =	spop (v2sf)  }
0x6d: {  	s10 =	sxor.u32 $0x80000000, s10  }
0x6e: {  	p1 =	sgt.s32 s10, s9  }
.Ltmp2:
0x6f: {  	_ = 	snop;
	(pc) =	sbr.rel @!p1 .LBB2_2-.Ltmp2, $1  }
0x70: {  	_ =	sdelay $0x3  }
.Ltmp3:
0x71: {  	(pc) =	sbr.rel @p0 .LBB2_21-.Ltmp3, $1  }
0x72: {  	_ =	sdelay $0x3  }
0x73: {  	s9 =	simm.s32 $0x0;
	s10 =	simm.s32 $0x0  }
0x74: {  	s11 =	sand.u32 $0x8, s9;
	s10 =	sand.u32 $0xFFFFFF80, s10  }
0x75: {  	s10 =	sor.u32 s11, s10  }
0x76: {  	[tilespmem:$0x5100] =	vst v1;
	v12 =	vor.u32 s10, v2  }
0x77: {  	[tilespmem:s9], [sflag:$0x4] =	stream.linear.gather [hbm4b:s0+s9], $0x4000, $0x38;
	[tilespmem:$0x5180] =	vst v63  }
0x78: {  	_ =	swait.ge [sflag:s30], $0x4000  }
0x79: {  	[sflag:s30] =	ssyncset.done $0x0  }
0x7a: {  	[sflag:s30] =	ssyncadd.s32 $0xFFFFC000  }
0x7b: {  	v14 =	vld.idx.msk [tilespmem:v12+s2+$0x0], $0xffff;
	_ =	sdelay $0x7  }
0x7c: {  	v15 =	vld.idx.msk [tilespmem:v14+s31+$0x0], $0xffff;
	_ =	sdelay $0x2  }
0x7d: {  	v12 =	vbroadcast v13, $0x1;
	_ =	sdelay $0x1  }
0x7e: {  	vm1 =	vlt.s32 v15, v12  }
0x7f: {  	vm1 =	vmand vm1, vm0  }
0x80: {  	v15 =	vsel vm1, $0x1, v1  }
0x81: {  	(xrf0) =	vadd.scan.msk.s32 $0xffff, v15;
	_ =	sdelay $0x4  }
0x82: {  	v13 =	vbroadcast v13, $0x0  }
0x83: {  	v15, _, _ =	vpop (xrf0)  }
0x84: {  	vm2 =	vle.s32 v15, v13  }
0x85: {  	vm2 =	vmand vm1, vm2  }
0x86: {  	v15 =	vsel vm2, $0x1, v1  }
0x87: {  	(xrf0) =	vadd.scan.msk.s32 $0xffff, v15;
	_ =	sdelay $0x5  }
0x88: {  	v15, _, _ =	vpop (xrf0)  }
0x89: {  	vm1 =	veq.s32 v15, $0x2  }
0x8a: {  	vm3 =	veq.s32 v15, $0x1;
	v15 =	vadd.s32 $0x1, v14;
	vm1 =	vmand vm2, vm1  }
0x8b: {  	vm3 =	vmand vm2, vm3;
	v16 =	vnsel vm1, $0x0, v15  }
0x8c: {  	v15 =	vnsel vm3, $0x0, v15;
	(xrf0) =	vadd.scan.msk.s32 $0xffff, v16  }
0x8d: {  	(xrf0) =	vadd.scan.msk.s32 $0xffff, v15;
	_ =	sdelay $0x4  }
0x8e: {  	v15, _, _ =	vpop (xrf0)  }
0x8f: {  	v63, _, _ =	vpop (xrf0);
	(v2sf) =	vpush v15, $0xF  }
0x90: {  	(v2sf) =	vpush v63, $0xF;
	_ =	sdelay $0x8  }
0x91: {  	s14 =	simm.s32 $0x40;
	s16 =	simm.s32 $0x0  }
0x92: {  	s12 =	simm.s32 $0x2;
	s15 =	sand.u32 $0xE, s9;
	s11 =	simm.s32 $0x8  }
0x93: {  	s16 =	sand.u32 $0xFFFFFF80, s16;
	s10 =	simm.s32 $0x1;
	s13 =	sand.u32 $0x8, s11  }
.LBB2_5:
0x94: {  	p1 =	sne.s32 s12, $0xFF;
	s14 =	sand.u32 $0xFFFFFF80, s14;
	s15 =	sor.u32 s15, s16  }
0x95: {  	s14 =	sor.u32 s13, s14;
	v15 =	vadd.s32 s15, v0;
	s13 =	smov.u32 s10;
	s10 =	smov.u32 s12  }
0x96: {  	v16 =	vor.u32 s14, v2;
	s14 =	spop (v2sf)  }
0x97: {  	s14 =	sadd.s32 $0xFFFFFFFF, s14;
	s15 =	spop (v2sf)  }
0x98: {  	vm1 =	veq.s32 v0, $0x0;
	s15 =	sadd.s32 $0xFFFFFFFF, s15;
	v17 =	vmov s14  }
0x99: {  	[tilespmem:v14+s31+$0x0] =	vst.idx.add.s32.msk vm2, v3;
	v14 =	vsel vm1, s15, v17  }
0x9a: {  	[tilespmem:v15+s1+$0x0] =	vst.idx.msk $0x3, v14  }
0x9b: {  	v14 =	vld.idx.msk [tilespmem:v16+s2+$0x0], $0xffff;
	_ =	sdelay $0x7  }
0x9c: {  	v15 =	vld.idx.msk [tilespmem:v14+s31+$0x0], $0xffff;
	_ =	sdelay $0x5  }
0x9d: {  	vm2 =	vlt.s32 v15, v12  }
0x9e: {  	vm2 =	vmand vm2, vm0  }
0x9f: {  	v15 =	vsel vm2, $0x1, v1  }
0xa0: {  	(xrf0) =	vadd.scan.msk.s32 $0xffff, v15;
	_ =	sdelay $0x5  }
0xa1: {  	v15, _, _ =	vpop (xrf0)  }
0xa2: {  	vm3 =	vle.s32 v15, v13  }
0xa3: {  	vm2 =	vmand vm2, vm3  }
0xa4: {  	v15 =	vsel vm2, $0x1, v1  }
0xa5: {  	(xrf0) =	vadd.scan.msk.s32 $0xffff, v15;
	_ =	sdelay $0x5  }
0xa6: {  	v15, _, _ =	vpop (xrf0)  }
0xa7: {  	vm3 =	veq.s32 v15, $0x2  }
0xa8: {  	vm4 =	veq.s32 v15, $0x1;
	v15 =	vadd.s32 $0x1, v14;
	vm3 =	vmand vm2, vm3  }
0xa9: {  	vm4 =	vmand vm2, vm4;
	v16 =	vnsel vm3, $0x0, v15  }
0xaa: {  	v15 =	vnsel vm4, $0x0, v15;
	(xrf0) =	vadd.scan.msk.s32 $0xffff, v16  }
0xab: {  	(xrf0) =	vadd.scan.msk.s32 $0xffff, v15;
	_ =	sdelay $0x4  }
0xac: {  	v15, _, _ =	vpop (xrf0)  }
0xad: {  	v16, _, _ =	vpop (xrf0);
	(v2sf) =	vpush v15, $0xF  }
0xae: {  	(v2sf) =	vpush v16, $0xF;
	_ =	sdelay $0x6  }
.Ltmp4:
0xaf: {  	(pc) =	sbr.rel @p1 .LBB2_5-.Ltmp4, $4  }
0xb0: {  	_ = 	snop  }
0xb1: {  	s11 =	sadd.s32 $0x8, s11;
	s9 =	sadd.s32 $0x2, s9  }
0xb2: {  	s16 =	sshll.u32 s13, $0x4;
	s14 =	sshll.u32 s12, $0x6;
	s15 =	sand.u32 $0xE, s9  }
0xb3: {  	s13 =	sand.u32 $0x8, s11;
	s16 =	sand.u32 $0xFFFFFF80, s16;
	s12 =	sadd.s32 $0x1, s12  }
0xb4: {  	s11 =	sand.u32 $0xFFFFFF80, s14;
	s12 =	sor.u32 s15, s16  }
0xb5: {  	s11 =	sor.u32 s13, s11;
	v15 =	vadd.s32 s12, v0  }
0xb6: {  	v16 =	vor.u32 s11, v2;
	s15 =	spop (v2sf)  }
0xb7: {  	s11 =	sadd.s32 $0xFFFFFFFF, s15;
	s16 =	spop (v2sf)  }
0xb8: {  	s12 =	sadd.s32 $0xFFFFFFFF, s16;
	v17 =	vmov s11  }
0xb9: {  	[tilespmem:v14+s31+$0x0] =	vst.idx.add.s32.msk vm2, v3;
	v14 =	vsel vm1, s12, v17  }
0xba: {  	[tilespmem:v15+s1+$0x0] =	vst.idx.msk $0x3, v14  }
0xbb: {  	v14 =	vld.idx.msk [tilespmem:v16+s2+$0x0], $0xffff;
	_ =	sdelay $0x7  }
0xbc: {  	v15 =	vld.idx.msk [tilespmem:v14+s31+$0x0], $0xffff;
	_ =	sdelay $0x4  }
0xbd: {  	vm2 =	vlt.s32 v15, v12  }
0xbe: {  	vm2 =	vmand vm2, vm0  }
0xbf: {  	v15 =	vsel vm2, $0x1, v1  }
0xc0: {  	(xrf0) =	vadd.scan.msk.s32 $0xffff, v15;
	_ =	sdelay $0x5  }
0xc1: {  	v15, _, _ =	vpop (xrf0)  }
0xc2: {  	vm3 =	vle.s32 v15, v13  }
0xc3: {  	vm2 =	vmand vm2, vm3  }
0xc4: {  	v15 =	vsel vm2, $0x1, v1  }
0xc5: {  	(xrf0) =	vadd.scan.msk.s32 $0xffff, v15;
	_ =	sdelay $0x5  }
0xc6: {  	v15, _, _ =	vpop (xrf0)  }
0xc7: {  	vm3 =	veq.s32 v15, $0x2  }
0xc8: {  	vm4 =	veq.s32 v15, $0x1;
	v15 =	vadd.s32 $0x1, v14;
	vm3 =	vmand vm2, vm3  }
0xc9: {  	vm4 =	vmand vm2, vm4;
	v59 =	vnsel vm3, $0x0, v15  }
0xca: {  	v15 =	vnsel vm4, $0x0, v15;
	(xrf0) =	vadd.scan.msk.s32 $0xffff, v59  }
0xcb: {  	(xrf0) =	vadd.scan.msk.s32 $0xffff, v15;
	_ =	sdelay $0x4  }
0xcc: {  	v15, _, _ =	vpop (xrf0)  }
0xcd: {  	v60, _, _ =	vpop (xrf0);
	(v2sf) =	vpush v15, $0xF  }
0xce: {  	(v2sf) =	vpush v60, $0xF;
	_ =	sdelay $0x9  }
0xcf: {  	s9 =	sadd.s32 $0x2, s9;
	s10 =	sshll.u32 s10, $0x4  }
0xd0: {  	s9 =	sand.u32 $0xE, s9;
	s10 =	sand.u32 $0xFFFFFF80, s10  }
0xd1: {  	s9 =	sor.u32 s9, s10  }
0xd2: {  	v15 =	vadd.s32 s9, v0  }
0xd3: {  	s12 =	spop (v2sf)  }
0xd4: {  	s9 =	sadd.s32 $0xFFFFFFFF, s12;
	s13 =	spop (v2sf)  }
0xd5: {  	s10 =	sadd.s32 $0xFFFFFFFF, s13;
	v61 =	vmov s9  }
0xd6: {  	[tilespmem:v14+s31+$0x0] =	vst.idx.add.s32.msk vm2, v3;
	v14 =	vsel vm1, s10, v61  }
0xd7: {  	s14 =	simm.s32 $0x0;
	s9 =	simm.s32 $0x0;
	[tilespmem:v15+s1+$0x0] =	vst.idx.msk $0x3, v14  }
0xd8: {  	[hbm4b:s6+s9] =	stream.linear.scatter [tilespmem:s1], [sflag:$0x4], $0x1000, $0x38;
	[tilespmem:$0x5180] =	vst v63  }
0xd9: {  	s15 =	sand.u32 $0x8, s9;
	s10 =	sand.u32 $0xFFFFFF80, s14;
	_ =	swait.ge [sflag:s30], $0x1000  }
0xda: {  	s10 =	sor.u32 s15, s10;
	[sflag:s30] =	ssyncset.done $0x0  }
0xdb: {  	v14 =	vor.u32 s10, v2;
	s16 =	rddreg [dreg:$0x3];
	[sflag:s30] =	ssyncadd.s32 $0xFFFFF000  }
0xdc: {  	[tilespmem:s9], [sflag:$0x4] =	stream.linear.gather [hbm4b:s16+s9], $0x4000, $0x38;
	[tilespmem:$0x5180] =	vst v63  }
0xdd: {  	_ =	swait.ge [sflag:s30], $0x4000  }
0xde: {  	[sflag:s30] =	ssyncset.done $0x0  }
0xdf: {  	[sflag:s30] =	ssyncadd.s32 $0xFFFFC000  }
0xe0: {  	v14 =	vld.idx.msk [tilespmem:v14+s2+$0x0], $0xffff;
	_ =	sdelay $0x7  }
0xe1: {  	v15 =	vld.idx.msk [tilespmem:v14+s31+$0x0], $0xffff;
	_ =	sdelay $0x4  }
0xe2: {  	vm1 =	vlt.s32 v15, v12  }
0xe3: {  	vm1 =	vmand vm1, vm0  }
0xe4: {  	v15 =	vsel vm1, $0x1, v1  }
0xe5: {  	(xrf0) =	vadd.scan.msk.s32 $0xffff, v15;
	_ =	sdelay $0x5  }
0xe6: {  	v15, _, _ =	vpop (xrf0)  }
0xe7: {  	vm2 =	vle.s32 v15, v13  }
0xe8: {  	vm2 =	vmand vm1, vm2  }
0xe9: {  	v15 =	vsel vm2, $0x1, v1  }
0xea: {  	(xrf0) =	vadd.scan.msk.s32 $0xffff, v15;
	_ =	sdelay $0x5  }
0xeb: {  	v15, _, _ =	vpop (xrf0)  }
0xec: {  	vm1 =	veq.s32 v15, $0x2  }
0xed: {  	vm3 =	veq.s32 v15, $0x1;
	v15 =	vadd.s32 $0x1, v14;
	vm1 =	vmand vm2, vm1  }
0xee: {  	vm3 =	vmand vm2, vm3;
	v62 =	vnsel vm1, $0x0, v15  }
0xef: {  	v15 =	vnsel vm3, $0x0, v15;
	(xrf0) =	vadd.scan.msk.s32 $0xffff, v62  }
0xf0: {  	(xrf0) =	vadd.scan.msk.s32 $0xffff, v15;
	_ =	sdelay $0x4  }
0xf1: {  	v15, _, _ =	vpop (xrf0)  }
0xf2: {  	v63, _, _ =	vpop (xrf0);
	(v2sf) =	vpush v15, $0xF  }
0xf3: {  	(v2sf) =	vpush v63, $0xF;
	_ =	sdelay $0x8  }
0xf4: {  	s11 =	simm.s32 $0x8;
	s12 =	simm.s32 $0x2  }
0xf5: {  	s13 =	sand.u32 $0x8, s11;
	s14 =	simm.s32 $0x40;
	s16 =	simm.s32 $0x0  }
0xf6: {  	s15 =	sand.u32 $0xE, s9;
	s10 =	simm.s32 $0x1;
	s16 =	sand.u32 $0xFFFFFF80, s16  }
.LBB2_7:
0xf7: {  	p1 =	sne.s32 s12, $0xFF;
	s14 =	sand.u32 $0xFFFFFF80, s14;
	s15 =	sor.u32 s15, s16  }
0xf8: {  	s14 =	sor.u32 s13, s14;
	v15 =	vadd.s32 s15, v0;
	s13 =	smov.u32 s10;
	s10 =	smov.u32 s12  }
0xf9: {  	v16 =	vor.u32 s14, v2;
	s14 =	spop (v2sf)  }
0xfa: {  	s14 =	sadd.s32 $0xFFFFFFFF, s14;
	s15 =	spop (v2sf)  }
0xfb: {  	vm1 =	veq.s32 v0, $0x0;
	s15 =	sadd.s32 $0xFFFFFFFF, s15;
	v17 =	vmov s14  }
0xfc: {  	[tilespmem:v14+s31+$0x0] =	vst.idx.add.s32.msk vm2, v3;
	v14 =	vsel vm1, s15, v17  }
0xfd: {  	[tilespmem:v15+s1+$0x0] =	vst.idx.msk $0x3, v14  }
0xfe: {  	v14 =	vld.idx.msk [tilespmem:v16+s2+$0x0], $0xffff;
	_ =	sdelay $0x7  }
0xff: {  	v15 =	vld.idx.msk [tilespmem:v14+s31+$0x0], $0xffff;
	_ =	sdelay $0x5  }
0x100: {  	vm2 =	vlt.s32 v15, v12  }
0x101: {  	vm2 =	vmand vm2, vm0  }
0x102: {  	v15 =	vsel vm2, $0x1, v1  }
0x103: {  	(xrf0) =	vadd.scan.msk.s32 $0xffff, v15;
	_ =	sdelay $0x5  }
0x104: {  	v15, _, _ =	vpop (xrf0)  }
0x105: {  	vm3 =	vle.s32 v15, v13  }
0x106: {  	vm2 =	vmand vm2, vm3  }
0x107: {  	v15 =	vsel vm2, $0x1, v1  }
0x108: {  	(xrf0) =	vadd.scan.msk.s32 $0xffff, v15;
	_ =	sdelay $0x5  }
0x109: {  	v15, _, _ =	vpop (xrf0)  }
0x10a: {  	vm3 =	veq.s32 v15, $0x2  }
0x10b: {  	vm4 =	veq.s32 v15, $0x1;
	v15 =	vadd.s32 $0x1, v14;
	vm3 =	vmand vm2, vm3  }
0x10c: {  	vm4 =	vmand vm2, vm4;
	v16 =	vnsel vm3, $0x0, v15  }
0x10d: {  	v15 =	vnsel vm4, $0x0, v15;
	(xrf0) =	vadd.scan.msk.s32 $0xffff, v16  }
0x10e: {  	(xrf0) =	vadd.scan.msk.s32 $0xffff, v15;
	_ =	sdelay $0x4  }
0x10f: {  	v15, _, _ =	vpop (xrf0)  }
0x110: {  	v16, _, _ =	vpop (xrf0);
	(v2sf) =	vpush v15, $0xF  }
0x111: {  	(v2sf) =	vpush v16, $0xF;
	_ =	sdelay $0x6  }
.Ltmp5:
0x112: {  	(pc) =	sbr.rel @p1 .LBB2_7-.Ltmp5, $4  }
0x113: {  	_ = 	snop  }
0x114: {  	s11 =	sadd.s32 $0x8, s11;
	s9 =	sadd.s32 $0x2, s9  }
0x115: {  	s16 =	sshll.u32 s13, $0x4;
	s14 =	sshll.u32 s12, $0x6;
	s15 =	sand.u32 $0xE, s9  }
0x116: {  	s13 =	sand.u32 $0x8, s11;
	s16 =	sand.u32 $0xFFFFFF80, s16;
	s12 =	sadd.s32 $0x1, s12  }
0x117: {  	s11 =	sand.u32 $0xFFFFFF80, s14;
	s12 =	sor.u32 s15, s16  }
0x118: {  	s11 =	sor.u32 s13, s11;
	v15 =	vadd.s32 s12, v0  }
0x119: {  	v16 =	vor.u32 s11, v2;
	s15 =	spop (v2sf)  }
0x11a: {  	s11 =	sadd.s32 $0xFFFFFFFF, s15;
	s16 =	spop (v2sf)  }
0x11b: {  	s12 =	sadd.s32 $0xFFFFFFFF, s16;
	v17 =	vmov s11  }
0x11c: {  	[tilespmem:v14+s31+$0x0] =	vst.idx.add.s32.msk vm2, v3;
	v14 =	vsel vm1, s12, v17  }
0x11d: {  	[tilespmem:v15+s1+$0x0] =	vst.idx.msk $0x3, v14  }
0x11e: {  	v14 =	vld.idx.msk [tilespmem:v16+s2+$0x0], $0xffff;
	_ =	sdelay $0x7  }
0x11f: {  	v15 =	vld.idx.msk [tilespmem:v14+s31+$0x0], $0xffff;
	_ =	sdelay $0x4  }
0x120: {  	vm2 =	vlt.s32 v15, v12  }
0x121: {  	vm2 =	vmand vm2, vm0  }
0x122: {  	v15 =	vsel vm2, $0x1, v1  }
0x123: {  	(xrf0) =	vadd.scan.msk.s32 $0xffff, v15;
	_ =	sdelay $0x5  }
0x124: {  	v15, _, _ =	vpop (xrf0)  }
0x125: {  	vm3 =	vle.s32 v15, v13  }
0x126: {  	vm2 =	vmand vm2, vm3  }
0x127: {  	v15 =	vsel vm2, $0x1, v1  }
0x128: {  	(xrf0) =	vadd.scan.msk.s32 $0xffff, v15;
	_ =	sdelay $0x5  }
0x129: {  	v15, _, _ =	vpop (xrf0)  }
0x12a: {  	vm3 =	veq.s32 v15, $0x2  }
0x12b: {  	vm4 =	veq.s32 v15, $0x1;
	v15 =	vadd.s32 $0x1, v14;
	vm3 =	vmand vm2, vm3  }
0x12c: {  	vm4 =	vmand vm2, vm4;
	v59 =	vnsel vm3, $0x0, v15  }
0x12d: {  	v15 =	vnsel vm4, $0x0, v15;
	(xrf0) =	vadd.scan.msk.s32 $0xffff, v59  }
0x12e: {  	(xrf0) =	vadd.scan.msk.s32 $0xffff, v15;
	_ =	sdelay $0x4  }
0x12f: {  	v15, _, _ =	vpop (xrf0)  }
0x130: {  	v60, _, _ =	vpop (xrf0);
	(v2sf) =	vpush v15, $0xF  }
0x131: {  	(v2sf) =	vpush v60, $0xF;
	_ =	sdelay $0x9  }
0x132: {  	s9 =	sadd.s32 $0x2, s9;
	s10 =	sshll.u32 s10, $0x4  }
0x133: {  	s9 =	sand.u32 $0xE, s9;
	s10 =	sand.u32 $0xFFFFFF80, s10  }
0x134: {  	s9 =	sor.u32 s9, s10  }
0x135: {  	v15 =	vadd.s32 s9, v0  }
0x136: {  	s11 =	spop (v2sf)  }
0x137: {  	s9 =	sadd.s32 $0xFFFFFFFF, s11;
	s12 =	spop (v2sf)  }
0x138: {  	s10 =	sadd.s32 $0xFFFFFFFF, s12;
	v61 =	vmov s9  }
0x139: {  	[tilespmem:v14+s31+$0x0] =	vst.idx.add.s32.msk vm2, v3;
	v14 =	vsel vm1, s10, v61  }
0x13a: {  	s14 =	simm.s32 $0x0;
	s13 =	rddreg [dreg:$0x4];
	s9 =	simm.s32 $0x0;
	[tilespmem:v15+s1+$0x0] =	vst.idx.msk $0x3, v14  }
0x13b: {  	[hbm4b:s13+s9] =	stream.linear.scatter [tilespmem:s1], [sflag:$0x4], $0x1000, $0x38;
	[tilespmem:$0x5180] =	vst v63  }
0x13c: {  	s15 =	sand.u32 $0x8, s9;
	s10 =	sand.u32 $0xFFFFFF80, s14;
	_ =	swait.ge [sflag:s30], $0x1000  }
0x13d: {  	s10 =	sor.u32 s15, s10;
	[sflag:s30] =	ssyncset.done $0x0  }
0x13e: {  	v14 =	vor.u32 s10, v2;
	s16 =	rddreg [dreg:$0x5];
	[sflag:s30] =	ssyncadd.s32 $0xFFFFF000  }
0x13f: {  	[tilespmem:s9], [sflag:$0x4] =	stream.linear.gather [hbm4b:s16+s9], $0x4000, $0x38;
	[tilespmem:$0x5180] =	vst v63  }
0x140: {  	_ =	swait.ge [sflag:s30], $0x4000  }
0x141: {  	[sflag:s30] =	ssyncset.done $0x0  }
0x142: {  	[sflag:s30] =	ssyncadd.s32 $0xFFFFC000  }
0x143: {  	v14 =	vld.idx.msk [tilespmem:v14+s2+$0x0], $0xffff;
	_ =	sdelay $0x7  }
0x144: {  	v15 =	vld.idx.msk [tilespmem:v14+s31+$0x0], $0xffff;
	_ =	sdelay $0x4  }
0x145: {  	vm1 =	vlt.s32 v15, v12  }
0x146: {  	vm1 =	vmand vm1, vm0  }
0x147: {  	v15 =	vsel vm1, $0x1, v1  }
0x148: {  	(xrf0) =	vadd.scan.msk.s32 $0xffff, v15;
	_ =	sdelay $0x5  }
0x149: {  	v15, _, _ =	vpop (xrf0)  }
0x14a: {  	vm2 =	vle.s32 v15, v13  }
0x14b: {  	vm2 =	vmand vm1, vm2  }
0x14c: {  	v15 =	vsel vm2, $0x1, v1  }
0x14d: {  	(xrf0) =	vadd.scan.msk.s32 $0xffff, v15;
	_ =	sdelay $0x5  }
0x14e: {  	v15, _, _ =	vpop (xrf0)  }
0x14f: {  	vm1 =	veq.s32 v15, $0x2  }
0x150: {  	vm3 =	veq.s32 v15, $0x1;
	v15 =	vadd.s32 $0x1, v14;
	vm1 =	vmand vm2, vm1  }
0x151: {  	vm3 =	vmand vm2, vm3;
	v62 =	vnsel vm1, $0x0, v15  }
0x152: {  	v15 =	vnsel vm3, $0x0, v15;
	(xrf0) =	vadd.scan.msk.s32 $0xffff, v62  }
0x153: {  	(xrf0) =	vadd.scan.msk.s32 $0xffff, v15;
	_ =	sdelay $0x4  }
0x154: {  	v15, _, _ =	vpop (xrf0)  }
0x155: {  	v63, _, _ =	vpop (xrf0);
	(v2sf) =	vpush v15, $0xF  }
0x156: {  	(v2sf) =	vpush v63, $0xF;
	_ =	sdelay $0x8  }
0x157: {  	s11 =	simm.s32 $0x8;
	s12 =	simm.s32 $0x2  }
0x158: {  	s14 =	simm.s32 $0x40;
	s15 =	sand.u32 $0xE, s9;
	s16 =	simm.s32 $0x0  }
0x159: {  	s10 =	simm.s32 $0x1;
	s13 =	sand.u32 $0x8, s11;
	s16 =	sand.u32 $0xFFFFFF80, s16  }
.LBB2_9:
0x15a: {  	p1 =	sne.s32 s12, $0xFF;
	s14 =	sand.u32 $0xFFFFFF80, s14;
	s15 =	sor.u32 s15, s16  }
0x15b: {  	s14 =	sor.u32 s13, s14;
	v15 =	vadd.s32 s15, v0;
	s13 =	smov.u32 s10;
	s10 =	smov.u32 s12  }
0x15c: {  	v16 =	vor.u32 s14, v2;
	s14 =	spop (v2sf)  }
0x15d: {  	s14 =	sadd.s32 $0xFFFFFFFF, s14;
	s15 =	spop (v2sf)  }
0x15e: {  	vm1 =	veq.s32 v0, $0x0;
	s15 =	sadd.s32 $0xFFFFFFFF, s15;
	v17 =	vmov s14  }
0x15f: {  	[tilespmem:v14+s31+$0x0] =	vst.idx.add.s32.msk vm2, v3;
	v14 =	vsel vm1, s15, v17  }
0x160: {  	[tilespmem:v15+s1+$0x0] =	vst.idx.msk $0x3, v14  }
0x161: {  	v14 =	vld.idx.msk [tilespmem:v16+s2+$0x0], $0xffff;
	_ =	sdelay $0x7  }
0x162: {  	v15 =	vld.idx.msk [tilespmem:v14+s31+$0x0], $0xffff;
	_ =	sdelay $0x5  }
0x163: {  	vm2 =	vlt.s32 v15, v12  }
0x164: {  	vm2 =	vmand vm2, vm0  }
0x165: {  	v15 =	vsel vm2, $0x1, v1  }
0x166: {  	(xrf0) =	vadd.scan.msk.s32 $0xffff, v15;
	_ =	sdelay $0x5  }
0x167: {  	v15, _, _ =	vpop (xrf0)  }
0x168: {  	vm3 =	vle.s32 v15, v13  }
0x169: {  	vm2 =	vmand vm2, vm3  }
0x16a: {  	v15 =	vsel vm2, $0x1, v1  }
0x16b: {  	(xrf0) =	vadd.scan.msk.s32 $0xffff, v15;
	_ =	sdelay $0x5  }
0x16c: {  	v15, _, _ =	vpop (xrf0)  }
0x16d: {  	vm3 =	veq.s32 v15, $0x2  }
0x16e: {  	vm4 =	veq.s32 v15, $0x1;
	v15 =	vadd.s32 $0x1, v14;
	vm3 =	vmand vm2, vm3  }
0x16f: {  	vm4 =	vmand vm2, vm4;
	v16 =	vnsel vm3, $0x0, v15  }
0x170: {  	v15 =	vnsel vm4, $0x0, v15;
	(xrf0) =	vadd.scan.msk.s32 $0xffff, v16  }
0x171: {  	(xrf0) =	vadd.scan.msk.s32 $0xffff, v15;
	_ =	sdelay $0x4  }
0x172: {  	v15, _, _ =	vpop (xrf0)  }
0x173: {  	v16, _, _ =	vpop (xrf0);
	(v2sf) =	vpush v15, $0xF  }
0x174: {  	(v2sf) =	vpush v16, $0xF;
	_ =	sdelay $0x6  }
.Ltmp6:
0x175: {  	(pc) =	sbr.rel @p1 .LBB2_9-.Ltmp6, $4  }
0x176: {  	_ = 	snop  }
0x177: {  	s11 =	sadd.s32 $0x8, s11;
	s9 =	sadd.s32 $0x2, s9  }
0x178: {  	s16 =	sshll.u32 s13, $0x4;
	s14 =	sshll.u32 s12, $0x6;
	s15 =	sand.u32 $0xE, s9  }
0x179: {  	s13 =	sand.u32 $0x8, s11;
	s16 =	sand.u32 $0xFFFFFF80, s16;
	s12 =	sadd.s32 $0x1, s12  }
0x17a: {  	s11 =	sand.u32 $0xFFFFFF80, s14;
	s12 =	sor.u32 s15, s16  }
0x17b: {  	s11 =	sor.u32 s13, s11;
	v15 =	vadd.s32 s12, v0  }
0x17c: {  	v16 =	vor.u32 s11, v2;
	s15 =	spop (v2sf)  }
0x17d: {  	s11 =	sadd.s32 $0xFFFFFFFF, s15;
	s16 =	spop (v2sf)  }
0x17e: {  	s12 =	sadd.s32 $0xFFFFFFFF, s16;
	v17 =	vmov s11  }
0x17f: {  	[tilespmem:v14+s31+$0x0] =	vst.idx.add.s32.msk vm2, v3;
	v14 =	vsel vm1, s12, v17  }
0x180: {  	[tilespmem:v15+s1+$0x0] =	vst.idx.msk $0x3, v14  }
0x181: {  	v14 =	vld.idx.msk [tilespmem:v16+s2+$0x0], $0xffff;
	_ =	sdelay $0x7  }
0x182: {  	v15 =	vld.idx.msk [tilespmem:v14+s31+$0x0], $0xffff;
	_ =	sdelay $0x4  }
0x183: {  	vm2 =	vlt.s32 v15, v12  }
0x184: {  	vm2 =	vmand vm2, vm0  }
0x185: {  	v15 =	vsel vm2, $0x1, v1  }
0x186: {  	(xrf0) =	vadd.scan.msk.s32 $0xffff, v15;
	_ =	sdelay $0x5  }
0x187: {  	v15, _, _ =	vpop (xrf0)  }
0x188: {  	vm3 =	vle.s32 v15, v13  }
0x189: {  	vm2 =	vmand vm2, vm3  }
0x18a: {  	v15 =	vsel vm2, $0x1, v1  }
0x18b: {  	(xrf0) =	vadd.scan.msk.s32 $0xffff, v15;
	_ =	sdelay $0x5  }
0x18c: {  	v15, _, _ =	vpop (xrf0)  }
0x18d: {  	vm3 =	veq.s32 v15, $0x2  }
0x18e: {  	vm4 =	veq.s32 v15, $0x1;
	v15 =	vadd.s32 $0x1, v14;
	vm3 =	vmand vm2, vm3  }
0x18f: {  	vm4 =	vmand vm2, vm4;
	v59 =	vnsel vm3, $0x0, v15  }
0x190: {  	v15 =	vnsel vm4, $0x0, v15;
	(xrf0) =	vadd.scan.msk.s32 $0xffff, v59  }
0x191: {  	(xrf0) =	vadd.scan.msk.s32 $0xffff, v15;
	_ =	sdelay $0x4  }
0x192: {  	v15, _, _ =	vpop (xrf0)  }
0x193: {  	v60, _, _ =	vpop (xrf0);
	(v2sf) =	vpush v15, $0xF  }
0x194: {  	(v2sf) =	vpush v60, $0xF;
	_ =	sdelay $0x9  }
0x195: {  	s9 =	sadd.s32 $0x2, s9;
	s10 =	sshll.u32 s10, $0x4  }
0x196: {  	s9 =	sand.u32 $0xE, s9;
	s10 =	sand.u32 $0xFFFFFF80, s10  }
0x197: {  	s9 =	sor.u32 s9, s10  }
0x198: {  	v15 =	vadd.s32 s9, v0  }
0x199: {  	s11 =	spop (v2sf)  }
0x19a: {  	s9 =	sadd.s32 $0xFFFFFFFF, s11;
	s12 =	spop (v2sf)  }
0x19b: {  	s10 =	sadd.s32 $0xFFFFFFFF, s12;
	v61 =	vmov s9  }
0x19c: {  	[tilespmem:v14+s31+$0x0] =	vst.idx.add.s32.msk vm2, v3;
	v14 =	vsel vm1, s10, v61  }
0x19d: {  	s14 =	simm.s32 $0x0;
	s13 =	rddreg [dreg:$0x6];
	s9 =	simm.s32 $0x0;
	[tilespmem:v15+s1+$0x0] =	vst.idx.msk $0x3, v14  }
0x19e: {  	[hbm4b:s13+s9] =	stream.linear.scatter [tilespmem:s1], [sflag:$0x4], $0x1000, $0x38;
	[tilespmem:$0x5180] =	vst v63  }
0x19f: {  	s15 =	sand.u32 $0x8, s9;
	s10 =	sand.u32 $0xFFFFFF80, s14;
	_ =	swait.ge [sflag:s30], $0x1000  }
0x1a0: {  	s10 =	sor.u32 s15, s10;
	[sflag:s30] =	ssyncset.done $0x0  }
0x1a1: {  	v14 =	vor.u32 s10, v2;
	s16 =	rddreg [dreg:$0x7];
	[sflag:s30] =	ssyncadd.s32 $0xFFFFF000  }
0x1a2: {  	[tilespmem:s9], [sflag:$0x4] =	stream.linear.gather [hbm4b:s16+s9], $0x4000, $0x38;
	[tilespmem:$0x5180] =	vst v63  }
0x1a3: {  	_ =	swait.ge [sflag:s30], $0x4000  }
0x1a4: {  	[sflag:s30] =	ssyncset.done $0x0  }
0x1a5: {  	[sflag:s30] =	ssyncadd.s32 $0xFFFFC000  }
0x1a6: {  	v14 =	vld.idx.msk [tilespmem:v14+s2+$0x0], $0xffff;
	_ =	sdelay $0x7  }
0x1a7: {  	v15 =	vld.idx.msk [tilespmem:v14+s31+$0x0], $0xffff;
	_ =	sdelay $0x4  }
0x1a8: {  	vm1 =	vlt.s32 v15, v12  }
0x1a9: {  	vm1 =	vmand vm1, vm0  }
0x1aa: {  	v15 =	vsel vm1, $0x1, v1  }
0x1ab: {  	(xrf0) =	vadd.scan.msk.s32 $0xffff, v15;
	_ =	sdelay $0x5  }
0x1ac: {  	v15, _, _ =	vpop (xrf0)  }
0x1ad: {  	vm2 =	vle.s32 v15, v13  }
0x1ae: {  	vm2 =	vmand vm1, vm2  }
0x1af: {  	v15 =	vsel vm2, $0x1, v1  }
0x1b0: {  	(xrf0) =	vadd.scan.msk.s32 $0xffff, v15;
	_ =	sdelay $0x5  }
0x1b1: {  	v15, _, _ =	vpop (xrf0)  }
0x1b2: {  	vm1 =	veq.s32 v15, $0x2  }
0x1b3: {  	vm3 =	veq.s32 v15, $0x1;
	v15 =	vadd.s32 $0x1, v14;
	vm1 =	vmand vm2, vm1  }
0x1b4: {  	vm3 =	vmand vm2, vm3;
	v62 =	vnsel vm1, $0x0, v15  }
0x1b5: {  	v15 =	vnsel vm3, $0x0, v15;
	(xrf0) =	vadd.scan.msk.s32 $0xffff, v62  }
0x1b6: {  	(xrf0) =	vadd.scan.msk.s32 $0xffff, v15;
	_ =	sdelay $0x4  }
0x1b7: {  	v15, _, _ =	vpop (xrf0)  }
0x1b8: {  	v63, _, _ =	vpop (xrf0);
	(v2sf) =	vpush v15, $0xF  }
0x1b9: {  	(v2sf) =	vpush v63, $0xF;
	_ =	sdelay $0x8  }
0x1ba: {  	s11 =	simm.s32 $0x8;
	s12 =	simm.s32 $0x2  }
0x1bb: {  	s14 =	simm.s32 $0x40;
	s15 =	sand.u32 $0xE, s9;
	s16 =	simm.s32 $0x0  }
0x1bc: {  	s10 =	simm.s32 $0x1;
	s13 =	sand.u32 $0x8, s11;
	s16 =	sand.u32 $0xFFFFFF80, s16  }
.LBB2_11:
0x1bd: {  	p1 =	sne.s32 s12, $0xFF;
	s14 =	sand.u32 $0xFFFFFF80, s14;
	s15 =	sor.u32 s15, s16  }
0x1be: {  	s14 =	sor.u32 s13, s14;
	v15 =	vadd.s32 s15, v0;
	s13 =	smov.u32 s10;
	s10 =	smov.u32 s12  }
0x1bf: {  	v16 =	vor.u32 s14, v2;
	s14 =	spop (v2sf)  }
0x1c0: {  	s14 =	sadd.s32 $0xFFFFFFFF, s14;
	s15 =	spop (v2sf)  }
0x1c1: {  	vm1 =	veq.s32 v0, $0x0;
	s15 =	sadd.s32 $0xFFFFFFFF, s15;
	v17 =	vmov s14  }
0x1c2: {  	[tilespmem:v14+s31+$0x0] =	vst.idx.add.s32.msk vm2, v3;
	v14 =	vsel vm1, s15, v17  }
0x1c3: {  	[tilespmem:v15+s1+$0x0] =	vst.idx.msk $0x3, v14  }
0x1c4: {  	v14 =	vld.idx.msk [tilespmem:v16+s2+$0x0], $0xffff;
	_ =	sdelay $0x7  }
0x1c5: {  	v15 =	vld.idx.msk [tilespmem:v14+s31+$0x0], $0xffff;
	_ =	sdelay $0x5  }
0x1c6: {  	vm2 =	vlt.s32 v15, v12  }
0x1c7: {  	vm2 =	vmand vm2, vm0  }
0x1c8: {  	v15 =	vsel vm2, $0x1, v1  }
0x1c9: {  	(xrf0) =	vadd.scan.msk.s32 $0xffff, v15;
	_ =	sdelay $0x5  }
0x1ca: {  	v15, _, _ =	vpop (xrf0)  }
0x1cb: {  	vm3 =	vle.s32 v15, v13  }
0x1cc: {  	vm2 =	vmand vm2, vm3  }
0x1cd: {  	v15 =	vsel vm2, $0x1, v1  }
0x1ce: {  	(xrf0) =	vadd.scan.msk.s32 $0xffff, v15;
	_ =	sdelay $0x5  }
0x1cf: {  	v15, _, _ =	vpop (xrf0)  }
0x1d0: {  	vm3 =	veq.s32 v15, $0x2  }
0x1d1: {  	vm4 =	veq.s32 v15, $0x1;
	v15 =	vadd.s32 $0x1, v14;
	vm3 =	vmand vm2, vm3  }
0x1d2: {  	vm4 =	vmand vm2, vm4;
	v16 =	vnsel vm3, $0x0, v15  }
0x1d3: {  	v15 =	vnsel vm4, $0x0, v15;
	(xrf0) =	vadd.scan.msk.s32 $0xffff, v16  }
0x1d4: {  	(xrf0) =	vadd.scan.msk.s32 $0xffff, v15;
	_ =	sdelay $0x4  }
0x1d5: {  	v15, _, _ =	vpop (xrf0)  }
0x1d6: {  	v16, _, _ =	vpop (xrf0);
	(v2sf) =	vpush v15, $0xF  }
0x1d7: {  	(v2sf) =	vpush v16, $0xF;
	_ =	sdelay $0x6  }
.Ltmp7:
0x1d8: {  	(pc) =	sbr.rel @p1 .LBB2_11-.Ltmp7, $4  }
0x1d9: {  	_ = 	snop  }
0x1da: {  	s11 =	sadd.s32 $0x8, s11;
	s9 =	sadd.s32 $0x2, s9  }
0x1db: {  	s16 =	sshll.u32 s13, $0x4;
	s14 =	sshll.u32 s12, $0x6;
	s15 =	sand.u32 $0xE, s9  }
0x1dc: {  	s13 =	sand.u32 $0x8, s11;
	s16 =	sand.u32 $0xFFFFFF80, s16;
	s12 =	sadd.s32 $0x1, s12  }
0x1dd: {  	s11 =	sand.u32 $0xFFFFFF80, s14;
	s12 =	sor.u32 s15, s16  }
0x1de: {  	s11 =	sor.u32 s13, s11;
	v15 =	vadd.s32 s12, v0  }
0x1df: {  	v16 =	vor.u32 s11, v2;
	s15 =	spop (v2sf)  }
0x1e0: {  	s11 =	sadd.s32 $0xFFFFFFFF, s15;
	s16 =	spop (v2sf)  }
0x1e1: {  	s12 =	sadd.s32 $0xFFFFFFFF, s16;
	v17 =	vmov s11  }
0x1e2: {  	[tilespmem:v14+s31+$0x0] =	vst.idx.add.s32.msk vm2, v3;
	v14 =	vsel vm1, s12, v17  }
0x1e3: {  	[tilespmem:v15+s1+$0x0] =	vst.idx.msk $0x3, v14  }
0x1e4: {  	v14 =	vld.idx.msk [tilespmem:v16+s2+$0x0], $0xffff;
	_ =	sdelay $0x7  }
0x1e5: {  	v15 =	vld.idx.msk [tilespmem:v14+s31+$0x0], $0xffff;
	_ =	sdelay $0x4  }
0x1e6: {  	vm2 =	vlt.s32 v15, v12  }
0x1e7: {  	vm2 =	vmand vm2, vm0  }
0x1e8: {  	v15 =	vsel vm2, $0x1, v1  }
0x1e9: {  	(xrf0) =	vadd.scan.msk.s32 $0xffff, v15;
	_ =	sdelay $0x5  }
0x1ea: {  	v15, _, _ =	vpop (xrf0)  }
0x1eb: {  	vm3 =	vle.s32 v15, v13  }
0x1ec: {  	vm2 =	vmand vm2, vm3  }
0x1ed: {  	v15 =	vsel vm2, $0x1, v1  }
0x1ee: {  	(xrf0) =	vadd.scan.msk.s32 $0xffff, v15;
	_ =	sdelay $0x5  }
0x1ef: {  	v15, _, _ =	vpop (xrf0)  }
0x1f0: {  	vm3 =	veq.s32 v15, $0x2  }
0x1f1: {  	vm4 =	veq.s32 v15, $0x1;
	v15 =	vadd.s32 $0x1, v14;
	vm3 =	vmand vm2, vm3  }
0x1f2: {  	vm4 =	vmand vm2, vm4;
	v59 =	vnsel vm3, $0x0, v15  }
0x1f3: {  	v15 =	vnsel vm4, $0x0, v15;
	(xrf0) =	vadd.scan.msk.s32 $0xffff, v59  }
0x1f4: {  	(xrf0) =	vadd.scan.msk.s32 $0xffff, v15;
	_ =	sdelay $0x4  }
0x1f5: {  	v15, _, _ =	vpop (xrf0)  }
0x1f6: {  	v60, _, _ =	vpop (xrf0);
	(v2sf) =	vpush v15, $0xF  }
0x1f7: {  	(v2sf) =	vpush v60, $0xF;
	_ =	sdelay $0x9  }
0x1f8: {  	s9 =	sadd.s32 $0x2, s9;
	s10 =	sshll.u32 s10, $0x4  }
0x1f9: {  	s9 =	sand.u32 $0xE, s9;
	s10 =	sand.u32 $0xFFFFFF80, s10  }
0x1fa: {  	s9 =	sor.u32 s9, s10  }
0x1fb: {  	v15 =	vadd.s32 s9, v0  }
0x1fc: {  	s11 =	spop (v2sf)  }
0x1fd: {  	s9 =	sadd.s32 $0xFFFFFFFF, s11;
	s12 =	spop (v2sf)  }
0x1fe: {  	s10 =	sadd.s32 $0xFFFFFFFF, s12;
	v61 =	vmov s9  }
0x1ff: {  	[tilespmem:v14+s31+$0x0] =	vst.idx.add.s32.msk vm2, v3;
	v14 =	vsel vm1, s10, v61  }
0x200: {  	s14 =	simm.s32 $0x0;
	s13 =	rddreg [dreg:$0x8];
	s9 =	simm.s32 $0x0;
	[tilespmem:v15+s1+$0x0] =	vst.idx.msk $0x3, v14  }
0x201: {  	[hbm4b:s13+s9] =	stream.linear.scatter [tilespmem:s1], [sflag:$0x4], $0x1000, $0x38;
	[tilespmem:$0x5180] =	vst v63  }
0x202: {  	s15 =	sand.u32 $0x8, s9;
	s10 =	sand.u32 $0xFFFFFF80, s14;
	_ =	swait.ge [sflag:s30], $0x1000  }
0x203: {  	s10 =	sor.u32 s15, s10;
	[sflag:s30] =	ssyncset.done $0x0  }
0x204: {  	v14 =	vor.u32 s10, v2;
	s16 =	rddreg [dreg:$0x9];
	[sflag:s30] =	ssyncadd.s32 $0xFFFFF000  }
0x205: {  	[tilespmem:s9], [sflag:$0x4] =	stream.linear.gather [hbm4b:s16+s9], $0x4000, $0x38;
	[tilespmem:$0x5180] =	vst v63  }
0x206: {  	_ =	swait.ge [sflag:s30], $0x4000  }
0x207: {  	[sflag:s30] =	ssyncset.done $0x0  }
0x208: {  	[sflag:s30] =	ssyncadd.s32 $0xFFFFC000  }
0x209: {  	v14 =	vld.idx.msk [tilespmem:v14+s2+$0x0], $0xffff;
	_ =	sdelay $0x7  }
0x20a: {  	v15 =	vld.idx.msk [tilespmem:v14+s31+$0x0], $0xffff;
	_ =	sdelay $0x4  }
0x20b: {  	vm1 =	vlt.s32 v15, v12  }
0x20c: {  	vm1 =	vmand vm1, vm0  }
0x20d: {  	v15 =	vsel vm1, $0x1, v1  }
0x20e: {  	(xrf0) =	vadd.scan.msk.s32 $0xffff, v15;
	_ =	sdelay $0x5  }
0x20f: {  	v15, _, _ =	vpop (xrf0)  }
0x210: {  	vm2 =	vle.s32 v15, v13  }
0x211: {  	vm2 =	vmand vm1, vm2  }
0x212: {  	v15 =	vsel vm2, $0x1, v1  }
0x213: {  	(xrf0) =	vadd.scan.msk.s32 $0xffff, v15;
	_ =	sdelay $0x5  }
0x214: {  	v15, _, _ =	vpop (xrf0)  }
0x215: {  	vm1 =	veq.s32 v15, $0x2  }
0x216: {  	vm3 =	veq.s32 v15, $0x1;
	v15 =	vadd.s32 $0x1, v14;
	vm1 =	vmand vm2, vm1  }
0x217: {  	vm3 =	vmand vm2, vm3;
	v62 =	vnsel vm1, $0x0, v15  }
0x218: {  	v15 =	vnsel vm3, $0x0, v15;
	(xrf0) =	vadd.scan.msk.s32 $0xffff, v62  }
0x219: {  	(xrf0) =	vadd.scan.msk.s32 $0xffff, v15;
	_ =	sdelay $0x4  }
0x21a: {  	v15, _, _ =	vpop (xrf0)  }
0x21b: {  	v63, _, _ =	vpop (xrf0);
	(v2sf) =	vpush v15, $0xF  }
0x21c: {  	(v2sf) =	vpush v63, $0xF;
	_ =	sdelay $0x8  }
0x21d: {  	s11 =	simm.s32 $0x8;
	s12 =	simm.s32 $0x2  }
0x21e: {  	s14 =	simm.s32 $0x40;
	s15 =	sand.u32 $0xE, s9;
	s16 =	simm.s32 $0x0  }
0x21f: {  	s10 =	simm.s32 $0x1;
	s13 =	sand.u32 $0x8, s11;
	s16 =	sand.u32 $0xFFFFFF80, s16  }
.LBB2_13:
0x220: {  	p1 =	sne.s32 s12, $0xFF;
	s14 =	sand.u32 $0xFFFFFF80, s14;
	s15 =	sor.u32 s15, s16  }
0x221: {  	s14 =	sor.u32 s13, s14;
	v15 =	vadd.s32 s15, v0;
	s13 =	smov.u32 s10;
	s10 =	smov.u32 s12  }
0x222: {  	v16 =	vor.u32 s14, v2;
	s14 =	spop (v2sf)  }
0x223: {  	s14 =	sadd.s32 $0xFFFFFFFF, s14;
	s15 =	spop (v2sf)  }
0x224: {  	vm1 =	veq.s32 v0, $0x0;
	s15 =	sadd.s32 $0xFFFFFFFF, s15;
	v17 =	vmov s14  }
0x225: {  	[tilespmem:v14+s31+$0x0] =	vst.idx.add.s32.msk vm2, v3;
	v14 =	vsel vm1, s15, v17  }
0x226: {  	[tilespmem:v15+s1+$0x0] =	vst.idx.msk $0x3, v14  }
0x227: {  	v14 =	vld.idx.msk [tilespmem:v16+s2+$0x0], $0xffff;
	_ =	sdelay $0x7  }
0x228: {  	v15 =	vld.idx.msk [tilespmem:v14+s31+$0x0], $0xffff;
	_ =	sdelay $0x5  }
0x229: {  	vm2 =	vlt.s32 v15, v12  }
0x22a: {  	vm2 =	vmand vm2, vm0  }
0x22b: {  	v15 =	vsel vm2, $0x1, v1  }
0x22c: {  	(xrf0) =	vadd.scan.msk.s32 $0xffff, v15;
	_ =	sdelay $0x5  }
0x22d: {  	v15, _, _ =	vpop (xrf0)  }
0x22e: {  	vm3 =	vle.s32 v15, v13  }
0x22f: {  	vm2 =	vmand vm2, vm3  }
0x230: {  	v15 =	vsel vm2, $0x1, v1  }
0x231: {  	(xrf0) =	vadd.scan.msk.s32 $0xffff, v15;
	_ =	sdelay $0x5  }
0x232: {  	v15, _, _ =	vpop (xrf0)  }
0x233: {  	vm3 =	veq.s32 v15, $0x2  }
0x234: {  	vm4 =	veq.s32 v15, $0x1;
	v15 =	vadd.s32 $0x1, v14;
	vm3 =	vmand vm2, vm3  }
0x235: {  	vm4 =	vmand vm2, vm4;
	v16 =	vnsel vm3, $0x0, v15  }
0x236: {  	v15 =	vnsel vm4, $0x0, v15;
	(xrf0) =	vadd.scan.msk.s32 $0xffff, v16  }
0x237: {  	(xrf0) =	vadd.scan.msk.s32 $0xffff, v15;
	_ =	sdelay $0x4  }
0x238: {  	v15, _, _ =	vpop (xrf0)  }
0x239: {  	v16, _, _ =	vpop (xrf0);
	(v2sf) =	vpush v15, $0xF  }
0x23a: {  	(v2sf) =	vpush v16, $0xF;
	_ =	sdelay $0x6  }
.Ltmp8:
0x23b: {  	(pc) =	sbr.rel @p1 .LBB2_13-.Ltmp8, $4  }
0x23c: {  	_ = 	snop  }
0x23d: {  	s11 =	sadd.s32 $0x8, s11;
	s9 =	sadd.s32 $0x2, s9  }
0x23e: {  	s16 =	sshll.u32 s13, $0x4;
	s14 =	sshll.u32 s12, $0x6;
	s15 =	sand.u32 $0xE, s9  }
0x23f: {  	s13 =	sand.u32 $0x8, s11;
	s16 =	sand.u32 $0xFFFFFF80, s16;
	s12 =	sadd.s32 $0x1, s12  }
0x240: {  	s11 =	sand.u32 $0xFFFFFF80, s14;
	s12 =	sor.u32 s15, s16  }
0x241: {  	s11 =	sor.u32 s13, s11;
	v15 =	vadd.s32 s12, v0  }
0x242: {  	v16 =	vor.u32 s11, v2;
	s15 =	spop (v2sf)  }
0x243: {  	s11 =	sadd.s32 $0xFFFFFFFF, s15;
	s16 =	spop (v2sf)  }
0x244: {  	s12 =	sadd.s32 $0xFFFFFFFF, s16;
	v17 =	vmov s11  }
0x245: {  	[tilespmem:v14+s31+$0x0] =	vst.idx.add.s32.msk vm2, v3;
	v14 =	vsel vm1, s12, v17  }
0x246: {  	[tilespmem:v15+s1+$0x0] =	vst.idx.msk $0x3, v14  }
0x247: {  	v14 =	vld.idx.msk [tilespmem:v16+s2+$0x0], $0xffff;
	_ =	sdelay $0x7  }
0x248: {  	v15 =	vld.idx.msk [tilespmem:v14+s31+$0x0], $0xffff;
	_ =	sdelay $0x4  }
0x249: {  	vm2 =	vlt.s32 v15, v12  }
0x24a: {  	vm2 =	vmand vm2, vm0  }
0x24b: {  	v15 =	vsel vm2, $0x1, v1  }
0x24c: {  	(xrf0) =	vadd.scan.msk.s32 $0xffff, v15;
	_ =	sdelay $0x5  }
0x24d: {  	v15, _, _ =	vpop (xrf0)  }
0x24e: {  	vm3 =	vle.s32 v15, v13  }
0x24f: {  	vm2 =	vmand vm2, vm3  }
0x250: {  	v15 =	vsel vm2, $0x1, v1  }
0x251: {  	(xrf0) =	vadd.scan.msk.s32 $0xffff, v15;
	_ =	sdelay $0x5  }
0x252: {  	v15, _, _ =	vpop (xrf0)  }
0x253: {  	vm3 =	veq.s32 v15, $0x2  }
0x254: {  	vm4 =	veq.s32 v15, $0x1;
	v15 =	vadd.s32 $0x1, v14;
	vm3 =	vmand vm2, vm3  }
0x255: {  	vm4 =	vmand vm2, vm4;
	v59 =	vnsel vm3, $0x0, v15  }
0x256: {  	v15 =	vnsel vm4, $0x0, v15;
	(xrf0) =	vadd.scan.msk.s32 $0xffff, v59  }
0x257: {  	(xrf0) =	vadd.scan.msk.s32 $0xffff, v15;
	_ =	sdelay $0x4  }
0x258: {  	v15, _, _ =	vpop (xrf0)  }
0x259: {  	v60, _, _ =	vpop (xrf0);
	(v2sf) =	vpush v15, $0xF  }
0x25a: {  	(v2sf) =	vpush v60, $0xF;
	_ =	sdelay $0x9  }
0x25b: {  	s9 =	sadd.s32 $0x2, s9;
	s10 =	sshll.u32 s10, $0x4  }
0x25c: {  	s9 =	sand.u32 $0xE, s9;
	s10 =	sand.u32 $0xFFFFFF80, s10  }
0x25d: {  	s9 =	sor.u32 s9, s10  }
0x25e: {  	v15 =	vadd.s32 s9, v0  }
0x25f: {  	s12 =	spop (v2sf)  }
0x260: {  	s9 =	sadd.s32 $0xFFFFFFFF, s12;
	s13 =	spop (v2sf)  }
0x261: {  	s10 =	sadd.s32 $0xFFFFFFFF, s13;
	v61 =	vmov s9  }
0x262: {  	[tilespmem:v14+s31+$0x0] =	vst.idx.add.s32.msk vm2, v3;
	v14 =	vsel vm1, s10, v61  }
0x263: {  	s14 =	rddreg [dreg:$0xa];
	s15 =	simm.s32 $0x0;
	s9 =	simm.s32 $0x0;
	[tilespmem:v15+s1+$0x0] =	vst.idx.msk $0x3, v14  }
0x264: {  	[hbm4b:s14+s9] =	stream.linear.scatter [tilespmem:s1], [sflag:$0x4], $0x1000, $0x38;
	[tilespmem:$0x5180] =	vst v63  }
0x265: {  	s16 =	sand.u32 $0x8, s9;
	s10 =	sand.u32 $0xFFFFFF80, s15;
	_ =	swait.ge [sflag:s30], $0x1000  }
0x266: {  	s10 =	sor.u32 s16, s10;
	[sflag:s30] =	ssyncset.done $0x0  }
0x267: {  	v14 =	vor.u32 s10, v2;
	[sflag:s30] =	ssyncadd.s32 $0xFFFFF000  }
0x268: {  	[tilespmem:s9], [sflag:$0x4] =	stream.linear.gather [hbm4b:s17+s9], $0x4000, $0x38;
	[tilespmem:$0x5180] =	vst v63  }
0x269: {  	_ =	swait.ge [sflag:s30], $0x4000  }
0x26a: {  	[sflag:s30] =	ssyncset.done $0x0  }
0x26b: {  	[sflag:s30] =	ssyncadd.s32 $0xFFFFC000  }
0x26c: {  	v14 =	vld.idx.msk [tilespmem:v14+s2+$0x0], $0xffff;
	_ =	sdelay $0x7  }
0x26d: {  	v15 =	vld.idx.msk [tilespmem:v14+s31+$0x0], $0xffff;
	_ =	sdelay $0x4  }
0x26e: {  	vm1 =	vlt.s32 v15, v12  }
0x26f: {  	vm1 =	vmand vm1, vm0  }
0x270: {  	v15 =	vsel vm1, $0x1, v1  }
0x271: {  	(xrf0) =	vadd.scan.msk.s32 $0xffff, v15;
	_ =	sdelay $0x5  }
0x272: {  	v15, _, _ =	vpop (xrf0)  }
0x273: {  	vm2 =	vle.s32 v15, v13  }
0x274: {  	vm2 =	vmand vm1, vm2  }
0x275: {  	v15 =	vsel vm2, $0x1, v1  }
0x276: {  	(xrf0) =	vadd.scan.msk.s32 $0xffff, v15;
	_ =	sdelay $0x5  }
0x277: {  	v15, _, _ =	vpop (xrf0)  }
0x278: {  	vm1 =	veq.s32 v15, $0x2  }
0x279: {  	vm3 =	veq.s32 v15, $0x1;
	v15 =	vadd.s32 $0x1, v14;
	vm1 =	vmand vm2, vm1  }
0x27a: {  	vm3 =	vmand vm2, vm3;
	v62 =	vnsel vm1, $0x0, v15  }
0x27b: {  	v15 =	vnsel vm3, $0x0, v15;
	(xrf0) =	vadd.scan.msk.s32 $0xffff, v62  }
0x27c: {  	(xrf0) =	vadd.scan.msk.s32 $0xffff, v15;
	_ =	sdelay $0x4  }
0x27d: {  	v15, _, _ =	vpop (xrf0)  }
0x27e: {  	v63, _, _ =	vpop (xrf0);
	(v2sf) =	vpush v15, $0xF  }
0x27f: {  	(v2sf) =	vpush v63, $0xF;
	_ =	sdelay $0x8  }
0x280: {  	s11 =	simm.s32 $0x8;
	s12 =	simm.s32 $0x2  }
0x281: {  	s13 =	sand.u32 $0x8, s11;
	s15 =	sand.u32 $0xE, s9;
	s16 =	simm.s32 $0x0  }
0x282: {  	s10 =	simm.s32 $0x1;
	s14 =	simm.s32 $0x40;
	s16 =	sand.u32 $0xFFFFFF80, s16  }
.LBB2_15:
0x283: {  	p1 =	sne.s32 s12, $0xFF;
	s14 =	sand.u32 $0xFFFFFF80, s14;
	s15 =	sor.u32 s15, s16  }
0x284: {  	s14 =	sor.u32 s13, s14;
	v15 =	vadd.s32 s15, v0;
	s13 =	smov.u32 s10;
	s10 =	smov.u32 s12  }
0x285: {  	v16 =	vor.u32 s14, v2;
	s14 =	spop (v2sf)  }
0x286: {  	s14 =	sadd.s32 $0xFFFFFFFF, s14;
	s15 =	spop (v2sf)  }
0x287: {  	vm1 =	veq.s32 v0, $0x0;
	s15 =	sadd.s32 $0xFFFFFFFF, s15;
	v17 =	vmov s14  }
0x288: {  	[tilespmem:v14+s31+$0x0] =	vst.idx.add.s32.msk vm2, v3;
	v14 =	vsel vm1, s15, v17  }
0x289: {  	[tilespmem:v15+s1+$0x0] =	vst.idx.msk $0x3, v14  }
0x28a: {  	v14 =	vld.idx.msk [tilespmem:v16+s2+$0x0], $0xffff;
	_ =	sdelay $0x7  }
0x28b: {  	v15 =	vld.idx.msk [tilespmem:v14+s31+$0x0], $0xffff;
	_ =	sdelay $0x5  }
0x28c: {  	vm2 =	vlt.s32 v15, v12  }
0x28d: {  	vm2 =	vmand vm2, vm0  }
0x28e: {  	v15 =	vsel vm2, $0x1, v1  }
0x28f: {  	(xrf0) =	vadd.scan.msk.s32 $0xffff, v15;
	_ =	sdelay $0x5  }
0x290: {  	v15, _, _ =	vpop (xrf0)  }
0x291: {  	vm3 =	vle.s32 v15, v13  }
0x292: {  	vm2 =	vmand vm2, vm3  }
0x293: {  	v15 =	vsel vm2, $0x1, v1  }
0x294: {  	(xrf0) =	vadd.scan.msk.s32 $0xffff, v15;
	_ =	sdelay $0x5  }
0x295: {  	v15, _, _ =	vpop (xrf0)  }
0x296: {  	vm3 =	veq.s32 v15, $0x2  }
0x297: {  	vm4 =	veq.s32 v15, $0x1;
	v15 =	vadd.s32 $0x1, v14;
	vm3 =	vmand vm2, vm3  }
0x298: {  	vm4 =	vmand vm2, vm4;
	v16 =	vnsel vm3, $0x0, v15  }
0x299: {  	v15 =	vnsel vm4, $0x0, v15;
	(xrf0) =	vadd.scan.msk.s32 $0xffff, v16  }
0x29a: {  	(xrf0) =	vadd.scan.msk.s32 $0xffff, v15;
	_ =	sdelay $0x4  }
0x29b: {  	v15, _, _ =	vpop (xrf0)  }
0x29c: {  	v16, _, _ =	vpop (xrf0);
	(v2sf) =	vpush v15, $0xF  }
0x29d: {  	(v2sf) =	vpush v16, $0xF;
	_ =	sdelay $0x6  }
.Ltmp9:
0x29e: {  	(pc) =	sbr.rel @p1 .LBB2_15-.Ltmp9, $4  }
0x29f: {  	_ = 	snop  }
0x2a0: {  	s11 =	sadd.s32 $0x8, s11;
	s9 =	sadd.s32 $0x2, s9  }
0x2a1: {  	s16 =	sshll.u32 s13, $0x4;
	s14 =	sshll.u32 s12, $0x6;
	s15 =	sand.u32 $0xE, s9  }
0x2a2: {  	s13 =	sand.u32 $0x8, s11;
	s16 =	sand.u32 $0xFFFFFF80, s16;
	s12 =	sadd.s32 $0x1, s12  }
0x2a3: {  	s11 =	sand.u32 $0xFFFFFF80, s14;
	s12 =	sor.u32 s15, s16  }
0x2a4: {  	s11 =	sor.u32 s13, s11;
	v15 =	vadd.s32 s12, v0  }
0x2a5: {  	v16 =	vor.u32 s11, v2;
	s15 =	spop (v2sf)  }
0x2a6: {  	s11 =	sadd.s32 $0xFFFFFFFF, s15;
	s16 =	spop (v2sf)  }
0x2a7: {  	s12 =	sadd.s32 $0xFFFFFFFF, s16;
	v17 =	vmov s11  }
0x2a8: {  	[tilespmem:v14+s31+$0x0] =	vst.idx.add.s32.msk vm2, v3;
	v14 =	vsel vm1, s12, v17  }
0x2a9: {  	[tilespmem:v15+s1+$0x0] =	vst.idx.msk $0x3, v14  }
0x2aa: {  	v14 =	vld.idx.msk [tilespmem:v16+s2+$0x0], $0xffff;
	_ =	sdelay $0x7  }
0x2ab: {  	v15 =	vld.idx.msk [tilespmem:v14+s31+$0x0], $0xffff;
	_ =	sdelay $0x4  }
0x2ac: {  	vm2 =	vlt.s32 v15, v12  }
0x2ad: {  	vm2 =	vmand vm2, vm0  }
0x2ae: {  	v15 =	vsel vm2, $0x1, v1  }
0x2af: {  	(xrf0) =	vadd.scan.msk.s32 $0xffff, v15;
	_ =	sdelay $0x5  }
0x2b0: {  	v15, _, _ =	vpop (xrf0)  }
0x2b1: {  	vm3 =	vle.s32 v15, v13  }
0x2b2: {  	vm2 =	vmand vm2, vm3  }
0x2b3: {  	v15 =	vsel vm2, $0x1, v1  }
0x2b4: {  	(xrf0) =	vadd.scan.msk.s32 $0xffff, v15;
	_ =	sdelay $0x5  }
0x2b5: {  	v15, _, _ =	vpop (xrf0)  }
0x2b6: {  	vm3 =	veq.s32 v15, $0x2  }
0x2b7: {  	vm4 =	veq.s32 v15, $0x1;
	v15 =	vadd.s32 $0x1, v14;
	vm3 =	vmand vm2, vm3  }
0x2b8: {  	vm4 =	vmand vm2, vm4;
	v59 =	vnsel vm3, $0x0, v15  }
0x2b9: {  	v15 =	vnsel vm4, $0x0, v15;
	(xrf0) =	vadd.scan.msk.s32 $0xffff, v59  }
0x2ba: {  	(xrf0) =	vadd.scan.msk.s32 $0xffff, v15;
	_ =	sdelay $0x4  }
0x2bb: {  	v15, _, _ =	vpop (xrf0)  }
0x2bc: {  	v60, _, _ =	vpop (xrf0);
	(v2sf) =	vpush v15, $0xF  }
0x2bd: {  	(v2sf) =	vpush v60, $0xF;
	_ =	sdelay $0x9  }
0x2be: {  	s9 =	sadd.s32 $0x2, s9;
	s10 =	sshll.u32 s10, $0x4  }
0x2bf: {  	s9 =	sand.u32 $0xE, s9;
	s10 =	sand.u32 $0xFFFFFF80, s10  }
0x2c0: {  	s9 =	sor.u32 s9, s10  }
0x2c1: {  	v15 =	vadd.s32 s9, v0  }
0x2c2: {  	s13 =	spop (v2sf)  }
0x2c3: {  	s9 =	sadd.s32 $0xFFFFFFFF, s13;
	s14 =	spop (v2sf)  }
0x2c4: {  	s10 =	sadd.s32 $0xFFFFFFFF, s14;
	v61 =	vmov s9  }
0x2c5: {  	[tilespmem:v14+s31+$0x0] =	vst.idx.add.s32.msk vm2, v3;
	v14 =	vsel vm1, s10, v61  }
0x2c6: {  	s15 =	simm.s32 $0x0;
	s9 =	simm.s32 $0x0;
	[tilespmem:v15+s1+$0x0] =	vst.idx.msk $0x3, v14  }
0x2c7: {  	[hbm4b:s18+s9] =	stream.linear.scatter [tilespmem:s1], [sflag:$0x4], $0x1000, $0x38;
	[tilespmem:$0x5180] =	vst v63  }
0x2c8: {  	s16 =	sand.u32 $0x8, s9;
	s10 =	sand.u32 $0xFFFFFF80, s15;
	_ =	swait.ge [sflag:s30], $0x1000  }
0x2c9: {  	s10 =	sor.u32 s16, s10;
	[sflag:s30] =	ssyncset.done $0x0  }
0x2ca: {  	v14 =	vor.u32 s10, v2;
	[sflag:s30] =	ssyncadd.s32 $0xFFFFF000  }
0x2cb: {  	[tilespmem:s9], [sflag:$0x4] =	stream.linear.gather [hbm4b:s19+s9], $0x4000, $0x38;
	[tilespmem:$0x5180] =	vst v63  }
0x2cc: {  	_ =	swait.ge [sflag:s30], $0x4000  }
0x2cd: {  	[sflag:s30] =	ssyncset.done $0x0  }
0x2ce: {  	[sflag:s30] =	ssyncadd.s32 $0xFFFFC000  }
0x2cf: {  	v14 =	vld.idx.msk [tilespmem:v14+s2+$0x0], $0xffff;
	_ =	sdelay $0x7  }
0x2d0: {  	v15 =	vld.idx.msk [tilespmem:v14+s31+$0x0], $0xffff;
	_ =	sdelay $0x4  }
0x2d1: {  	vm1 =	vlt.s32 v15, v12  }
0x2d2: {  	vm1 =	vmand vm1, vm0  }
0x2d3: {  	v15 =	vsel vm1, $0x1, v1  }
0x2d4: {  	(xrf0) =	vadd.scan.msk.s32 $0xffff, v15;
	_ =	sdelay $0x5  }
0x2d5: {  	v15, _, _ =	vpop (xrf0)  }
0x2d6: {  	vm2 =	vle.s32 v15, v13  }
0x2d7: {  	vm2 =	vmand vm1, vm2  }
0x2d8: {  	v15 =	vsel vm2, $0x1, v1  }
0x2d9: {  	(xrf0) =	vadd.scan.msk.s32 $0xffff, v15;
	_ =	sdelay $0x5  }
0x2da: {  	v15, _, _ =	vpop (xrf0)  }
0x2db: {  	vm1 =	veq.s32 v15, $0x2  }
0x2dc: {  	vm3 =	veq.s32 v15, $0x1;
	v15 =	vadd.s32 $0x1, v14;
	vm1 =	vmand vm2, vm1  }
0x2dd: {  	vm3 =	vmand vm2, vm3;
	v62 =	vnsel vm1, $0x0, v15  }
0x2de: {  	v15 =	vnsel vm3, $0x0, v15;
	(xrf0) =	vadd.scan.msk.s32 $0xffff, v62  }
0x2df: {  	(xrf0) =	vadd.scan.msk.s32 $0xffff, v15;
	_ =	sdelay $0x4  }
0x2e0: {  	v15, _, _ =	vpop (xrf0)  }
0x2e1: {  	v63, _, _ =	vpop (xrf0);
	(v2sf) =	vpush v15, $0xF  }
0x2e2: {  	(v2sf) =	vpush v63, $0xF;
	_ =	sdelay $0x8  }
0x2e3: {  	s11 =	simm.s32 $0x8;
	s12 =	simm.s32 $0x2  }
0x2e4: {  	s13 =	sand.u32 $0x8, s11;
	s14 =	simm.s32 $0x40;
	s16 =	simm.s32 $0x0  }
0x2e5: {  	s15 =	sand.u32 $0xE, s9;
	s10 =	simm.s32 $0x1;
	s16 =	sand.u32 $0xFFFFFF80, s16  }
.LBB2_17:
0x2e6: {  	p1 =	sne.s32 s12, $0xFF;
	s14 =	sand.u32 $0xFFFFFF80, s14;
	s15 =	sor.u32 s15, s16  }
0x2e7: {  	s14 =	sor.u32 s13, s14;
	v15 =	vadd.s32 s15, v0;
	s13 =	smov.u32 s10;
	s10 =	smov.u32 s12  }
0x2e8: {  	v16 =	vor.u32 s14, v2;
	s14 =	spop (v2sf)  }
0x2e9: {  	s14 =	sadd.s32 $0xFFFFFFFF, s14;
	s15 =	spop (v2sf)  }
0x2ea: {  	vm1 =	veq.s32 v0, $0x0;
	s15 =	sadd.s32 $0xFFFFFFFF, s15;
	v17 =	vmov s14  }
0x2eb: {  	[tilespmem:v14+s31+$0x0] =	vst.idx.add.s32.msk vm2, v3;
	v14 =	vsel vm1, s15, v17  }
0x2ec: {  	[tilespmem:v15+s1+$0x0] =	vst.idx.msk $0x3, v14  }
0x2ed: {  	v14 =	vld.idx.msk [tilespmem:v16+s2+$0x0], $0xffff;
	_ =	sdelay $0x7  }
0x2ee: {  	v15 =	vld.idx.msk [tilespmem:v14+s31+$0x0], $0xffff;
	_ =	sdelay $0x5  }
0x2ef: {  	vm2 =	vlt.s32 v15, v12  }
0x2f0: {  	vm2 =	vmand vm2, vm0  }
0x2f1: {  	v15 =	vsel vm2, $0x1, v1  }
0x2f2: {  	(xrf0) =	vadd.scan.msk.s32 $0xffff, v15;
	_ =	sdelay $0x5  }
0x2f3: {  	v15, _, _ =	vpop (xrf0)  }
0x2f4: {  	vm3 =	vle.s32 v15, v13  }
0x2f5: {  	vm2 =	vmand vm2, vm3  }
0x2f6: {  	v15 =	vsel vm2, $0x1, v1  }
0x2f7: {  	(xrf0) =	vadd.scan.msk.s32 $0xffff, v15;
	_ =	sdelay $0x5  }
0x2f8: {  	v15, _, _ =	vpop (xrf0)  }
0x2f9: {  	vm3 =	veq.s32 v15, $0x2  }
0x2fa: {  	vm4 =	veq.s32 v15, $0x1;
	v15 =	vadd.s32 $0x1, v14;
	vm3 =	vmand vm2, vm3  }
0x2fb: {  	vm4 =	vmand vm2, vm4;
	v16 =	vnsel vm3, $0x0, v15  }
0x2fc: {  	v15 =	vnsel vm4, $0x0, v15;
	(xrf0) =	vadd.scan.msk.s32 $0xffff, v16  }
0x2fd: {  	(xrf0) =	vadd.scan.msk.s32 $0xffff, v15;
	_ =	sdelay $0x4  }
0x2fe: {  	v15, _, _ =	vpop (xrf0)  }
0x2ff: {  	v16, _, _ =	vpop (xrf0);
	(v2sf) =	vpush v15, $0xF  }
0x300: {  	(v2sf) =	vpush v16, $0xF;
	_ =	sdelay $0x6  }
.Ltmp10:
0x301: {  	(pc) =	sbr.rel @p1 .LBB2_17-.Ltmp10, $4  }
0x302: {  	_ = 	snop  }
0x303: {  	s11 =	sadd.s32 $0x8, s11;
	s9 =	sadd.s32 $0x2, s9  }
0x304: {  	s16 =	sshll.u32 s13, $0x4;
	s14 =	sshll.u32 s12, $0x6;
	s15 =	sand.u32 $0xE, s9  }
0x305: {  	s13 =	sand.u32 $0x8, s11;
	s16 =	sand.u32 $0xFFFFFF80, s16;
	s12 =	sadd.s32 $0x1, s12  }
0x306: {  	s11 =	sand.u32 $0xFFFFFF80, s14;
	s12 =	sor.u32 s15, s16  }
0x307: {  	s11 =	sor.u32 s13, s11;
	v15 =	vadd.s32 s12, v0  }
0x308: {  	v16 =	vor.u32 s11, v2;
	s15 =	spop (v2sf)  }
0x309: {  	s11 =	sadd.s32 $0xFFFFFFFF, s15;
	s16 =	spop (v2sf)  }
0x30a: {  	s12 =	sadd.s32 $0xFFFFFFFF, s16;
	v17 =	vmov s11  }
0x30b: {  	[tilespmem:v14+s31+$0x0] =	vst.idx.add.s32.msk vm2, v3;
	v14 =	vsel vm1, s12, v17  }
0x30c: {  	[tilespmem:v15+s1+$0x0] =	vst.idx.msk $0x3, v14  }
0x30d: {  	v14 =	vld.idx.msk [tilespmem:v16+s2+$0x0], $0xffff;
	_ =	sdelay $0x7  }
0x30e: {  	v15 =	vld.idx.msk [tilespmem:v14+s31+$0x0], $0xffff;
	_ =	sdelay $0x4  }
0x30f: {  	vm2 =	vlt.s32 v15, v12  }
0x310: {  	vm2 =	vmand vm2, vm0  }
0x311: {  	v15 =	vsel vm2, $0x1, v1  }
0x312: {  	(xrf0) =	vadd.scan.msk.s32 $0xffff, v15;
	_ =	sdelay $0x5  }
0x313: {  	v15, _, _ =	vpop (xrf0)  }
0x314: {  	vm3 =	vle.s32 v15, v13  }
0x315: {  	vm2 =	vmand vm2, vm3  }
0x316: {  	v15 =	vsel vm2, $0x1, v1  }
0x317: {  	(xrf0) =	vadd.scan.msk.s32 $0xffff, v15;
	_ =	sdelay $0x5  }
0x318: {  	v15, _, _ =	vpop (xrf0)  }
0x319: {  	vm3 =	veq.s32 v15, $0x2  }
0x31a: {  	vm4 =	veq.s32 v15, $0x1;
	v15 =	vadd.s32 $0x1, v14;
	vm3 =	vmand vm2, vm3  }
0x31b: {  	vm4 =	vmand vm2, vm4;
	v59 =	vnsel vm3, $0x0, v15  }
0x31c: {  	v15 =	vnsel vm4, $0x0, v15;
	(xrf0) =	vadd.scan.msk.s32 $0xffff, v59  }
0x31d: {  	(xrf0) =	vadd.scan.msk.s32 $0xffff, v15;
	_ =	sdelay $0x4  }
0x31e: {  	v15, _, _ =	vpop (xrf0)  }
0x31f: {  	v60, _, _ =	vpop (xrf0);
	(v2sf) =	vpush v15, $0xF  }
0x320: {  	(v2sf) =	vpush v60, $0xF;
	_ =	sdelay $0x9  }
0x321: {  	s9 =	sadd.s32 $0x2, s9;
	s10 =	sshll.u32 s10, $0x4  }
0x322: {  	s9 =	sand.u32 $0xE, s9;
	s10 =	sand.u32 $0xFFFFFF80, s10  }
0x323: {  	s9 =	sor.u32 s9, s10  }
0x324: {  	v15 =	vadd.s32 s9, v0  }
0x325: {  	s13 =	spop (v2sf)  }
0x326: {  	s9 =	sadd.s32 $0xFFFFFFFF, s13;
	s14 =	spop (v2sf)  }
0x327: {  	s10 =	sadd.s32 $0xFFFFFFFF, s14;
	v61 =	vmov s9  }
0x328: {  	[tilespmem:v14+s31+$0x0] =	vst.idx.add.s32.msk vm2, v3;
	v14 =	vsel vm1, s10, v61  }
0x329: {  	s15 =	simm.s32 $0x0;
	s9 =	simm.s32 $0x0;
	[tilespmem:v15+s1+$0x0] =	vst.idx.msk $0x3, v14  }
0x32a: {  	[hbm4b:s20+s9] =	stream.linear.scatter [tilespmem:s1], [sflag:$0x4], $0x1000, $0x38;
	[tilespmem:$0x5180] =	vst v63  }
0x32b: {  	s16 =	sand.u32 $0x8, s9;
	s10 =	sand.u32 $0xFFFFFF80, s15;
	_ =	swait.ge [sflag:s30], $0x1000  }
0x32c: {  	s10 =	sor.u32 s16, s10;
	[sflag:s30] =	ssyncset.done $0x0  }
0x32d: {  	v14 =	vor.u32 s10, v2;
	[sflag:s30] =	ssyncadd.s32 $0xFFFFF000  }
0x32e: {  	[tilespmem:s9], [sflag:$0x4] =	stream.linear.gather [hbm4b:s21+s9], $0x4000, $0x38;
	[tilespmem:$0x5180] =	vst v63  }
0x32f: {  	_ =	swait.ge [sflag:s30], $0x4000  }
0x330: {  	[sflag:s30] =	ssyncset.done $0x0  }
0x331: {  	[sflag:s30] =	ssyncadd.s32 $0xFFFFC000  }
0x332: {  	v14 =	vld.idx.msk [tilespmem:v14+s2+$0x0], $0xffff;
	_ =	sdelay $0x7  }
0x333: {  	v15 =	vld.idx.msk [tilespmem:v14+s31+$0x0], $0xffff;
	_ =	sdelay $0x4  }
0x334: {  	vm1 =	vlt.s32 v15, v12  }
0x335: {  	vm1 =	vmand vm1, vm0  }
0x336: {  	v15 =	vsel vm1, $0x1, v1  }
0x337: {  	(xrf0) =	vadd.scan.msk.s32 $0xffff, v15;
	_ =	sdelay $0x5  }
0x338: {  	v15, _, _ =	vpop (xrf0)  }
0x339: {  	vm2 =	vle.s32 v15, v13  }
0x33a: {  	vm2 =	vmand vm1, vm2  }
0x33b: {  	v15 =	vsel vm2, $0x1, v1  }
0x33c: {  	(xrf0) =	vadd.scan.msk.s32 $0xffff, v15;
	_ =	sdelay $0x5  }
0x33d: {  	v15, _, _ =	vpop (xrf0)  }
0x33e: {  	vm1 =	veq.s32 v15, $0x2  }
0x33f: {  	vm3 =	veq.s32 v15, $0x1;
	v15 =	vadd.s32 $0x1, v14;
	vm1 =	vmand vm2, vm1  }
0x340: {  	vm3 =	vmand vm2, vm3;
	v62 =	vnsel vm1, $0x0, v15  }
0x341: {  	v15 =	vnsel vm3, $0x0, v15;
	(xrf0) =	vadd.scan.msk.s32 $0xffff, v62  }
0x342: {  	(xrf0) =	vadd.scan.msk.s32 $0xffff, v15;
	_ =	sdelay $0x4  }
0x343: {  	v15, _, _ =	vpop (xrf0)  }
0x344: {  	v63, _, _ =	vpop (xrf0);
	(v2sf) =	vpush v15, $0xF  }
0x345: {  	(v2sf) =	vpush v63, $0xF;
	_ =	sdelay $0x8  }
0x346: {  	s11 =	simm.s32 $0x8;
	s12 =	simm.s32 $0x2  }
0x347: {  	s13 =	sand.u32 $0x8, s11;
	s14 =	simm.s32 $0x40;
	s16 =	simm.s32 $0x0  }
0x348: {  	s15 =	sand.u32 $0xE, s9;
	s10 =	simm.s32 $0x1;
	s16 =	sand.u32 $0xFFFFFF80, s16  }
.LBB2_19:
0x349: {  	p1 =	sne.s32 s12, $0xFF;
	s14 =	sand.u32 $0xFFFFFF80, s14;
	s15 =	sor.u32 s15, s16  }
0x34a: {  	s14 =	sor.u32 s13, s14;
	v15 =	vadd.s32 s15, v0;
	s13 =	smov.u32 s10;
	s10 =	smov.u32 s12  }
0x34b: {  	v16 =	vor.u32 s14, v2;
	s14 =	spop (v2sf)  }
0x34c: {  	s14 =	sadd.s32 $0xFFFFFFFF, s14;
	s15 =	spop (v2sf)  }
0x34d: {  	vm1 =	veq.s32 v0, $0x0;
	s15 =	sadd.s32 $0xFFFFFFFF, s15;
	v17 =	vmov s14  }
0x34e: {  	[tilespmem:v14+s31+$0x0] =	vst.idx.add.s32.msk vm2, v3;
	v14 =	vsel vm1, s15, v17  }
0x34f: {  	[tilespmem:v15+s1+$0x0] =	vst.idx.msk $0x3, v14  }
0x350: {  	v14 =	vld.idx.msk [tilespmem:v16+s2+$0x0], $0xffff;
	_ =	sdelay $0x7  }
0x351: {  	v15 =	vld.idx.msk [tilespmem:v14+s31+$0x0], $0xffff;
	_ =	sdelay $0x5  }
0x352: {  	vm2 =	vlt.s32 v15, v12  }
0x353: {  	vm2 =	vmand vm2, vm0  }
0x354: {  	v15 =	vsel vm2, $0x1, v1  }
0x355: {  	(xrf0) =	vadd.scan.msk.s32 $0xffff, v15;
	_ =	sdelay $0x5  }
0x356: {  	v15, _, _ =	vpop (xrf0)  }
0x357: {  	vm3 =	vle.s32 v15, v13  }
0x358: {  	vm2 =	vmand vm2, vm3  }
0x359: {  	v15 =	vsel vm2, $0x1, v1  }
0x35a: {  	(xrf0) =	vadd.scan.msk.s32 $0xffff, v15;
	_ =	sdelay $0x5  }
0x35b: {  	v15, _, _ =	vpop (xrf0)  }
0x35c: {  	vm3 =	veq.s32 v15, $0x2  }
0x35d: {  	vm4 =	veq.s32 v15, $0x1;
	v15 =	vadd.s32 $0x1, v14;
	vm3 =	vmand vm2, vm3  }
0x35e: {  	vm4 =	vmand vm2, vm4;
	v16 =	vnsel vm3, $0x0, v15  }
0x35f: {  	v15 =	vnsel vm4, $0x0, v15;
	(xrf0) =	vadd.scan.msk.s32 $0xffff, v16  }
0x360: {  	(xrf0) =	vadd.scan.msk.s32 $0xffff, v15;
	_ =	sdelay $0x4  }
0x361: {  	v15, _, _ =	vpop (xrf0)  }
0x362: {  	v16, _, _ =	vpop (xrf0);
	(v2sf) =	vpush v15, $0xF  }
0x363: {  	(v2sf) =	vpush v16, $0xF;
	_ =	sdelay $0x6  }
.Ltmp11:
0x364: {  	(pc) =	sbr.rel @p1 .LBB2_19-.Ltmp11, $4  }
0x365: {  	_ = 	snop  }
0x366: {  	s11 =	sadd.s32 $0x8, s11;
	s9 =	sadd.s32 $0x2, s9  }
0x367: {  	s16 =	sshll.u32 s13, $0x4;
	s14 =	sshll.u32 s12, $0x6;
	s15 =	sand.u32 $0xE, s9  }
0x368: {  	s13 =	sand.u32 $0x8, s11;
	s16 =	sand.u32 $0xFFFFFF80, s16;
	s12 =	sadd.s32 $0x1, s12  }
0x369: {  	s11 =	sand.u32 $0xFFFFFF80, s14;
	s12 =	sor.u32 s15, s16  }
0x36a: {  	s11 =	sor.u32 s13, s11;
	v15 =	vadd.s32 s12, v0  }
0x36b: {  	v16 =	vor.u32 s11, v2;
	s13 =	spop (v2sf)  }
0x36c: {  	s11 =	sadd.s32 $0xFFFFFFFF, s13;
	s14 =	spop (v2sf)  }
0x36d: {  	s12 =	sadd.s32 $0xFFFFFFFF, s14;
	v17 =	vmov s11  }
0x36e: {  	[tilespmem:v14+s31+$0x0] =	vst.idx.add.s32.msk vm2, v3;
	v55 =	vsel vm1, s12, v17  }
0x36f: {  	[tilespmem:v15+s1+$0x0] =	vst.idx.msk $0x3, v55  }
0x370: {  	v14 =	vld.idx.msk [tilespmem:v16+s2+$0x0], $0xffff;
	_ =	sdelay $0x7  }
0x371: {  	v15 =	vld.idx.msk [tilespmem:v14+s31+$0x0], $0xffff;
	_ =	sdelay $0x4  }
0x372: {  	vm2 =	vlt.s32 v15, v12  }
0x373: {  	vm2 =	vmand vm2, vm0  }
0x374: {  	v56 =	vsel vm2, $0x1, v1  }
0x375: {  	(xrf0) =	vadd.scan.msk.s32 $0xffff, v56;
	_ =	sdelay $0x5  }
0x376: {  	v12, _, _ =	vpop (xrf0)  }
0x377: {  	vm3 =	vle.s32 v12, v13  }
0x378: {  	vm2 =	vmand vm2, vm3  }
0x379: {  	v57 =	vsel vm2, $0x1, v1  }
0x37a: {  	(xrf0) =	vadd.scan.msk.s32 $0xffff, v57;
	_ =	sdelay $0x5  }
0x37b: {  	v12, _, _ =	vpop (xrf0)  }
0x37c: {  	vm3 =	veq.s32 v12, $0x2  }
0x37d: {  	v58 =	vadd.s32 $0x1, v14;
	vm4 =	veq.s32 v12, $0x1;
	vm3 =	vmand vm2, vm3  }
0x37e: {  	vm4 =	vmand vm2, vm4;
	v59 =	vnsel vm3, $0x0, v58  }
0x37f: {  	v12 =	vnsel vm4, $0x0, v58;
	(xrf0) =	vadd.scan.msk.s32 $0xffff, v59  }
0x380: {  	(xrf0) =	vadd.scan.msk.s32 $0xffff, v12;
	_ =	sdelay $0x4  }
0x381: {  	v60, _, _ =	vpop (xrf0)  }
0x382: {  	v61, _, _ =	vpop (xrf0);
	(v2sf) =	vpush v60, $0xF  }
0x383: {  	(v2sf) =	vpush v61, $0xF;
	_ =	sdelay $0x9  }
0x384: {  	s9 =	sadd.s32 $0x2, s9;
	s10 =	sshll.u32 s10, $0x4  }
0x385: {  	s9 =	sand.u32 $0xE, s9;
	s10 =	sand.u32 $0xFFFFFF80, s10  }
0x386: {  	s9 =	sor.u32 s9, s10  }
0x387: {  	v62 =	vadd.s32 s9, v0  }
0x388: {  	s15 =	spop (v2sf)  }
0x389: {  	s9 =	sadd.s32 $0xFFFFFFFF, s15;
	s16 =	spop (v2sf)  }
0x38a: {  	s10 =	sadd.s32 $0xFFFFFFFF, s16;
	v63 =	vmov s9  }
0x38b: {  	[tilespmem:v14+s31+$0x0] =	vst.idx.add.s32.msk vm2, v3;
	v13 =	vsel vm1, s10, v63  }
.Ltmp12:
0x38c: {  	[tilespmem:v62+s1+$0x0] =	vst.idx.msk $0x3, v13;
	(pc) =	sbr.rel .LBB2_21-.Ltmp12, $4  }
0x38d: {  	[hbm4b:s22+s2] =	stream.linear.scatter [tilespmem:s1], [sflag:$0x4], $0x1000, $0x38;
	[tilespmem:$0x5180] =	vst v63  }
0x38e: {  	_ =	swait.ge [sflag:s30], $0x1000  }
0x38f: {  	[sflag:s30] =	ssyncset.done $0x0  }
0x390: {  	[sflag:s30] =	ssyncadd.s32 $0xFFFFF000  }
.LBB2_22:
0x391: {  	_ =	sfence.sel $0x180000  }
0x392: {  	[bflag:$0x0] =	sbarrier.arrive $0xFFFF  }
0x393: {  	_ =	strace $0x90000047  }
0x394: {  	s0 =	stileid.u32;
	[bflag:$0x2] =	sbarrier.arrive $0xFFFF  }
0x395: {  	p0 =	sne.s32 s0, $0x0;
	s0 =	rddreg [dreg:$0x2]  }
0x396: {  	s0 =	sadd.s32 @!p0 $0x100000, s0  }
0x397: {  	[sflag:s0] =	ssyncadd.tile.s32 @!p0 $0x1;
	_ =	shalt  }
.Lfunc_end2:
_tile_overlayer_lowered:
.L_overlay_start_2:
0x398: {  	(tag) =	ssettag $0x2  }
0x399: {  	s0 =	rddreg [dreg:$0x0];
	s2 =	stileid.u32  }
0x39a: {  	s1 =	rddreg [dreg:$0x1];
	p0 =	sne.s32 s2, $0x0  }
0x39b: {  	s3 =	rddreg [dreg:$0x2];
	[bflag:$0x3] =	sbarrier.arrive $0xFFFF;
	s2 =	simm.s32 @!p0 $0x1C04  }
0x39c: {  	[timem:s3], [sflag:s2] =	dma.local @!p0 [hbm:s0], s1  }
0x39d: {  	s0 =	simm.s32 @!p0 $0x4  }
0x39e: {  	_ =	swait.ge @!p0 [sflag:s0], s1  }
0x39f: {  	s1 =	ssub.s32 @!p0 $0x0, s1;
	[sflag:s0] =	ssyncset.done @!p0 $0x0  }
0x3a0: {  	[sflag:s0] =	ssyncadd.s32 @!p0 s1  }
0x3a1: {  	[bflag:$0x3] =	sbarrier.arrive $0xFFFF  }
0x3a2: {  	_ =	shalt  }

</sc_bundles>
